<compile_context>
chip_gen: v7x
topology: tpu7x:2x2x1
jax: 0.10.2.dev20260603
libtpu: 0.0.44.dev20260713+nightly
codegen_flags: <defaults>
</compile_context>

<pallas_src>
import jax
import jax.numpy as jnp
from jax import lax
from jax.experimental import pallas as pl
from jax.experimental.pallas import tpu as pltpu
from jax.experimental.pallas import tpu_sc as plsc

N = 10000
E = 320000
D = 128
DE = 16
B = 512
BOT = 256
ND = 5

NC = 2
NS = 16

CH = 128
NCHUNKS = E // CH
NFULL = NCHUNKS // NS
PAIRS = NFULL // 2
NTAIL = NCHUNKS - NFULL * NS

NH = N // NC
NHP = 5040
ZR = 80
NQZ = NHP // ZR
QIZ = (NQZ + NS - 1) // NS
WR = 40
NQW = NH // WR
QIW = (NQW + NS - 1) // NS


def _sc_edge_agg_body(packed_hbm, x_hbm, ea_hbm, out_ax, out_ae,
                      src0, src1, dst0, dst1, dloc0, dloc1,
                      rows0, rows1, ea0, ea1, zrow, bnc, acc_sh,
                      sg0, sg1, ss0, ss1, si0, si1):
    cid = lax.axis_index("c")
    sid = lax.axis_index("s")
    lo = cid * NH

    SRC = (src0, src1)
    DST = (dst0, dst1)
    DLOC = (dloc0, dloc1)
    ROWS = (rows0, rows1)
    EA = (ea0, ea1)
    SG = (sg0, sg0)
    SS = (ss0, ss0)
    SI = (si0, si0)

    def zero_zrow(i, _):
        for j in range(D // 16):
            zrow[i, pl.ds(j * 16, 16)] = jnp.zeros((16,), jnp.float32)
        return 0
    lax.fori_loop(0, ZR, zero_zrow, 0)

    def zero_acc(k, _):
        q = sid + k * NS

        @pl.when(q < NQZ)
        def _():
            pltpu.sync_copy(zrow, acc_sh.at[pl.ds(q * ZR, ZR)])
        return 0

    def fill_dummy(dloc):
        for j in range(CH // 16):
            dloc[pl.ds(j * 16, 16)] = jnp.full((16,), NH, jnp.int32)

    def compute_dloc(dst, dloc):
        for j in range(CH // 16):
            d = dst[pl.ds(j * 16, 16)]
            m = (d >= lo) & (d < lo + NH)
            dloc[pl.ds(j * 16, 16)] = jnp.where(m, d - lo, NH)

    def writeout(out_hbm):
        def wo(k, _):
            q = sid + k * NS

            @pl.when(q < NQW)
            def _():
                r = q * WR
                pltpu.sync_copy(acc_sh.at[pl.ds(r, WR)], bnc)
                pltpu.sync_copy(bnc, out_hbm.at[pl.ds(lo + r, WR)])
            return 0
        lax.fori_loop(0, QIW, wo, 0)

    lax.fori_loop(0, QIZ, zero_acc, 0)
    fill_dummy(dloc0)
    fill_dummy(dloc1)
    plsc.subcore_barrier()

    pltpu.async_copy(rows0, acc_sh.at[dloc0], ss0, add=True)
    pltpu.sync_copy(packed_hbm.at[sid, 0], src0)
    pltpu.sync_copy(packed_hbm.at[sid, 1], dst0)
    pltpu.async_copy(packed_hbm.at[sid + NS, 0], src1, si0)
    pltpu.async_copy(packed_hbm.at[sid + NS, 1], dst1, si0)
    pltpu.async_copy(x_hbm.at[src0], rows0, sg0)

    def pair1(k, _):
        i0 = 2 * k
        for b in (0, 1):
            nb = 1 - b
            ii = i0 + b

            @pl.when(ii + 1 < NFULL)
            def _():
                pltpu.make_async_copy(packed_hbm.at[0, 0], SRC[nb], SI[0]).wait()
                pltpu.make_async_copy(packed_hbm.at[0, 1], DST[nb], SI[0]).wait()
                pltpu.make_async_copy(ROWS[nb], acc_sh.at[DLOC[nb]], SS[0]).wait()
                pltpu.async_copy(x_hbm.at[SRC[nb]], ROWS[nb], SG[0])
            pltpu.make_async_copy(x_hbm.at[SRC[b]], ROWS[b], SG[0]).wait()
            compute_dloc(DST[b], DLOC[b])
            pltpu.async_copy(ROWS[b], acc_sh.at[DLOC[b]], SS[0], add=True)

            @pl.when(ii + 2 < NFULL)
            def _():
                c2 = sid + (ii + 2) * NS
                pltpu.async_copy(packed_hbm.at[c2, 0], SRC[b], SI[0])
                pltpu.async_copy(packed_hbm.at[c2, 1], DST[b], SI[0])
        return 0
    lax.fori_loop(0, PAIRS, pair1, 0)

    pltpu.make_async_copy(rows0, acc_sh.at[dloc0], ss0).wait()
    pltpu.make_async_copy(rows1, acc_sh.at[dloc1], ss0).wait()

    @pl.when(sid < NTAIL)
    def _():
        c = sid + NFULL * NS
        pltpu.sync_copy(packed_hbm.at[c, 0], src0)
        pltpu.sync_copy(packed_hbm.at[c, 1], dst0)
        pltpu.async_copy(x_hbm.at[src0], rows0, sg0).wait()
        compute_dloc(dst0, dloc0)
        pltpu.sync_copy(rows0, acc_sh.at[dloc0], add=True)

    plsc.subcore_barrier()
    writeout(out_ax)
    plsc.subcore_barrier()

    lax.fori_loop(0, QIZ, zero_acc, 0)

    def zero_rows(i, _):
        for j in range(D // 16):
            rows0[i, pl.ds(j * 16, 16)] = jnp.zeros((16,), jnp.float32)
            rows1[i, pl.ds(j * 16, 16)] = jnp.zeros((16,), jnp.float32)
        return 0
    lax.fori_loop(0, CH, zero_rows, 0)
    fill_dummy(dloc0)
    fill_dummy(dloc1)
    plsc.subcore_barrier()

    pltpu.async_copy(packed_hbm.at[sid, 1], dst0, si0)
    pltpu.async_copy(ea_hbm.at[pl.ds(sid * CH, CH)], ea0, si0)
    pltpu.async_copy(packed_hbm.at[sid + NS, 1], dst1, si0)
    pltpu.async_copy(ea_hbm.at[pl.ds((sid + NS) * CH, CH)], ea1, si0)

    def pair2(k, _):
        i0 = 2 * k
        for b in (0, 1):
            ii = i0 + b
            pltpu.make_async_copy(packed_hbm.at[0, 1], DST[b], SI[b]).wait()
            pltpu.make_async_copy(ea_hbm.at[pl.ds(0, CH)], EA[b], SI[b]).wait()

            def cp(r, _):
                ROWS[b][r, pl.ds(0, DE)] = EA[b][r, pl.ds(0, DE)]
                return 0
            lax.fori_loop(0, CH, cp, 0)
            compute_dloc(DST[b], DLOC[b])

            @pl.when(ii + 2 < NFULL)
            def _():
                c2 = sid + (ii + 2) * NS
                pltpu.async_copy(packed_hbm.at[c2, 1], DST[b], SI[b])
                pltpu.async_copy(ea_hbm.at[pl.ds(c2 * CH, CH)], EA[b], SI[b])
            pltpu.sync_copy(ROWS[b], acc_sh.at[DLOC[b]], add=True)
        return 0
    lax.fori_loop(0, PAIRS, pair2, 0)

    @pl.when(sid < NTAIL)
    def _():
        c = sid + NFULL * NS
        pltpu.sync_copy(packed_hbm.at[c, 1], dst0)
        pltpu.async_copy(ea_hbm.at[pl.ds(c * CH, CH)], ea0, si0).wait()

        def cp(r, _):
            rows0[r, pl.ds(0, DE)] = ea0[r, pl.ds(0, DE)]
            return 0
        lax.fori_loop(0, CH, cp, 0)
        compute_dloc(dst0, dloc0)
        pltpu.sync_copy(rows0, acc_sh.at[dloc0], add=True)

    plsc.subcore_barrier()
    writeout(out_ae)


@jax.jit
def _sc_edge_agg(packed, x, ea):
    mesh = plsc.VectorSubcoreMesh(core_axis_name="c", subcore_axis_name="s")
    fn = pl.kernel(
        _sc_edge_agg_body,
        out_type=[
            jax.ShapeDtypeStruct((N, D), jnp.float32),
            jax.ShapeDtypeStruct((N, D), jnp.float32),
        ],
        mesh=mesh,
        scratch_types=[
            pltpu.VMEM((CH,), jnp.int32),
            pltpu.VMEM((CH,), jnp.int32),
            pltpu.VMEM((CH,), jnp.int32),
            pltpu.VMEM((CH,), jnp.int32),
            pltpu.VMEM((CH,), jnp.int32),
            pltpu.VMEM((CH,), jnp.int32),
            pltpu.VMEM((CH, D), jnp.float32),
            pltpu.VMEM((CH, D), jnp.float32),
            pltpu.VMEM((CH, DE), jnp.float32),
            pltpu.VMEM((CH, DE), jnp.float32),
            pltpu.VMEM((ZR, D), jnp.float32),
            pltpu.VMEM((WR, D), jnp.float32),
            pltpu.VMEM_SHARED((NHP, D), jnp.float32),
            pltpu.SemaphoreType.DMA,
            pltpu.SemaphoreType.DMA,
            pltpu.SemaphoreType.DMA,
            pltpu.SemaphoreType.DMA,
            pltpu.SemaphoreType.DMA,
            pltpu.SemaphoreType.DMA,
        ],
    )
    return fn(packed, x, ea)


TN = 1000
GRID = N // TN


def _tc_dense_body(x_ref, ax_ref, ae_ref, bf_ref,
                   Wself_ref, Wnbr_ref, Wedge_ref, benc_ref,
                   We1_ref, be1_ref, We2_ref, be2_ref,
                   Wc1_ref, bc1_ref, Wc2_ref, bc2_ref,
                   Wv1_ref, bv1_ref, Wv2_ref, bv2_ref,
                   Whc_ref, bhc_ref, Whe_ref, bhe_ref,
                   mask_ref, predc_ref, prede_ref,
                   Gc, Gh, Cn):
    i = pl.program_id(0)

    @pl.when(i == 0)
    def _():
        Gc[...] = jnp.zeros_like(Gc)
        Gh[...] = jnp.zeros_like(Gh)
        Cn[...] = jnp.zeros_like(Cn)

    h = (x_ref[...] @ Wself_ref[...] + ax_ref[...] @ Wnbr_ref[...]
         + ae_ref[...] @ Wedge_ref[...])
    h = jnp.maximum(h + benc_ref[...], 0.0)

    m1 = jnp.maximum(h @ We1_ref[...] + be1_ref[...], 0.0)
    logits = m1 @ We2_ref[...] + be2_ref[0, 0]
    mask = 1.0 / (1.0 + jnp.exp(-logits))
    mask_ref[...] = mask
    hc = h * mask

    bf = bf_ref[...]
    cols = lax.broadcasted_iota(jnp.int32, (TN, B), 1).astype(jnp.float32)
    P = jnp.where(bf == cols, 1.0, 0.0)

    dims = (((0,), (0,)), ((), ()))
    Gc[...] += lax.dot_general(P, hc, dims, preferred_element_type=jnp.float32)
    Gh[...] += lax.dot_general(P, h, dims, preferred_element_type=jnp.float32)
    Cn[...] += lax.dot_general(P, jnp.ones((TN, D), jnp.float32), dims,
                               preferred_element_type=jnp.float32)

    @pl.when(i == GRID - 1)
    def _():
        cnt = jnp.maximum(Cn[...], 1.0)
        hgc = Gc[...] / cnt
        hge = (Gh[...] - Gc[...]) / cnt
        t = jnp.maximum(hgc @ Wc1_ref[...] + bc1_ref[...], 0.0)
        hsc = jnp.maximum(t @ Wc2_ref[...] + bc2_ref[...], 0.0)
        t = jnp.maximum(hge @ Wv1_ref[...] + bv1_ref[...], 0.0)
        hse = jnp.maximum(t @ Wv2_ref[...] + bv2_ref[...], 0.0)
        predc_ref[...] = hsc @ Whc_ref[...] + bhc_ref[...]
        prede_ref[...] = hse @ Whe_ref[...] + bhe_ref[...]


def _full(shape):
    return pl.BlockSpec(shape, lambda i: (0,) * len(shape))


@jax.jit
def _tc_dense(x, ax, ae, batch_f,
              W_self, W_nbr, W_edge, b_enc,
              We1, be1, We2, be2,
              Wc1, bc1, Wc2, bc2,
              Wv1, bv1, Wv2, bv2,
              Whc_p, bhc_p, Whe_p, bhe_p):
    return pl.pallas_call(
        _tc_dense_body,
        grid=(GRID,),
        in_specs=[
            pl.BlockSpec((TN, D), lambda i: (i, 0)),
            pl.BlockSpec((TN, D), lambda i: (i, 0)),
            pl.BlockSpec((TN, D), lambda i: (i, 0)),
            pl.BlockSpec((TN, 1), lambda i: (i, 0)),
            _full((D, D)), _full((D, D)), _full((D, D)), _full((1, D)),
            _full((D, D // 2)), _full((1, D // 2)), _full((D // 2, 1)),
            _full((1, 1)),
            _full((D, D)), _full((1, D)), _full((D, BOT)), _full((1, BOT)),
            _full((D, D)), _full((1, D)), _full((D, BOT)), _full((1, BOT)),
            _full((BOT, D)), _full((1, D)), _full((BOT, D)), _full((1, D)),
        ],
        out_specs=[
            pl.BlockSpec((TN, 1), lambda i: (i, 0)),
            pl.BlockSpec((B, D), lambda i: (0, 0)),
            pl.BlockSpec((B, D), lambda i: (0, 0)),
        ],
        out_shape=[
            jax.ShapeDtypeStruct((N, 1), jnp.float32),
            jax.ShapeDtypeStruct((B, D), jnp.float32),
            jax.ShapeDtypeStruct((B, D), jnp.float32),
        ],
        scratch_shapes=[
            pltpu.VMEM((B, D), jnp.float32),
            pltpu.VMEM((B, D), jnp.float32),
            pltpu.VMEM((B, D), jnp.float32),
        ],
    )(x, ax, ae, batch_f,
      W_self, W_nbr, W_edge, b_enc,
      We1, be1, We2, be2,
      Wc1, bc1, Wc2, bc2,
      Wv1, bv1, Wv2, bv2,
      Whc_p, bhc_p, Whe_p, bhe_p)


def kernel(x, edge_index, edge_attr, batch,
           W_self, W_nbr, W_edge, b_enc,
           We1, be1, We2, be2,
           Wc1, bc1, Wc2, bc2,
           Wv1, bv1, Wv2, bv2,
           Whc, bhc, Whe, bhe):
    src = edge_index[0].astype(jnp.int32)
    dst = edge_index[1].astype(jnp.int32)
    packed = jnp.stack(
        [src.reshape(NCHUNKS, CH), dst.reshape(NCHUNKS, CH)], axis=1)

    ax, ae = _sc_edge_agg(packed, x, edge_attr)
    W_edge_p = jnp.pad(W_edge, ((0, D - DE), (0, 0)))

    batch_f = batch.astype(jnp.float32).reshape(N, 1)
    pad = lambda w: jnp.pad(w, ((0, 0), (0, D - w.shape[1])))
    Whc_p = pad(Whc)
    Whe_p = pad(Whe)
    bhc_p = jnp.pad(bhc, (0, D - ND)).reshape(1, D)
    bhe_p = jnp.pad(bhe, (0, D - ND)).reshape(1, D)

    mask, predc_full, prede_full = _tc_dense(
        x, ax, ae, batch_f,
        W_self, W_nbr, W_edge_p, b_enc.reshape(1, D),
        We1, be1.reshape(1, D // 2), We2, be2.reshape(1, 1),
        Wc1, bc1.reshape(1, D), Wc2, bc2.reshape(1, BOT),
        Wv1, bv1.reshape(1, D), Wv2, bv2.reshape(1, BOT),
        Whc_p, bhc_p, Whe_p, bhe_p)

    return (predc_full[:, :ND], prede_full[:, :ND], mask)

# --- scband reference (transcript-rebuilt; emitter-appended) ---
"""Pipeline reference for scband-causal-mol-embedder-19851338842514 (READ-ONLY COPY).

The authoritative reference and input builder live on the scoring server;
editing this copy changes nothing except your own understanding.
"""

import jax, jax.numpy as jnp
import numpy as np

N = 10000
E = 320000
D = 128
DE = 16
B = 512
BOT = 256
ND = 5

def setup_inputs(seed: int = 0) -> dict:
    key = jax.random.key(seed)
    ks = jax.random.split(key, 26)
    s = 0.05
    inp = {
        'x': jax.random.normal(ks[0], (N, D), jnp.float32),
        'edge_index': jax.random.randint(ks[1], (2, E), 0, N),
        'edge_attr': jax.random.normal(ks[2], (E, DE), jnp.float32),
        'batch': jnp.sort(jax.random.randint(ks[3], (N,), 0, B)),
        # backbone (simple message-passing encoder) params
        'W_self': jax.random.normal(ks[4], (D, D), jnp.float32) * s,
        'W_nbr':  jax.random.normal(ks[5], (D, D), jnp.float32) * s,
        'W_edge': jax.random.normal(ks[6], (DE, D), jnp.float32) * s,
        'b_enc':  jnp.zeros((D,), jnp.float32),
        # extractor: Linear(D, D//2) -> ReLU -> Linear(D//2, 1)
        'We1': jax.random.normal(ks[7], (D, D // 2), jnp.float32) * s,
        'be1': jnp.zeros((D // 2,), jnp.float32),
        'We2': jax.random.normal(ks[8], (D // 2, 1), jnp.float32) * s,
        'be2': jnp.zeros((1,), jnp.float32),
        # causal bottleneck
        'Wc1': jax.random.normal(ks[9], (D, D), jnp.float32) * s,
        'bc1': jnp.zeros((D,), jnp.float32),
        'Wc2': jax.random.normal(ks[10], (D, BOT), jnp.float32) * s,
        'bc2': jnp.zeros((BOT,), jnp.float32),
        # env bottleneck
        'Wv1': jax.random.normal(ks[11], (D, D), jnp.float32) * s,
        'bv1': jnp.zeros((D,), jnp.float32),
        'Wv2': jax.random.normal(ks[12], (D, BOT), jnp.float32) * s,
        'bv2': jnp.zeros((BOT,), jnp.float32),
        # heads
        'Whc': jax.random.normal(ks[13], (BOT, ND), jnp.float32) * s,
        'bhc': jnp.zeros((ND,), jnp.float32),
        'Whe': jax.random.normal(ks[14], (BOT, ND), jnp.float32) * s,
        'bhe': jnp.zeros((ND,), jnp.float32),
    }
    return inp

def reference(x, edge_index, edge_attr, batch,
              W_self, W_nbr, W_edge, b_enc,
              We1, be1, We2, be2,
              Wc1, bc1, Wc2, bc2,
              Wv1, bv1, Wv2, bv2,
              Whc, bhc, Whe, bhe):
    src = edge_index[0]
    dst = edge_index[1]
    # backbone.encode: message passing with edge features (gather + scatter-add)
    msg = jnp.take(x, src, axis=0) @ W_nbr + edge_attr @ W_edge
    agg = jax.ops.segment_sum(msg, dst, num_segments=N)
    h_node = jax.nn.relu(x @ W_self + agg + b_enc)
    # causal subgraph extractor
    mask_logits = jax.nn.relu(h_node @ We1 + be1) @ We2 + be2
    mask = jax.nn.sigmoid(mask_logits)
    h_node_c = h_node * mask
    h_node_e = h_node * (1.0 - mask)
    # global mean pool per graph (segment mean)
    cnt = jax.ops.segment_sum(jnp.ones((N, 1), jnp.float32), batch, num_segments=B)
    cnt = jnp.maximum(cnt, 1.0)
    h_graph_c = jax.ops.segment_sum(h_node_c, batch, num_segments=B) / cnt
    h_graph_e = jax.ops.segment_sum(h_node_e, batch, num_segments=B) / cnt
    # bottlenecks (dropout=0.0 -> identity in eval)
    h_shared_c = jax.nn.relu(jax.nn.relu(h_graph_c @ Wc1 + bc1) @ Wc2 + bc2)
    h_shared_e = jax.nn.relu(jax.nn.relu(h_graph_e @ Wv1 + bv1) @ Wv2 + bv2)
    pred_c = h_shared_c @ Whc + bhc
    pred_e = h_shared_e @ Whe + bhe
    return (pred_c, pred_e, mask)

if __name__ == "__main__":
    import jax
    _d = setup_inputs()
    print(jax.jit(kernel)(*tuple(_d.values())))

</pallas_src>

<mosaic_0001>
#map = affine_map<(d0, d1) -> (0, 0, 0)>
#map1 = affine_map<(d0, d1) -> (0, 0)>
module attributes {stable_mosaic.version = 14 : i64} {
  func.func @_sc_edge_agg_body(%arg0: i32, %arg1: i32, %arg2: memref<2500x2x128xi32, #tpu.memory_space<hbm>>, %arg3: memref<10000x128xf32, #tpu.memory_space<hbm>>, %arg4: memref<320000x16xf32, #tpu.memory_space<hbm>>, %arg5: memref<10000x128xf32, #tpu.memory_space<hbm>>, %arg6: memref<10000x128xf32, #tpu.memory_space<hbm>>, %arg7: memref<128xi32, #tpu.memory_space<vmem>>, %arg8: memref<128xi32, #tpu.memory_space<vmem>>, %arg9: memref<128xi32, #tpu.memory_space<vmem>>, %arg10: memref<128xi32, #tpu.memory_space<vmem>>, %arg11: memref<128xi32, #tpu.memory_space<vmem>>, %arg12: memref<128xi32, #tpu.memory_space<vmem>>, %arg13: memref<128x128xf32, #tpu.memory_space<vmem>>, %arg14: memref<128x128xf32, #tpu.memory_space<vmem>>, %arg15: memref<128x16xf32, #tpu.memory_space<vmem>>, %arg16: memref<128x16xf32, #tpu.memory_space<vmem>>, %arg17: memref<80x128xf32, #tpu.memory_space<vmem>>, %arg18: memref<40x128xf32, #tpu.memory_space<vmem>>, %arg19: memref<5040x128xf32, #tpu.memory_space<vmem_shared>>, %arg20: memref<!tpu.dma_semaphore, #tpu.memory_space<semaphore_mem>>, %arg21: memref<!tpu.dma_semaphore, #tpu.memory_space<semaphore_mem>>, %arg22: memref<!tpu.dma_semaphore, #tpu.memory_space<semaphore_mem>>, %arg23: memref<!tpu.dma_semaphore, #tpu.memory_space<semaphore_mem>>, %arg24: memref<!tpu.dma_semaphore, #tpu.memory_space<semaphore_mem>>, %arg25: memref<!tpu.dma_semaphore, #tpu.memory_space<semaphore_mem>>) attributes {dimension_semantics = [#tpu.dimension_semantics<core_parallel>, #tpu.dimension_semantics<subcore_parallel>], iteration_bounds = array<i64: 2, 16>, scalar_prefetch = 0 : i64, scratch_operands = 19 : i64, tpu.core_type = #tpu.core_type<sc_vector_subcore>, window_params = [{transform_indices = #map}, {transform_indices = #map1}, {transform_indices = #map1}, {transform_indices = #map1}, {transform_indices = #map1}]} {
    %mul3A = arith.constant 5000 : i32
    %mul3A_0 = arith.muli %arg0, %mul3A : i32
    %scan3A = arith.constant 0 : i32
    %scan3A_1 = arith.constant 0 : i32
    %scan3A_2 = arith.constant 80 : i32
    %scan3A_3 = arith.addi %scan3A_1, %scan3A_2 : i32
    %scan3A_4 = arith.constant 1 : i32
    %scan3A_5 = scf.for %scan3A_315 = %scan3A_1 to %scan3A_3 step %scan3A_4 iter_args(%scan3A_316 = %scan3A) -> (i32)  : i32 {
      %broadcast_in_dim3A_317 = arith.constant 0.000000e+00 : f32
      %broadcast_in_dim3A_318 = vector.broadcast %broadcast_in_dim3A_317 : f32 to vector<16xf32>
      %swap3A_319 = arith.index_cast %scan3A_315 : i32 to index
      %swap3A_320 = arith.constant 0 : index
      %swap3A_321 = tpu.vector_load %arg17[%swap3A_319, %swap3A_320] {strides = array<i32>} : memref<80x128xf32, #tpu.memory_space<vmem>>, vector<1x16xf32>,
      %swap3A_322 = vector.shape_cast %swap3A_321 : vector<1x16xf32> to vector<16xf32>
      %swap3A_323 = vector.shape_cast %broadcast_in_dim3A_318 : vector<16xf32> to vector<1x16xf32>
      tpu.vector_store %arg17[%swap3A_319, %swap3A_320], %swap3A_323 {strides = array<i32>} : memref<80x128xf32, #tpu.memory_space<vmem>>, vector<1x16xf32>,
      %broadcast_in_dim3A_324 = arith.constant 0.000000e+00 : f32
      %broadcast_in_dim3A_325 = vector.broadcast %broadcast_in_dim3A_324 : f32 to vector<16xf32>
      %swap3A_326 = arith.index_cast %scan3A_315 : i32 to index
      %swap3A_327 = arith.constant 16 : index
      %swap3A_328 = tpu.vector_load %arg17[%swap3A_326, %swap3A_327] {strides = array<i32>} : memref<80x128xf32, #tpu.memory_space<vmem>>, vector<1x16xf32>,
      %swap3A_329 = vector.shape_cast %swap3A_328 : vector<1x16xf32> to vector<16xf32>
      %swap3A_330 = vector.shape_cast %broadcast_in_dim3A_325 : vector<16xf32> to vector<1x16xf32>
      tpu.vector_store %arg17[%swap3A_326, %swap3A_327], %swap3A_330 {strides = array<i32>} : memref<80x128xf32, #tpu.memory_space<vmem>>, vector<1x16xf32>,
      %broadcast_in_dim3A_331 = arith.constant 0.000000e+00 : f32
      %broadcast_in_dim3A_332 = vector.broadcast %broadcast_in_dim3A_331 : f32 to vector<16xf32>
      %swap3A_333 = arith.index_cast %scan3A_315 : i32 to index
      %swap3A_334 = arith.constant 32 : index
      %swap3A_335 = tpu.vector_load %arg17[%swap3A_333, %swap3A_334] {strides = array<i32>} : memref<80x128xf32, #tpu.memory_space<vmem>>, vector<1x16xf32>,
      %swap3A_336 = vector.shape_cast %swap3A_335 : vector<1x16xf32> to vector<16xf32>
      %swap3A_337 = vector.shape_cast %broadcast_in_dim3A_332 : vector<16xf32> to vector<1x16xf32>
      tpu.vector_store %arg17[%swap3A_333, %swap3A_334], %swap3A_337 {strides = array<i32>} : memref<80x128xf32, #tpu.memory_space<vmem>>, vector<1x16xf32>,
      %broadcast_in_dim3A_338 = arith.constant 0.000000e+00 : f32
      %broadcast_in_dim3A_339 = vector.broadcast %broadcast_in_dim3A_338 : f32 to vector<16xf32>
      %swap3A_340 = arith.index_cast %scan3A_315 : i32 to index
      %swap3A_341 = arith.constant 48 : index
      %swap3A_342 = tpu.vector_load %arg17[%swap3A_340, %swap3A_341] {strides = array<i32>} : memref<80x128xf32, #tpu.memory_space<vmem>>, vector<1x16xf32>,
      %swap3A_343 = vector.shape_cast %swap3A_342 : vector<1x16xf32> to vector<16xf32>
      %swap3A_344 = vector.shape_cast %broadcast_in_dim3A_339 : vector<16xf32> to vector<1x16xf32>
      tpu.vector_store %arg17[%swap3A_340, %swap3A_341], %swap3A_344 {strides = array<i32>} : memref<80x128xf32, #tpu.memory_space<vmem>>, vector<1x16xf32>,
      %broadcast_in_dim3A_345 = arith.constant 0.000000e+00 : f32
      %broadcast_in_dim3A_346 = vector.broadcast %broadcast_in_dim3A_345 : f32 to vector<16xf32>
      %swap3A_347 = arith.index_cast %scan3A_315 : i32 to index
      %swap3A_348 = arith.constant 64 : index
      %swap3A_349 = tpu.vector_load %arg17[%swap3A_347, %swap3A_348] {strides = array<i32>} : memref<80x128xf32, #tpu.memory_space<vmem>>, vector<1x16xf32>,
      %swap3A_350 = vector.shape_cast %swap3A_349 : vector<1x16xf32> to vector<16xf32>
      %swap3A_351 = vector.shape_cast %broadcast_in_dim3A_346 : vector<16xf32> to vector<1x16xf32>
      tpu.vector_store %arg17[%swap3A_347, %swap3A_348], %swap3A_351 {strides = array<i32>} : memref<80x128xf32, #tpu.memory_space<vmem>>, vector<1x16xf32>,
      %broadcast_in_dim3A_352 = arith.constant 0.000000e+00 : f32
      %broadcast_in_dim3A_353 = vector.broadcast %broadcast_in_dim3A_352 : f32 to vector<16xf32>
      %swap3A_354 = arith.index_cast %scan3A_315 : i32 to index
      %swap3A_355 = arith.constant 80 : index
      %swap3A_356 = tpu.vector_load %arg17[%swap3A_354, %swap3A_355] {strides = array<i32>} : memref<80x128xf32, #tpu.memory_space<vmem>>, vector<1x16xf32>,
      %swap3A_357 = vector.shape_cast %swap3A_356 : vector<1x16xf32> to vector<16xf32>
      %swap3A_358 = vector.shape_cast %broadcast_in_dim3A_353 : vector<16xf32> to vector<1x16xf32>
      tpu.vector_store %arg17[%swap3A_354, %swap3A_355], %swap3A_358 {strides = array<i32>} : memref<80x128xf32, #tpu.memory_space<vmem>>, vector<1x16xf32>,
      %broadcast_in_dim3A_359 = arith.constant 0.000000e+00 : f32
      %broadcast_in_dim3A_360 = vector.broadcast %broadcast_in_dim3A_359 : f32 to vector<16xf32>
      %swap3A_361 = arith.index_cast %scan3A_315 : i32 to index
      %swap3A_362 = arith.constant 96 : index
      %swap3A_363 = tpu.vector_load %arg17[%swap3A_361, %swap3A_362] {strides = array<i32>} : memref<80x128xf32, #tpu.memory_space<vmem>>, vector<1x16xf32>,
      %swap3A_364 = vector.shape_cast %swap3A_363 : vector<1x16xf32> to vector<16xf32>
      %swap3A_365 = vector.shape_cast %broadcast_in_dim3A_360 : vector<16xf32> to vector<1x16xf32>
      tpu.vector_store %arg17[%swap3A_361, %swap3A_362], %swap3A_365 {strides = array<i32>} : memref<80x128xf32, #tpu.memory_space<vmem>>, vector<1x16xf32>,
      %broadcast_in_dim3A_366 = arith.constant 0.000000e+00 : f32
      %broadcast_in_dim3A_367 = vector.broadcast %broadcast_in_dim3A_366 : f32 to vector<16xf32>
      %swap3A_368 = arith.index_cast %scan3A_315 : i32 to index
      %swap3A_369 = arith.constant 112 : index
      %swap3A_370 = tpu.vector_load %arg17[%swap3A_368, %swap3A_369] {strides = array<i32>} : memref<80x128xf32, #tpu.memory_space<vmem>>, vector<1x16xf32>,
      %swap3A_371 = vector.shape_cast %swap3A_370 : vector<1x16xf32> to vector<16xf32>
      %swap3A_372 = vector.shape_cast %broadcast_in_dim3A_367 : vector<16xf32> to vector<1x16xf32>
      tpu.vector_store %arg17[%swap3A_368, %swap3A_369], %swap3A_372 {strides = array<i32>} : memref<80x128xf32, #tpu.memory_space<vmem>>, vector<1x16xf32>,
      %scan3A_373 = arith.constant 0 : i32
      scf.yield %scan3A_373 : i32
    }
    %scan3A_6 = arith.constant 80 : i32
    %scan3A_7 = arith.constant 0 : i32
    %scan3A_8 = arith.constant 0 : i32
    %scan3A_9 = arith.constant 4 : i32
    %scan3A_10 = arith.addi %scan3A_8, %scan3A_9 : i32
    %scan3A_11 = arith.constant 1 : i32
    %scan3A_12 = scf.for %scan3A_315 = %scan3A_8 to %scan3A_10 step %scan3A_11 iter_args(%scan3A_316 = %scan3A_7) -> (i32)  : i32 {
      %mul3A_317 = arith.constant 16 : i32
      %mul3A_318 = arith.muli %scan3A_315, %mul3A_317 : i32
      %add3A_319 = arith.addi %arg1, %mul3A_318 : i32
      %lt3A_320 = arith.constant 63 : i32
      %lt3A_321 = arith.cmpi slt, %add3A_319, %lt3A_320 : i32
      %convert_element_type3A_322 = arith.extui %lt3A_321 : i1 to i32
      %cond3A_323 = arith.constant 0 : i32
      %cond3A_324 = arith.cmpi ne, %convert_element_type3A_322, %cond3A_323 : i32
      scf.if %cond3A_324 {
        %mul3A_326 = arith.constant 80 : i32
        %mul3A_327 = arith.muli %add3A_319, %mul3A_326 : i32
        "tpu.region"() ({
          %run_scoped3A_328 = tpu.sem_alloc : memref<!tpu.dma_semaphore, #tpu.memory_space<semaphore_mem>>
          %dma_start3A_329 = arith.constant 0 : i32
          %dma_start3A_330 = tpu.memref_slice %arg19[%mul3A_327, %dma_start3A_329] : memref<5040x128xf32, #tpu.memory_space<vmem_shared>> -> memref<80x128xf32, #tpu.memory_space<vmem_shared>>
          %dma_start3A_331 = arith.constant 0 : i32
          %dma_start3A_332 = tpu.memref_slice %arg19[%mul3A_327, %dma_start3A_331] : memref<5040x128xf32, #tpu.memory_space<vmem_shared>> -> memref<80x128xf32, #tpu.memory_space<vmem_shared>>
          tpu.enqueue_dma source(%arg17 : memref<80x128xf32, #tpu.memory_space<vmem>>) target(%dma_start3A_332 : memref<80x128xf32, #tpu.memory_space<vmem_shared>>) target_semaphore(%run_scoped3A_328 : memref<!tpu.dma_semaphore, #tpu.memory_space<semaphore_mem>>)
          %dma_wait3A_333 = arith.constant 0 : i32
          %dma_wait3A_334 = tpu.memref_slice %arg19[%mul3A_327, %dma_wait3A_333] : memref<5040x128xf32, #tpu.memory_space<vmem_shared>> -> memref<80x128xf32, #tpu.memory_space<vmem_shared>>
          %dma_wait3A_335 = arith.constant 0 : i32
          %dma_wait3A_336 = tpu.memref_slice %arg19[%mul3A_327, %dma_wait3A_335] : memref<5040x128xf32, #tpu.memory_space<vmem_shared>> -> memref<80x128xf32, #tpu.memory_space<vmem_shared>>
          tpu.wait_dma2 semaphore(%run_scoped3A_328 : memref<!tpu.dma_semaphore, #tpu.memory_space<semaphore_mem>>) src(%arg17 : memref<80x128xf32, #tpu.memory_space<vmem>>) dst(%dma_wait3A_336 : memref<80x128xf32, #tpu.memory_space<vmem_shared>>)
          tpu.yield
        }) : () -> ()
      } else {
      }
      %scan3A_325 = arith.constant 0 : i32
      scf.yield %scan3A_325 : i32
    }
    %scan3A_13 = arith.constant 4 : i32
    %broadcast_in_dim3A = arith.constant 5000 : i32
    %broadcast_in_dim3A_14 = vector.broadcast %broadcast_in_dim3A : i32 to vector<16xi32>
    %swap3A = arith.constant 0 : index
    %swap3A_15 = tpu.vector_load %arg11[%swap3A] {strides = array<i32>} : memref<128xi32, #tpu.memory_space<vmem>>, vector<16xi32>,
    %swap3A_16 = vector.shape_cast %swap3A_15 : vector<16xi32> to vector<16xi32>
    %swap3A_17 = vector.shape_cast %broadcast_in_dim3A_14 : vector<16xi32> to vector<16xi32>
    tpu.vector_store %arg11[%swap3A], %swap3A_17 {strides = array<i32>} : memref<128xi32, #tpu.memory_space<vmem>>, vector<16xi32>,
    %broadcast_in_dim3A_18 = arith.constant 5000 : i32
    %broadcast_in_dim3A_19 = vector.broadcast %broadcast_in_dim3A_18 : i32 to vector<16xi32>
    %swap3A_20 = arith.constant 16 : index
    %swap3A_21 = tpu.vector_load %arg11[%swap3A_20] {strides = array<i32>} : memref<128xi32, #tpu.memory_space<vmem>>, vector<16xi32>,
    %swap3A_22 = vector.shape_cast %swap3A_21 : vector<16xi32> to vector<16xi32>
    %swap3A_23 = vector.shape_cast %broadcast_in_dim3A_19 : vector<16xi32> to vector<16xi32>
    tpu.vector_store %arg11[%swap3A_20], %swap3A_23 {strides = array<i32>} : memref<128xi32, #tpu.memory_space<vmem>>, vector<16xi32>,
    %broadcast_in_dim3A_24 = arith.constant 5000 : i32
    %broadcast_in_dim3A_25 = vector.broadcast %broadcast_in_dim3A_24 : i32 to vector<16xi32>
    %swap3A_26 = arith.constant 32 : index
    %swap3A_27 = tpu.vector_load %arg11[%swap3A_26] {strides = array<i32>} : memref<128xi32, #tpu.memory_space<vmem>>, vector<16xi32>,
    %swap3A_28 = vector.shape_cast %swap3A_27 : vector<16xi32> to vector<16xi32>
    %swap3A_29 = vector.shape_cast %broadcast_in_dim3A_25 : vector<16xi32> to vector<16xi32>
    tpu.vector_store %arg11[%swap3A_26], %swap3A_29 {strides = array<i32>} : memref<128xi32, #tpu.memory_space<vmem>>, vector<16xi32>,
    %broadcast_in_dim3A_30 = arith.constant 5000 : i32
    %broadcast_in_dim3A_31 = vector.broadcast %broadcast_in_dim3A_30 : i32 to vector<16xi32>
    %swap3A_32 = arith.constant 48 : index
    %swap3A_33 = tpu.vector_load %arg11[%swap3A_32] {strides = array<i32>} : memref<128xi32, #tpu.memory_space<vmem>>, vector<16xi32>,
    %swap3A_34 = vector.shape_cast %swap3A_33 : vector<16xi32> to vector<16xi32>
    %swap3A_35 = vector.shape_cast %broadcast_in_dim3A_31 : vector<16xi32> to vector<16xi32>
    tpu.vector_store %arg11[%swap3A_32], %swap3A_35 {strides = array<i32>} : memref<128xi32, #tpu.memory_space<vmem>>, vector<16xi32>,
    %broadcast_in_dim3A_36 = arith.constant 5000 : i32
    %broadcast_in_dim3A_37 = vector.broadcast %broadcast_in_dim3A_36 : i32 to vector<16xi32>
    %swap3A_38 = arith.constant 64 : index
    %swap3A_39 = tpu.vector_load %arg11[%swap3A_38] {strides = array<i32>} : memref<128xi32, #tpu.memory_space<vmem>>, vector<16xi32>,
    %swap3A_40 = vector.shape_cast %swap3A_39 : vector<16xi32> to vector<16xi32>
    %swap3A_41 = vector.shape_cast %broadcast_in_dim3A_37 : vector<16xi32> to vector<16xi32>
    tpu.vector_store %arg11[%swap3A_38], %swap3A_41 {strides = array<i32>} : memref<128xi32, #tpu.memory_space<vmem>>, vector<16xi32>,
    %broadcast_in_dim3A_42 = arith.constant 5000 : i32
    %broadcast_in_dim3A_43 = vector.broadcast %broadcast_in_dim3A_42 : i32 to vector<16xi32>
    %swap3A_44 = arith.constant 80 : index
    %swap3A_45 = tpu.vector_load %arg11[%swap3A_44] {strides = array<i32>} : memref<128xi32, #tpu.memory_space<vmem>>, vector<16xi32>,
    %swap3A_46 = vector.shape_cast %swap3A_45 : vector<16xi32> to vector<16xi32>
    %swap3A_47 = vector.shape_cast %broadcast_in_dim3A_43 : vector<16xi32> to vector<16xi32>
    tpu.vector_store %arg11[%swap3A_44], %swap3A_47 {strides = array<i32>} : memref<128xi32, #tpu.memory_space<vmem>>, vector<16xi32>,
    %broadcast_in_dim3A_48 = arith.constant 5000 : i32
    %broadcast_in_dim3A_49 = vector.broadcast %broadcast_in_dim3A_48 : i32 to vector<16xi32>
    %swap3A_50 = arith.constant 96 : index
    %swap3A_51 = tpu.vector_load %arg11[%swap3A_50] {strides = array<i32>} : memref<128xi32, #tpu.memory_space<vmem>>, vector<16xi32>,
    %swap3A_52 = vector.shape_cast %swap3A_51 : vector<16xi32> to vector<16xi32>
    %swap3A_53 = vector.shape_cast %broadcast_in_dim3A_49 : vector<16xi32> to vector<16xi32>
    tpu.vector_store %arg11[%swap3A_50], %swap3A_53 {strides = array<i32>} : memref<128xi32, #tpu.memory_space<vmem>>, vector<16xi32>,
    %broadcast_in_dim3A_54 = arith.constant 5000 : i32
    %broadcast_in_dim3A_55 = vector.broadcast %broadcast_in_dim3A_54 : i32 to vector<16xi32>
    %swap3A_56 = arith.constant 112 : index
    %swap3A_57 = tpu.vector_load %arg11[%swap3A_56] {strides = array<i32>} : memref<128xi32, #tpu.memory_space<vmem>>, vector<16xi32>,
    %swap3A_58 = vector.shape_cast %swap3A_57 : vector<16xi32> to vector<16xi32>
    %swap3A_59 = vector.shape_cast %broadcast_in_dim3A_55 : vector<16xi32> to vector<16xi32>
    tpu.vector_store %arg11[%swap3A_56], %swap3A_59 {strides = array<i32>} : memref<128xi32, #tpu.memory_space<vmem>>, vector<16xi32>,
    %broadcast_in_dim3A_60 = arith.constant 5000 : i32
    %broadcast_in_dim3A_61 = vector.broadcast %broadcast_in_dim3A_60 : i32 to vector<16xi32>
    %swap3A_62 = arith.constant 0 : index
    %swap3A_63 = tpu.vector_load %arg12[%swap3A_62] {strides = array<i32>} : memref<128xi32, #tpu.memory_space<vmem>>, vector<16xi32>,
    %swap3A_64 = vector.shape_cast %swap3A_63 : vector<16xi32> to vector<16xi32>
    %swap3A_65 = vector.shape_cast %broadcast_in_dim3A_61 : vector<16xi32> to vector<16xi32>
    tpu.vector_store %arg12[%swap3A_62], %swap3A_65 {strides = array<i32>} : memref<128xi32, #tpu.memory_space<vmem>>, vector<16xi32>,
    %broadcast_in_dim3A_66 = arith.constant 5000 : i32
    %broadcast_in_dim3A_67 = vector.broadcast %broadcast_in_dim3A_66 : i32 to vector<16xi32>
    %swap3A_68 = arith.constant 16 : index
    %swap3A_69 = tpu.vector_load %arg12[%swap3A_68] {strides = array<i32>} : memref<128xi32, #tpu.memory_space<vmem>>, vector<16xi32>,
    %swap3A_70 = vector.shape_cast %swap3A_69 : vector<16xi32> to vector<16xi32>
    %swap3A_71 = vector.shape_cast %broadcast_in_dim3A_67 : vector<16xi32> to vector<16xi32>
    tpu.vector_store %arg12[%swap3A_68], %swap3A_71 {strides = array<i32>} : memref<128xi32, #tpu.memory_space<vmem>>, vector<16xi32>,
    %broadcast_in_dim3A_72 = arith.constant 5000 : i32
    %broadcast_in_dim3A_73 = vector.broadcast %broadcast_in_dim3A_72 : i32 to vector<16xi32>
    %swap3A_74 = arith.constant 32 : index
    %swap3A_75 = tpu.vector_load %arg12[%swap3A_74] {strides = array<i32>} : memref<128xi32, #tpu.memory_space<vmem>>, vector<16xi32>,
    %swap3A_76 = vector.shape_cast %swap3A_75 : vector<16xi32> to vector<16xi32>
    %swap3A_77 = vector.shape_cast %broadcast_in_dim3A_73 : vector<16xi32> to vector<16xi32>
    tpu.vector_store %arg12[%swap3A_74], %swap3A_77 {strides = array<i32>} : memref<128xi32, #tpu.memory_space<vmem>>, vector<16xi32>,
    %broadcast_in_dim3A_78 = arith.constant 5000 : i32
    %broadcast_in_dim3A_79 = vector.broadcast %broadcast_in_dim3A_78 : i32 to vector<16xi32>
    %swap3A_80 = arith.constant 48 : index
    %swap3A_81 = tpu.vector_load %arg12[%swap3A_80] {strides = array<i32>} : memref<128xi32, #tpu.memory_space<vmem>>, vector<16xi32>,
    %swap3A_82 = vector.shape_cast %swap3A_81 : vector<16xi32> to vector<16xi32>
    %swap3A_83 = vector.shape_cast %broadcast_in_dim3A_79 : vector<16xi32> to vector<16xi32>
    tpu.vector_store %arg12[%swap3A_80], %swap3A_83 {strides = array<i32>} : memref<128xi32, #tpu.memory_space<vmem>>, vector<16xi32>,
    %broadcast_in_dim3A_84 = arith.constant 5000 : i32
    %broadcast_in_dim3A_85 = vector.broadcast %broadcast_in_dim3A_84 : i32 to vector<16xi32>
    %swap3A_86 = arith.constant 64 : index
    %swap3A_87 = tpu.vector_load %arg12[%swap3A_86] {strides = array<i32>} : memref<128xi32, #tpu.memory_space<vmem>>, vector<16xi32>,
    %swap3A_88 = vector.shape_cast %swap3A_87 : vector<16xi32> to vector<16xi32>
    %swap3A_89 = vector.shape_cast %broadcast_in_dim3A_85 : vector<16xi32> to vector<16xi32>
    tpu.vector_store %arg12[%swap3A_86], %swap3A_89 {strides = array<i32>} : memref<128xi32, #tpu.memory_space<vmem>>, vector<16xi32>,
    %broadcast_in_dim3A_90 = arith.constant 5000 : i32
    %broadcast_in_dim3A_91 = vector.broadcast %broadcast_in_dim3A_90 : i32 to vector<16xi32>
    %swap3A_92 = arith.constant 80 : index
    %swap3A_93 = tpu.vector_load %arg12[%swap3A_92] {strides = array<i32>} : memref<128xi32, #tpu.memory_space<vmem>>, vector<16xi32>,
    %swap3A_94 = vector.shape_cast %swap3A_93 : vector<16xi32> to vector<16xi32>
    %swap3A_95 = vector.shape_cast %broadcast_in_dim3A_91 : vector<16xi32> to vector<16xi32>
    tpu.vector_store %arg12[%swap3A_92], %swap3A_95 {strides = array<i32>} : memref<128xi32, #tpu.memory_space<vmem>>, vector<16xi32>,
    %broadcast_in_dim3A_96 = arith.constant 5000 : i32
    %broadcast_in_dim3A_97 = vector.broadcast %broadcast_in_dim3A_96 : i32 to vector<16xi32>
    %swap3A_98 = arith.constant 96 : index
    %swap3A_99 = tpu.vector_load %arg12[%swap3A_98] {strides = array<i32>} : memref<128xi32, #tpu.memory_space<vmem>>, vector<16xi32>,
    %swap3A_100 = vector.shape_cast %swap3A_99 : vector<16xi32> to vector<16xi32>
    %swap3A_101 = vector.shape_cast %broadcast_in_dim3A_97 : vector<16xi32> to vector<16xi32>
    tpu.vector_store %arg12[%swap3A_98], %swap3A_101 {strides = array<i32>} : memref<128xi32, #tpu.memory_space<vmem>>, vector<16xi32>,
    %broadcast_in_dim3A_102 = arith.constant 5000 : i32
    %broadcast_in_dim3A_103 = vector.broadcast %broadcast_in_dim3A_102 : i32 to vector<16xi32>
    %swap3A_104 = arith.constant 112 : index
    %swap3A_105 = tpu.vector_load %arg12[%swap3A_104] {strides = array<i32>} : memref<128xi32, #tpu.memory_space<vmem>>, vector<16xi32>,
    %swap3A_106 = vector.shape_cast %swap3A_105 : vector<16xi32> to vector<16xi32>
    %swap3A_107 = vector.shape_cast %broadcast_in_dim3A_103 : vector<16xi32> to vector<16xi32>
    tpu.vector_store %arg12[%swap3A_104], %swap3A_107 {strides = array<i32>} : memref<128xi32, #tpu.memory_space<vmem>>, vector<16xi32>,
    %barrier3A = arith.constant 0 : index
    tpu.barrier barrier_id(%barrier3A)
    %dma_start3A = arith.constant 0 : i32
    %dma_start3A_108 = arith.constant 0 : i32
    %dma_start3A_109 = tpu.memref_slice %arg19[%dma_start3A, %dma_start3A_108] : memref<5040x128xf32, #tpu.memory_space<vmem_shared>> -> memref<5040x128xf32, #tpu.memory_space<vmem_shared>>
    tpu.enqueue_indirect_dma source(%arg13 : memref<128x128xf32, #tpu.memory_space<vmem>>) target(%dma_start3A_109 : memref<5040x128xf32, #tpu.memory_space<vmem_shared>>) offsets(%arg11 : memref<128xi32, #tpu.memory_space<vmem>>) semaphore(%arg22 : memref<!tpu.dma_semaphore, #tpu.memory_space<semaphore_mem>>) {add = true}
    %run_scoped3A = arith.constant 0 : i32
    "tpu.region"() ({
      %run_scoped3A_315 = tpu.sem_alloc : memref<!tpu.dma_semaphore, #tpu.memory_space<semaphore_mem>>
      %dma_start3A_316 = arith.constant 0 : i32
      %dma_start3A_317 = tpu.memref_slice %arg2[%arg1, %run_scoped3A, %dma_start3A_316] : memref<2500x2x128xi32, #tpu.memory_space<hbm>> -> memref<1x1x128xi32, #tpu.memory_space<hbm>>
      %dma_start3A_318 = tpu.memref_squeeze %dma_start3A_317 : memref<1x1x128xi32, #tpu.memory_space<hbm>> -> memref<128xi32, #tpu.memory_space<hbm>>
      %dma_start3A_319 = arith.constant 0 : i32
      %dma_start3A_320 = tpu.memref_slice %arg2[%arg1, %run_scoped3A, %dma_start3A_319] : memref<2500x2x128xi32, #tpu.memory_space<hbm>> -> memref<1x1x128xi32, #tpu.memory_space<hbm>>
      %dma_start3A_321 = tpu.memref_squeeze %dma_start3A_320 : memref<1x1x128xi32, #tpu.memory_space<hbm>> -> memref<128xi32, #tpu.memory_space<hbm>>
      tpu.enqueue_dma source(%dma_start3A_321 : memref<128xi32, #tpu.memory_space<hbm>>) target(%arg7 : memref<128xi32, #tpu.memory_space<vmem>>) target_semaphore(%run_scoped3A_315 : memref<!tpu.dma_semaphore, #tpu.memory_space<semaphore_mem>>)
      %dma_wait3A_322 = arith.constant 0 : i32
      %dma_wait3A_323 = tpu.memref_slice %arg2[%arg1, %run_scoped3A, %dma_wait3A_322] : memref<2500x2x128xi32, #tpu.memory_space<hbm>> -> memref<1x1x128xi32, #tpu.memory_space<hbm>>
      %dma_wait3A_324 = tpu.memref_squeeze %dma_wait3A_323 : memref<1x1x128xi32, #tpu.memory_space<hbm>> -> memref<128xi32, #tpu.memory_space<hbm>>
      %dma_wait3A_325 = arith.constant 0 : i32
      %dma_wait3A_326 = tpu.memref_slice %arg2[%arg1, %run_scoped3A, %dma_wait3A_325] : memref<2500x2x128xi32, #tpu.memory_space<hbm>> -> memref<1x1x128xi32, #tpu.memory_space<hbm>>
      %dma_wait3A_327 = tpu.memref_squeeze %dma_wait3A_326 : memref<1x1x128xi32, #tpu.memory_space<hbm>> -> memref<128xi32, #tpu.memory_space<hbm>>
      tpu.wait_dma2 semaphore(%run_scoped3A_315 : memref<!tpu.dma_semaphore, #tpu.memory_space<semaphore_mem>>) src(%dma_wait3A_327 : memref<128xi32, #tpu.memory_space<hbm>>) dst(%arg7 : memref<128xi32, #tpu.memory_space<vmem>>)
      tpu.yield
    }) : () -> ()
    %run_scoped3A_110 = arith.constant 1 : i32
    "tpu.region"() ({
      %run_scoped3A_315 = tpu.sem_alloc : memref<!tpu.dma_semaphore, #tpu.memory_space<semaphore_mem>>
      %dma_start3A_316 = arith.constant 0 : i32
      %dma_start3A_317 = tpu.memref_slice %arg2[%arg1, %run_scoped3A_110, %dma_start3A_316] : memref<2500x2x128xi32, #tpu.memory_space<hbm>> -> memref<1x1x128xi32, #tpu.memory_space<hbm>>
      %dma_start3A_318 = tpu.memref_squeeze %dma_start3A_317 : memref<1x1x128xi32, #tpu.memory_space<hbm>> -> memref<128xi32, #tpu.memory_space<hbm>>
      %dma_start3A_319 = arith.constant 0 : i32
      %dma_start3A_320 = tpu.memref_slice %arg2[%arg1, %run_scoped3A_110, %dma_start3A_319] : memref<2500x2x128xi32, #tpu.memory_space<hbm>> -> memref<1x1x128xi32, #tpu.memory_space<hbm>>
      %dma_start3A_321 = tpu.memref_squeeze %dma_start3A_320 : memref<1x1x128xi32, #tpu.memory_space<hbm>> -> memref<128xi32, #tpu.memory_space<hbm>>
      tpu.enqueue_dma source(%dma_start3A_321 : memref<128xi32, #tpu.memory_space<hbm>>) target(%arg9 : memref<128xi32, #tpu.memory_space<vmem>>) target_semaphore(%run_scoped3A_315 : memref<!tpu.dma_semaphore, #tpu.memory_space<semaphore_mem>>)
      %dma_wait3A_322 = arith.constant 0 : i32
      %dma_wait3A_323 = tpu.memref_slice %arg2[%arg1, %run_scoped3A_110, %dma_wait3A_322] : memref<2500x2x128xi32, #tpu.memory_space<hbm>> -> memref<1x1x128xi32, #tpu.memory_space<hbm>>
      %dma_wait3A_324 = tpu.memref_squeeze %dma_wait3A_323 : memref<1x1x128xi32, #tpu.memory_space<hbm>> -> memref<128xi32, #tpu.memory_space<hbm>>
      %dma_wait3A_325 = arith.constant 0 : i32
      %dma_wait3A_326 = tpu.memref_slice %arg2[%arg1, %run_scoped3A_110, %dma_wait3A_325] : memref<2500x2x128xi32, #tpu.memory_space<hbm>> -> memref<1x1x128xi32, #tpu.memory_space<hbm>>
      %dma_wait3A_327 = tpu.memref_squeeze %dma_wait3A_326 : memref<1x1x128xi32, #tpu.memory_space<hbm>> -> memref<128xi32, #tpu.memory_space<hbm>>
      tpu.wait_dma2 semaphore(%run_scoped3A_315 : memref<!tpu.dma_semaphore, #tpu.memory_space<semaphore_mem>>) src(%dma_wait3A_327 : memref<128xi32, #tpu.memory_space<hbm>>) dst(%arg9 : memref<128xi32, #tpu.memory_space<vmem>>)
      tpu.yield
    }) : () -> ()
    %add3A = arith.constant 16 : i32
    %add3A_111 = arith.addi %arg1, %add3A : i32
    %dma_start3A_112 = arith.constant 0 : i32
    %dma_start3A_113 = arith.constant 0 : i32
    %dma_start3A_114 = tpu.memref_slice %arg2[%add3A_111, %dma_start3A_112, %dma_start3A_113] : memref<2500x2x128xi32, #tpu.memory_space<hbm>> -> memref<1x1x128xi32, #tpu.memory_space<hbm>>
    %dma_start3A_115 = tpu.memref_squeeze %dma_start3A_114 : memref<1x1x128xi32, #tpu.memory_space<hbm>> -> memref<128xi32, #tpu.memory_space<hbm>>
    %dma_start3A_116 = arith.constant 0 : i32
    %dma_start3A_117 = tpu.memref_slice %arg2[%add3A_111, %dma_start3A_112, %dma_start3A_116] : memref<2500x2x128xi32, #tpu.memory_space<hbm>> -> memref<1x1x128xi32, #tpu.memory_space<hbm>>
    %dma_start3A_118 = tpu.memref_squeeze %dma_start3A_117 : memref<1x1x128xi32, #tpu.memory_space<hbm>> -> memref<128xi32, #tpu.memory_space<hbm>>
    tpu.enqueue_dma source(%dma_start3A_118 : memref<128xi32, #tpu.memory_space<hbm>>) target(%arg8 : memref<128xi32, #tpu.memory_space<vmem>>) target_semaphore(%arg24 : memref<!tpu.dma_semaphore, #tpu.memory_space<semaphore_mem>>)
    %add3A_119 = arith.constant 16 : i32
    %add3A_120 = arith.addi %arg1, %add3A_119 : i32
    %dma_start3A_121 = arith.constant 1 : i32
    %dma_start3A_122 = arith.constant 0 : i32
    %dma_start3A_123 = tpu.memref_slice %arg2[%add3A_120, %dma_start3A_121, %dma_start3A_122] : memref<2500x2x128xi32, #tpu.memory_space<hbm>> -> memref<1x1x128xi32, #tpu.memory_space<hbm>>
    %dma_start3A_124 = tpu.memref_squeeze %dma_start3A_123 : memref<1x1x128xi32, #tpu.memory_space<hbm>> -> memref<128xi32, #tpu.memory_space<hbm>>
    %dma_start3A_125 = arith.constant 0 : i32
    %dma_start3A_126 = tpu.memref_slice %arg2[%add3A_120, %dma_start3A_121, %dma_start3A_125] : memref<2500x2x128xi32, #tpu.memory_space<hbm>> -> memref<1x1x128xi32, #tpu.memory_space<hbm>>
    %dma_start3A_127 = tpu.memref_squeeze %dma_start3A_126 : memref<1x1x128xi32, #tpu.memory_space<hbm>> -> memref<128xi32, #tpu.memory_space<hbm>>
    tpu.enqueue_dma source(%dma_start3A_127 : memref<128xi32, #tpu.memory_space<hbm>>) target(%arg10 : memref<128xi32, #tpu.memory_space<vmem>>) target_semaphore(%arg24 : memref<!tpu.dma_semaphore, #tpu.memory_space<semaphore_mem>>)
    %dma_start3A_128 = arith.constant 0 : i32
    %dma_start3A_129 = arith.constant 0 : i32
    %dma_start3A_130 = tpu.memref_slice %arg3[%dma_start3A_128, %dma_start3A_129] : memref<10000x128xf32, #tpu.memory_space<hbm>> -> memref<10000x128xf32, #tpu.memory_space<hbm>>
    tpu.enqueue_indirect_dma source(%dma_start3A_130 : memref<10000x128xf32, #tpu.memory_space<hbm>>) target(%arg13 : memref<128x128xf32, #tpu.memory_space<vmem>>) offsets(%arg7 : memref<128xi32, #tpu.memory_space<vmem>>) semaphore(%arg20 : memref<!tpu.dma_semaphore, #tpu.memory_space<semaphore_mem>>)
    %scan3A_131 = arith.constant 0 : i32
    %scan3A_132 = arith.constant 0 : i32
    %scan3A_133 = arith.constant 78 : i32
    %scan3A_134 = arith.addi %scan3A_132, %scan3A_133 : i32
    %scan3A_135 = arith.constant 1 : i32
    %scan3A_136 = scf.for %scan3A_315 = %scan3A_132 to %scan3A_134 step %scan3A_135 iter_args(%scan3A_316 = %scan3A_131) -> (i32)  : i32 {
      %mul3A_317 = arith.constant 2 : i32
      %mul3A_318 = arith.muli %mul3A_317, %scan3A_315 : i32
      %add3A_319 = arith.constant 0 : i32
      %add3A_320 = arith.addi %mul3A_318, %add3A_319 : i32
      %add3A_321 = arith.constant 1 : i32
      %add3A_322 = arith.addi %add3A_320, %add3A_321 : i32
      %lt3A_323 = arith.constant 156 : i32
      %lt3A_324 = arith.cmpi slt, %add3A_322, %lt3A_323 : i32
      %convert_element_type3A_325 = arith.extui %lt3A_324 : i1 to i32
      %cond3A_326 = arith.constant 0 : i32
      %cond3A_327 = arith.cmpi ne, %convert_element_type3A_325, %cond3A_326 : i32
      scf.if %cond3A_327 {
        %dma_wait3A_662 = arith.constant 0 : i32
        %dma_wait3A_663 = arith.constant 0 : i32
        %dma_wait3A_664 = arith.constant 0 : i32
        %dma_wait3A_665 = tpu.memref_slice %arg2[%dma_wait3A_662, %dma_wait3A_663, %dma_wait3A_664] : memref<2500x2x128xi32, #tpu.memory_space<hbm>> -> memref<1x1x128xi32, #tpu.memory_space<hbm>>
        %dma_wait3A_666 = tpu.memref_squeeze %dma_wait3A_665 : memref<1x1x128xi32, #tpu.memory_space<hbm>> -> memref<128xi32, #tpu.memory_space<hbm>>
        %dma_wait3A_667 = arith.constant 0 : i32
        %dma_wait3A_668 = tpu.memref_slice %arg2[%dma_wait3A_662, %dma_wait3A_663, %dma_wait3A_667] : memref<2500x2x128xi32, #tpu.memory_space<hbm>> -> memref<1x1x128xi32, #tpu.memory_space<hbm>>
        %dma_wait3A_669 = tpu.memref_squeeze %dma_wait3A_668 : memref<1x1x128xi32, #tpu.memory_space<hbm>> -> memref<128xi32, #tpu.memory_space<hbm>>
        tpu.wait_dma2 semaphore(%arg24 : memref<!tpu.dma_semaphore, #tpu.memory_space<semaphore_mem>>) src(%dma_wait3A_669 : memref<128xi32, #tpu.memory_space<hbm>>) dst(%arg8 : memref<128xi32, #tpu.memory_space<vmem>>)
        %dma_wait3A_670 = arith.constant 0 : i32
        %dma_wait3A_671 = arith.constant 1 : i32
        %dma_wait3A_672 = arith.constant 0 : i32
        %dma_wait3A_673 = tpu.memref_slice %arg2[%dma_wait3A_670, %dma_wait3A_671, %dma_wait3A_672] : memref<2500x2x128xi32, #tpu.memory_space<hbm>> -> memref<1x1x128xi32, #tpu.memory_space<hbm>>
        %dma_wait3A_674 = tpu.memref_squeeze %dma_wait3A_673 : memref<1x1x128xi32, #tpu.memory_space<hbm>> -> memref<128xi32, #tpu.memory_space<hbm>>
        %dma_wait3A_675 = arith.constant 0 : i32
        %dma_wait3A_676 = tpu.memref_slice %arg2[%dma_wait3A_670, %dma_wait3A_671, %dma_wait3A_675] : memref<2500x2x128xi32, #tpu.memory_space<hbm>> -> memref<1x1x128xi32, #tpu.memory_space<hbm>>
        %dma_wait3A_677 = tpu.memref_squeeze %dma_wait3A_676 : memref<1x1x128xi32, #tpu.memory_space<hbm>> -> memref<128xi32, #tpu.memory_space<hbm>>
        tpu.wait_dma2 semaphore(%arg24 : memref<!tpu.dma_semaphore, #tpu.memory_space<semaphore_mem>>) src(%dma_wait3A_677 : memref<128xi32, #tpu.memory_space<hbm>>) dst(%arg10 : memref<128xi32, #tpu.memory_space<vmem>>)
        %dma_wait3A_678 = arith.constant 0 : i32
        %dma_wait3A_679 = arith.constant 0 : i32
        %dma_wait3A_680 = tpu.memref_slice %arg19[%dma_wait3A_678, %dma_wait3A_679] : memref<5040x128xf32, #tpu.memory_space<vmem_shared>> -> memref<5040x128xf32, #tpu.memory_space<vmem_shared>>
        tpu.wait_indirect_dma semaphore(%arg22 : memref<!tpu.dma_semaphore, #tpu.memory_space<semaphore_mem>>) src(%arg14 : memref<128x128xf32, #tpu.memory_space<vmem>>) dst(%dma_wait3A_680 : memref<5040x128xf32, #tpu.memory_space<vmem_shared>>)
        %dma_start3A_681 = arith.constant 0 : i32
        %dma_start3A_682 = arith.constant 0 : i32
        %dma_start3A_683 = tpu.memref_slice %arg3[%dma_start3A_681, %dma_start3A_682] : memref<10000x128xf32, #tpu.memory_space<hbm>> -> memref<10000x128xf32, #tpu.memory_space<hbm>>
        tpu.enqueue_indirect_dma source(%dma_start3A_683 : memref<10000x128xf32, #tpu.memory_space<hbm>>) target(%arg14 : memref<128x128xf32, #tpu.memory_space<vmem>>) offsets(%arg8 : memref<128xi32, #tpu.memory_space<vmem>>) semaphore(%arg20 : memref<!tpu.dma_semaphore, #tpu.memory_space<semaphore_mem>>)
      } else {
      }
      %dma_wait3A_328 = arith.constant 0 : i32
      %dma_wait3A_329 = arith.constant 0 : i32
      %dma_wait3A_330 = tpu.memref_slice %arg3[%dma_wait3A_328, %dma_wait3A_329] : memref<10000x128xf32, #tpu.memory_space<hbm>> -> memref<10000x128xf32, #tpu.memory_space<hbm>>
      tpu.wait_indirect_dma semaphore(%arg20 : memref<!tpu.dma_semaphore, #tpu.memory_space<semaphore_mem>>) src(%dma_wait3A_330 : memref<10000x128xf32, #tpu.memory_space<hbm>>) dst(%arg13 : memref<128x128xf32, #tpu.memory_space<vmem>>)
      %get3A = arith.constant 0 : index
      %get3A_331 = tpu.vector_load %arg9[%get3A] {strides = array<i32>} : memref<128xi32, #tpu.memory_space<vmem>>, vector<16xi32>,
      %get3A_332 = vector.shape_cast %get3A_331 : vector<16xi32> to vector<16xi32>
      %ge3A = vector.broadcast %mul3A_0 : i32 to vector<16xi32>
      %ge3A_333 = arith.cmpi sge, %get3A_332, %ge3A : vector<16xi32>
      %add3A_334 = arith.constant 5000 : i32
      %add3A_335 = arith.addi %mul3A_0, %add3A_334 : i32
      %lt3A_336 = vector.broadcast %add3A_335 : i32 to vector<16xi32>
      %lt3A_337 = arith.cmpi slt, %get3A_332, %lt3A_336 : vector<16xi32>
      %and3A = arith.andi %ge3A_333, %lt3A_337 : vector<16xi1>
      %sub3A = vector.broadcast %mul3A_0 : i32 to vector<16xi32>
      %sub3A_338 = arith.subi %get3A_332, %sub3A : vector<16xi32>
      %jit3A = arith.constant 5000 : i32
      %broadcast_in_dim3A_339 = vector.broadcast %jit3A : i32 to vector<16xi32>
      %select_n3A = arith.select %and3A, %sub3A_338, %broadcast_in_dim3A_339 : vector<16xi1>, vector<16xi32>
      %swap3A_340 = arith.constant 0 : index
      %swap3A_341 = tpu.vector_load %arg11[%swap3A_340] {strides = array<i32>} : memref<128xi32, #tpu.memory_space<vmem>>, vector<16xi32>,
      %swap3A_342 = vector.shape_cast %swap3A_341 : vector<16xi32> to vector<16xi32>
      %swap3A_343 = vector.shape_cast %select_n3A : vector<16xi32> to vector<16xi32>
      tpu.vector_store %arg11[%swap3A_340], %swap3A_343 {strides = array<i32>} : memref<128xi32, #tpu.memory_space<vmem>>, vector<16xi32>,
      %get3A_344 = arith.constant 16 : index
      %get3A_345 = tpu.vector_load %arg9[%get3A_344] {strides = array<i32>} : memref<128xi32, #tpu.memory_space<vmem>>, vector<16xi32>,
      %get3A_346 = vector.shape_cast %get3A_345 : vector<16xi32> to vector<16xi32>
      %ge3A_347 = vector.broadcast %mul3A_0 : i32 to vector<16xi32>
      %ge3A_348 = arith.cmpi sge, %get3A_346, %ge3A_347 : vector<16xi32>
      %add3A_349 = arith.constant 5000 : i32
      %add3A_350 = arith.addi %mul3A_0, %add3A_349 : i32
      %lt3A_351 = vector.broadcast %add3A_350 : i32 to vector<16xi32>
      %lt3A_352 = arith.cmpi slt, %get3A_346, %lt3A_351 : vector<16xi32>
      %and3A_353 = arith.andi %ge3A_348, %lt3A_352 : vector<16xi1>
      %sub3A_354 = vector.broadcast %mul3A_0 : i32 to vector<16xi32>
      %sub3A_355 = arith.subi %get3A_346, %sub3A_354 : vector<16xi32>
      %jit3A_356 = arith.constant 5000 : i32
      %broadcast_in_dim3A_357 = vector.broadcast %jit3A_356 : i32 to vector<16xi32>
      %select_n3A_358 = arith.select %and3A_353, %sub3A_355, %broadcast_in_dim3A_357 : vector<16xi1>, vector<16xi32>
      %swap3A_359 = arith.constant 16 : index
      %swap3A_360 = tpu.vector_load %arg11[%swap3A_359] {strides = array<i32>} : memref<128xi32, #tpu.memory_space<vmem>>, vector<16xi32>,
      %swap3A_361 = vector.shape_cast %swap3A_360 : vector<16xi32> to vector<16xi32>
      %swap3A_362 = vector.shape_cast %select_n3A_358 : vector<16xi32> to vector<16xi32>
      tpu.vector_store %arg11[%swap3A_359], %swap3A_362 {strides = array<i32>} : memref<128xi32, #tpu.memory_space<vmem>>, vector<16xi32>,
      %get3A_363 = arith.constant 32 : index
      %get3A_364 = tpu.vector_load %arg9[%get3A_363] {strides = array<i32>} : memref<128xi32, #tpu.memory_space<vmem>>, vector<16xi32>,
      %get3A_365 = vector.shape_cast %get3A_364 : vector<16xi32> to vector<16xi32>
      %ge3A_366 = vector.broadcast %mul3A_0 : i32 to vector<16xi32>
      %ge3A_367 = arith.cmpi sge, %get3A_365, %ge3A_366 : vector<16xi32>
      %add3A_368 = arith.constant 5000 : i32
      %add3A_369 = arith.addi %mul3A_0, %add3A_368 : i32
      %lt3A_370 = vector.broadcast %add3A_369 : i32 to vector<16xi32>
      %lt3A_371 = arith.cmpi slt, %get3A_365, %lt3A_370 : vector<16xi32>
      %and3A_372 = arith.andi %ge3A_367, %lt3A_371 : vector<16xi1>
      %sub3A_373 = vector.broadcast %mul3A_0 : i32 to vector<16xi32>
      %sub3A_374 = arith.subi %get3A_365, %sub3A_373 : vector<16xi32>
      %jit3A_375 = arith.constant 5000 : i32
      %broadcast_in_dim3A_376 = vector.broadcast %jit3A_375 : i32 to vector<16xi32>
      %select_n3A_377 = arith.select %and3A_372, %sub3A_374, %broadcast_in_dim3A_376 : vector<16xi1>, vector<16xi32>
      %swap3A_378 = arith.constant 32 : index
      %swap3A_379 = tpu.vector_load %arg11[%swap3A_378] {strides = array<i32>} : memref<128xi32, #tpu.memory_space<vmem>>, vector<16xi32>,
      %swap3A_380 = vector.shape_cast %swap3A_379 : vector<16xi32> to vector<16xi32>
      %swap3A_381 = vector.shape_cast %select_n3A_377 : vector<16xi32> to vector<16xi32>
      tpu.vector_store %arg11[%swap3A_378], %swap3A_381 {strides = array<i32>} : memref<128xi32, #tpu.memory_space<vmem>>, vector<16xi32>,
      %get3A_382 = arith.constant 48 : index
      %get3A_383 = tpu.vector_load %arg9[%get3A_382] {strides = array<i32>} : memref<128xi32, #tpu.memory_space<vmem>>, vector<16xi32>,
      %get3A_384 = vector.shape_cast %get3A_383 : vector<16xi32> to vector<16xi32>
      %ge3A_385 = vector.broadcast %mul3A_0 : i32 to vector<16xi32>
      %ge3A_386 = arith.cmpi sge, %get3A_384, %ge3A_385 : vector<16xi32>
      %add3A_387 = arith.constant 5000 : i32
      %add3A_388 = arith.addi %mul3A_0, %add3A_387 : i32
      %lt3A_389 = vector.broadcast %add3A_388 : i32 to vector<16xi32>
      %lt3A_390 = arith.cmpi slt, %get3A_384, %lt3A_389 : vector<16xi32>
      %and3A_391 = arith.andi %ge3A_386, %lt3A_390 : vector<16xi1>
      %sub3A_392 = vector.broadcast %mul3A_0 : i32 to vector<16xi32>
      %sub3A_393 = arith.subi %get3A_384, %sub3A_392 : vector<16xi32>
      %jit3A_394 = arith.constant 5000 : i32
      %broadcast_in_dim3A_395 = vector.broadcast %jit3A_394 : i32 to vector<16xi32>
      %select_n3A_396 = arith.select %and3A_391, %sub3A_393, %broadcast_in_dim3A_395 : vector<16xi1>, vector<16xi32>
      %swap3A_397 = arith.constant 48 : index
      %swap3A_398 = tpu.vector_load %arg11[%swap3A_397] {strides = array<i32>} : memref<128xi32, #tpu.memory_space<vmem>>, vector<16xi32>,
      %swap3A_399 = vector.shape_cast %swap3A_398 : vector<16xi32> to vector<16xi32>
      %swap3A_400 = vector.shape_cast %select_n3A_396 : vector<16xi32> to vector<16xi32>
      tpu.vector_store %arg11[%swap3A_397], %swap3A_400 {strides = array<i32>} : memref<128xi32, #tpu.memory_space<vmem>>, vector<16xi32>,
      %get3A_401 = arith.constant 64 : index
      %get3A_402 = tpu.vector_load %arg9[%get3A_401] {strides = array<i32>} : memref<128xi32, #tpu.memory_space<vmem>>, vector<16xi32>,
      %get3A_403 = vector.shape_cast %get3A_402 : vector<16xi32> to vector<16xi32>
      %ge3A_404 = vector.broadcast %mul3A_0 : i32 to vector<16xi32>
      %ge3A_405 = arith.cmpi sge, %get3A_403, %ge3A_404 : vector<16xi32>
      %add3A_406 = arith.constant 5000 : i32
      %add3A_407 = arith.addi %mul3A_0, %add3A_406 : i32
      %lt3A_408 = vector.broadcast %add3A_407 : i32 to vector<16xi32>
      %lt3A_409 = arith.cmpi slt, %get3A_403, %lt3A_408 : vector<16xi32>
      %and3A_410 = arith.andi %ge3A_405, %lt3A_409 : vector<16xi1>
      %sub3A_411 = vector.broadcast %mul3A_0 : i32 to vector<16xi32>
      %sub3A_412 = arith.subi %get3A_403, %sub3A_411 : vector<16xi32>
      %jit3A_413 = arith.constant 5000 : i32
      %broadcast_in_dim3A_414 = vector.broadcast %jit3A_413 : i32 to vector<16xi32>
      %select_n3A_415 = arith.select %and3A_410, %sub3A_412, %broadcast_in_dim3A_414 : vector<16xi1>, vector<16xi32>
      %swap3A_416 = arith.constant 64 : index
      %swap3A_417 = tpu.vector_load %arg11[%swap3A_416] {strides = array<i32>} : memref<128xi32, #tpu.memory_space<vmem>>, vector<16xi32>,
      %swap3A_418 = vector.shape_cast %swap3A_417 : vector<16xi32> to vector<16xi32>
      %swap3A_419 = vector.shape_cast %select_n3A_415 : vector<16xi32> to vector<16xi32>
      tpu.vector_store %arg11[%swap3A_416], %swap3A_419 {strides = array<i32>} : memref<128xi32, #tpu.memory_space<vmem>>, vector<16xi32>,
      %get3A_420 = arith.constant 80 : index
      %get3A_421 = tpu.vector_load %arg9[%get3A_420] {strides = array<i32>} : memref<128xi32, #tpu.memory_space<vmem>>, vector<16xi32>,
      %get3A_422 = vector.shape_cast %get3A_421 : vector<16xi32> to vector<16xi32>
      %ge3A_423 = vector.broadcast %mul3A_0 : i32 to vector<16xi32>
      %ge3A_424 = arith.cmpi sge, %get3A_422, %ge3A_423 : vector<16xi32>
      %add3A_425 = arith.constant 5000 : i32
      %add3A_426 = arith.addi %mul3A_0, %add3A_425 : i32
      %lt3A_427 = vector.broadcast %add3A_426 : i32 to vector<16xi32>
      %lt3A_428 = arith.cmpi slt, %get3A_422, %lt3A_427 : vector<16xi32>
      %and3A_429 = arith.andi %ge3A_424, %lt3A_428 : vector<16xi1>
      %sub3A_430 = vector.broadcast %mul3A_0 : i32 to vector<16xi32>
      %sub3A_431 = arith.subi %get3A_422, %sub3A_430 : vector<16xi32>
      %jit3A_432 = arith.constant 5000 : i32
      %broadcast_in_dim3A_433 = vector.broadcast %jit3A_432 : i32 to vector<16xi32>
      %select_n3A_434 = arith.select %and3A_429, %sub3A_431, %broadcast_in_dim3A_433 : vector<16xi1>, vector<16xi32>
      %swap3A_435 = arith.constant 80 : index
      %swap3A_436 = tpu.vector_load %arg11[%swap3A_435] {strides = array<i32>} : memref<128xi32, #tpu.memory_space<vmem>>, vector<16xi32>,
      %swap3A_437 = vector.shape_cast %swap3A_436 : vector<16xi32> to vector<16xi32>
      %swap3A_438 = vector.shape_cast %select_n3A_434 : vector<16xi32> to vector<16xi32>
      tpu.vector_store %arg11[%swap3A_435], %swap3A_438 {strides = array<i32>} : memref<128xi32, #tpu.memory_space<vmem>>, vector<16xi32>,
      %get3A_439 = arith.constant 96 : index
      %get3A_440 = tpu.vector_load %arg9[%get3A_439] {strides = array<i32>} : memref<128xi32, #tpu.memory_space<vmem>>, vector<16xi32>,
      %get3A_441 = vector.shape_cast %get3A_440 : vector<16xi32> to vector<16xi32>
      %ge3A_442 = vector.broadcast %mul3A_0 : i32 to vector<16xi32>
      %ge3A_443 = arith.cmpi sge, %get3A_441, %ge3A_442 : vector<16xi32>
      %add3A_444 = arith.constant 5000 : i32
      %add3A_445 = arith.addi %mul3A_0, %add3A_444 : i32
      %lt3A_446 = vector.broadcast %add3A_445 : i32 to vector<16xi32>
      %lt3A_447 = arith.cmpi slt, %get3A_441, %lt3A_446 : vector<16xi32>
      %and3A_448 = arith.andi %ge3A_443, %lt3A_447 : vector<16xi1>
      %sub3A_449 = vector.broadcast %mul3A_0 : i32 to vector<16xi32>
      %sub3A_450 = arith.subi %get3A_441, %sub3A_449 : vector<16xi32>
      %jit3A_451 = arith.constant 5000 : i32
      %broadcast_in_dim3A_452 = vector.broadcast %jit3A_451 : i32 to vector<16xi32>
      %select_n3A_453 = arith.select %and3A_448, %sub3A_450, %broadcast_in_dim3A_452 : vector<16xi1>, vector<16xi32>
      %swap3A_454 = arith.constant 96 : index
      %swap3A_455 = tpu.vector_load %arg11[%swap3A_454] {strides = array<i32>} : memref<128xi32, #tpu.memory_space<vmem>>, vector<16xi32>,
      %swap3A_456 = vector.shape_cast %swap3A_455 : vector<16xi32> to vector<16xi32>
      %swap3A_457 = vector.shape_cast %select_n3A_453 : vector<16xi32> to vector<16xi32>
      tpu.vector_store %arg11[%swap3A_454], %swap3A_457 {strides = array<i32>} : memref<128xi32, #tpu.memory_space<vmem>>, vector<16xi32>,
      %get3A_458 = arith.constant 112 : index
      %get3A_459 = tpu.vector_load %arg9[%get3A_458] {strides = array<i32>} : memref<128xi32, #tpu.memory_space<vmem>>, vector<16xi32>,
      %get3A_460 = vector.shape_cast %get3A_459 : vector<16xi32> to vector<16xi32>
      %ge3A_461 = vector.broadcast %mul3A_0 : i32 to vector<16xi32>
      %ge3A_462 = arith.cmpi sge, %get3A_460, %ge3A_461 : vector<16xi32>
      %add3A_463 = arith.constant 5000 : i32
      %add3A_464 = arith.addi %mul3A_0, %add3A_463 : i32
      %lt3A_465 = vector.broadcast %add3A_464 : i32 to vector<16xi32>
      %lt3A_466 = arith.cmpi slt, %get3A_460, %lt3A_465 : vector<16xi32>
      %and3A_467 = arith.andi %ge3A_462, %lt3A_466 : vector<16xi1>
      %sub3A_468 = vector.broadcast %mul3A_0 : i32 to vector<16xi32>
      %sub3A_469 = arith.subi %get3A_460, %sub3A_468 : vector<16xi32>
      %jit3A_470 = arith.constant 5000 : i32
      %broadcast_in_dim3A_471 = vector.broadcast %jit3A_470 : i32 to vector<16xi32>
      %select_n3A_472 = arith.select %and3A_467, %sub3A_469, %broadcast_in_dim3A_471 : vector<16xi1>, vector<16xi32>
      %swap3A_473 = arith.constant 112 : index
      %swap3A_474 = tpu.vector_load %arg11[%swap3A_473] {strides = array<i32>} : memref<128xi32, #tpu.memory_space<vmem>>, vector<16xi32>,
      %swap3A_475 = vector.shape_cast %swap3A_474 : vector<16xi32> to vector<16xi32>
      %swap3A_476 = vector.shape_cast %select_n3A_472 : vector<16xi32> to vector<16xi32>
      tpu.vector_store %arg11[%swap3A_473], %swap3A_476 {strides = array<i32>} : memref<128xi32, #tpu.memory_space<vmem>>, vector<16xi32>,
      %dma_start3A_477 = arith.constant 0 : i32
      %dma_start3A_478 = arith.constant 0 : i32
      %dma_start3A_479 = tpu.memref_slice %arg19[%dma_start3A_477, %dma_start3A_478] : memref<5040x128xf32, #tpu.memory_space<vmem_shared>> -> memref<5040x128xf32, #tpu.memory_space<vmem_shared>>
      tpu.enqueue_indirect_dma source(%arg13 : memref<128x128xf32, #tpu.memory_space<vmem>>) target(%dma_start3A_479 : memref<5040x128xf32, #tpu.memory_space<vmem_shared>>) offsets(%arg11 : memref<128xi32, #tpu.memory_space<vmem>>) semaphore(%arg22 : memref<!tpu.dma_semaphore, #tpu.memory_space<semaphore_mem>>) {add = true}
      %add3A_480 = arith.constant 2 : i32
      %add3A_481 = arith.addi %add3A_320, %add3A_480 : i32
      %lt3A_482 = arith.constant 156 : i32
      %lt3A_483 = arith.cmpi slt, %add3A_481, %lt3A_482 : i32
      %convert_element_type3A_484 = arith.extui %lt3A_483 : i1 to i32
      %cond3A_485 = arith.constant 0 : i32
      %cond3A_486 = arith.cmpi ne, %convert_element_type3A_484, %cond3A_485 : i32
      scf.if %cond3A_486 {
        %add3A_662 = arith.constant 2 : i32
        %add3A_663 = arith.addi %add3A_320, %add3A_662 : i32
        %mul3A_664 = arith.constant 16 : i32
        %mul3A_665 = arith.muli %add3A_663, %mul3A_664 : i32
        %add3A_666 = arith.addi %arg1, %mul3A_665 : i32
        %dma_start3A_667 = arith.constant 0 : i32
        %dma_start3A_668 = arith.constant 0 : i32
        %dma_start3A_669 = tpu.memref_slice %arg2[%add3A_666, %dma_start3A_667, %dma_start3A_668] : memref<2500x2x128xi32, #tpu.memory_space<hbm>> -> memref<1x1x128xi32, #tpu.memory_space<hbm>>
        %dma_start3A_670 = tpu.memref_squeeze %dma_start3A_669 : memref<1x1x128xi32, #tpu.memory_space<hbm>> -> memref<128xi32, #tpu.memory_space<hbm>>
        %dma_start3A_671 = arith.constant 0 : i32
        %dma_start3A_672 = tpu.memref_slice %arg2[%add3A_666, %dma_start3A_667, %dma_start3A_671] : memref<2500x2x128xi32, #tpu.memory_space<hbm>> -> memref<1x1x128xi32, #tpu.memory_space<hbm>>
        %dma_start3A_673 = tpu.memref_squeeze %dma_start3A_672 : memref<1x1x128xi32, #tpu.memory_space<hbm>> -> memref<128xi32, #tpu.memory_space<hbm>>
        tpu.enqueue_dma source(%dma_start3A_673 : memref<128xi32, #tpu.memory_space<hbm>>) target(%arg7 : memref<128xi32, #tpu.memory_space<vmem>>) target_semaphore(%arg24 : memref<!tpu.dma_semaphore, #tpu.memory_space<semaphore_mem>>)
        %dma_start3A_674 = arith.constant 1 : i32
        %dma_start3A_675 = arith.constant 0 : i32
        %dma_start3A_676 = tpu.memref_slice %arg2[%add3A_666, %dma_start3A_674, %dma_start3A_675] : memref<2500x2x128xi32, #tpu.memory_space<hbm>> -> memref<1x1x128xi32, #tpu.memory_space<hbm>>
        %dma_start3A_677 = tpu.memref_squeeze %dma_start3A_676 : memref<1x1x128xi32, #tpu.memory_space<hbm>> -> memref<128xi32, #tpu.memory_space<hbm>>
        %dma_start3A_678 = arith.constant 0 : i32
        %dma_start3A_679 = tpu.memref_slice %arg2[%add3A_666, %dma_start3A_674, %dma_start3A_678] : memref<2500x2x128xi32, #tpu.memory_space<hbm>> -> memref<1x1x128xi32, #tpu.memory_space<hbm>>
        %dma_start3A_680 = tpu.memref_squeeze %dma_start3A_679 : memref<1x1x128xi32, #tpu.memory_space<hbm>> -> memref<128xi32, #tpu.memory_space<hbm>>
        tpu.enqueue_dma source(%dma_start3A_680 : memref<128xi32, #tpu.memory_space<hbm>>) target(%arg9 : memref<128xi32, #tpu.memory_space<vmem>>) target_semaphore(%arg24 : memref<!tpu.dma_semaphore, #tpu.memory_space<semaphore_mem>>)
      } else {
      }
      %add3A_487 = arith.constant 1 : i32
      %add3A_488 = arith.addi %mul3A_318, %add3A_487 : i32
      %add3A_489 = arith.constant 1 : i32
      %add3A_490 = arith.addi %add3A_488, %add3A_489 : i32
      %lt3A_491 = arith.constant 156 : i32
      %lt3A_492 = arith.cmpi slt, %add3A_490, %lt3A_491 : i32
      %convert_element_type3A_493 = arith.extui %lt3A_492 : i1 to i32
      %cond3A_494 = arith.constant 0 : i32
      %cond3A_495 = arith.cmpi ne, %convert_element_type3A_493, %cond3A_494 : i32
      scf.if %cond3A_495 {
        %dma_wait3A_662 = arith.constant 0 : i32
        %dma_wait3A_663 = arith.constant 0 : i32
        %dma_wait3A_664 = arith.constant 0 : i32
        %dma_wait3A_665 = tpu.memref_slice %arg2[%dma_wait3A_662, %dma_wait3A_663, %dma_wait3A_664] : memref<2500x2x128xi32, #tpu.memory_space<hbm>> -> memref<1x1x128xi32, #tpu.memory_space<hbm>>
        %dma_wait3A_666 = tpu.memref_squeeze %dma_wait3A_665 : memref<1x1x128xi32, #tpu.memory_space<hbm>> -> memref<128xi32, #tpu.memory_space<hbm>>
        %dma_wait3A_667 = arith.constant 0 : i32
        %dma_wait3A_668 = tpu.memref_slice %arg2[%dma_wait3A_662, %dma_wait3A_663, %dma_wait3A_667] : memref<2500x2x128xi32, #tpu.memory_space<hbm>> -> memref<1x1x128xi32, #tpu.memory_space<hbm>>
        %dma_wait3A_669 = tpu.memref_squeeze %dma_wait3A_668 : memref<1x1x128xi32, #tpu.memory_space<hbm>> -> memref<128xi32, #tpu.memory_space<hbm>>
        tpu.wait_dma2 semaphore(%arg24 : memref<!tpu.dma_semaphore, #tpu.memory_space<semaphore_mem>>) src(%dma_wait3A_669 : memref<128xi32, #tpu.memory_space<hbm>>) dst(%arg7 : memref<128xi32, #tpu.memory_space<vmem>>)
        %dma_wait3A_670 = arith.constant 0 : i32
        %dma_wait3A_671 = arith.constant 1 : i32
        %dma_wait3A_672 = arith.constant 0 : i32
        %dma_wait3A_673 = tpu.memref_slice %arg2[%dma_wait3A_670, %dma_wait3A_671, %dma_wait3A_672] : memref<2500x2x128xi32, #tpu.memory_space<hbm>> -> memref<1x1x128xi32, #tpu.memory_space<hbm>>
        %dma_wait3A_674 = tpu.memref_squeeze %dma_wait3A_673 : memref<1x1x128xi32, #tpu.memory_space<hbm>> -> memref<128xi32, #tpu.memory_space<hbm>>
        %dma_wait3A_675 = arith.constant 0 : i32
        %dma_wait3A_676 = tpu.memref_slice %arg2[%dma_wait3A_670, %dma_wait3A_671, %dma_wait3A_675] : memref<2500x2x128xi32, #tpu.memory_space<hbm>> -> memref<1x1x128xi32, #tpu.memory_space<hbm>>
        %dma_wait3A_677 = tpu.memref_squeeze %dma_wait3A_676 : memref<1x1x128xi32, #tpu.memory_space<hbm>> -> memref<128xi32, #tpu.memory_space<hbm>>
        tpu.wait_dma2 semaphore(%arg24 : memref<!tpu.dma_semaphore, #tpu.memory_space<semaphore_mem>>) src(%dma_wait3A_677 : memref<128xi32, #tpu.memory_space<hbm>>) dst(%arg9 : memref<128xi32, #tpu.memory_space<vmem>>)
        %dma_wait3A_678 = arith.constant 0 : i32
        %dma_wait3A_679 = arith.constant 0 : i32
        %dma_wait3A_680 = tpu.memref_slice %arg19[%dma_wait3A_678, %dma_wait3A_679] : memref<5040x128xf32, #tpu.memory_space<vmem_shared>> -> memref<5040x128xf32, #tpu.memory_space<vmem_shared>>
        tpu.wait_indirect_dma semaphore(%arg22 : memref<!tpu.dma_semaphore, #tpu.memory_space<semaphore_mem>>) src(%arg13 : memref<128x128xf32, #tpu.memory_space<vmem>>) dst(%dma_wait3A_680 : memref<5040x128xf32, #tpu.memory_space<vmem_shared>>)
        %dma_start3A_681 = arith.constant 0 : i32
        %dma_start3A_682 = arith.constant 0 : i32
        %dma_start3A_683 = tpu.memref_slice %arg3[%dma_start3A_681, %dma_start3A_682] : memref<10000x128xf32, #tpu.memory_space<hbm>> -> memref<10000x128xf32, #tpu.memory_space<hbm>>
        tpu.enqueue_indirect_dma source(%dma_start3A_683 : memref<10000x128xf32, #tpu.memory_space<hbm>>) target(%arg13 : memref<128x128xf32, #tpu.memory_space<vmem>>) offsets(%arg7 : memref<128xi32, #tpu.memory_space<vmem>>) semaphore(%arg20 : memref<!tpu.dma_semaphore, #tpu.memory_space<semaphore_mem>>)
      } else {
      }
      %dma_wait3A_496 = arith.constant 0 : i32
      %dma_wait3A_497 = arith.constant 0 : i32
      %dma_wait3A_498 = tpu.memref_slice %arg3[%dma_wait3A_496, %dma_wait3A_497] : memref<10000x128xf32, #tpu.memory_space<hbm>> -> memref<10000x128xf32, #tpu.memory_space<hbm>>
      tpu.wait_indirect_dma semaphore(%arg20 : memref<!tpu.dma_semaphore, #tpu.memory_space<semaphore_mem>>) src(%dma_wait3A_498 : memref<10000x128xf32, #tpu.memory_space<hbm>>) dst(%arg14 : memref<128x128xf32, #tpu.memory_space<vmem>>)
      %get3A_499 = arith.constant 0 : index
      %get3A_500 = tpu.vector_load %arg10[%get3A_499] {strides = array<i32>} : memref<128xi32, #tpu.memory_space<vmem>>, vector<16xi32>,
      %get3A_501 = vector.shape_cast %get3A_500 : vector<16xi32> to vector<16xi32>
      %ge3A_502 = vector.broadcast %mul3A_0 : i32 to vector<16xi32>
      %ge3A_503 = arith.cmpi sge, %get3A_501, %ge3A_502 : vector<16xi32>
      %add3A_504 = arith.constant 5000 : i32
      %add3A_505 = arith.addi %mul3A_0, %add3A_504 : i32
      %lt3A_506 = vector.broadcast %add3A_505 : i32 to vector<16xi32>
      %lt3A_507 = arith.cmpi slt, %get3A_501, %lt3A_506 : vector<16xi32>
      %and3A_508 = arith.andi %ge3A_503, %lt3A_507 : vector<16xi1>
      %sub3A_509 = vector.broadcast %mul3A_0 : i32 to vector<16xi32>
      %sub3A_510 = arith.subi %get3A_501, %sub3A_509 : vector<16xi32>
      %jit3A_511 = arith.constant 5000 : i32
      %broadcast_in_dim3A_512 = vector.broadcast %jit3A_511 : i32 to vector<16xi32>
      %select_n3A_513 = arith.select %and3A_508, %sub3A_510, %broadcast_in_dim3A_512 : vector<16xi1>, vector<16xi32>
      %swap3A_514 = arith.constant 0 : index
      %swap3A_515 = tpu.vector_load %arg12[%swap3A_514] {strides = array<i32>} : memref<128xi32, #tpu.memory_space<vmem>>, vector<16xi32>,
      %swap3A_516 = vector.shape_cast %swap3A_515 : vector<16xi32> to vector<16xi32>
      %swap3A_517 = vector.shape_cast %select_n3A_513 : vector<16xi32> to vector<16xi32>
      tpu.vector_store %arg12[%swap3A_514], %swap3A_517 {strides = array<i32>} : memref<128xi32, #tpu.memory_space<vmem>>, vector<16xi32>,
      %get3A_518 = arith.constant 16 : index
      %get3A_519 = tpu.vector_load %arg10[%get3A_518] {strides = array<i32>} : memref<128xi32, #tpu.memory_space<vmem>>, vector<16xi32>,
      %get3A_520 = vector.shape_cast %get3A_519 : vector<16xi32> to vector<16xi32>
      %ge3A_521 = vector.broadcast %mul3A_0 : i32 to vector<16xi32>
      %ge3A_522 = arith.cmpi sge, %get3A_520, %ge3A_521 : vector<16xi32>
      %add3A_523 = arith.constant 5000 : i32
      %add3A_524 = arith.addi %mul3A_0, %add3A_523 : i32
      %lt3A_525 = vector.broadcast %add3A_524 : i32 to vector<16xi32>
      %lt3A_526 = arith.cmpi slt, %get3A_520, %lt3A_525 : vector<16xi32>
      %and3A_527 = arith.andi %ge3A_522, %lt3A_526 : vector<16xi1>
      %sub3A_528 = vector.broadcast %mul3A_0 : i32 to vector<16xi32>
      %sub3A_529 = arith.subi %get3A_520, %sub3A_528 : vector<16xi32>
      %jit3A_530 = arith.constant 5000 : i32
      %broadcast_in_dim3A_531 = vector.broadcast %jit3A_530 : i32 to vector<16xi32>
      %select_n3A_532 = arith.select %and3A_527, %sub3A_529, %broadcast_in_dim3A_531 : vector<16xi1>, vector<16xi32>
      %swap3A_533 = arith.constant 16 : index
      %swap3A_534 = tpu.vector_load %arg12[%swap3A_533] {strides = array<i32>} : memref<128xi32, #tpu.memory_space<vmem>>, vector<16xi32>,
      %swap3A_535 = vector.shape_cast %swap3A_534 : vector<16xi32> to vector<16xi32>
      %swap3A_536 = vector.shape_cast %select_n3A_532 : vector<16xi32> to vector<16xi32>
      tpu.vector_store %arg12[%swap3A_533], %swap3A_536 {strides = array<i32>} : memref<128xi32, #tpu.memory_space<vmem>>, vector<16xi32>,
      %get3A_537 = arith.constant 32 : index
      %get3A_538 = tpu.vector_load %arg10[%get3A_537] {strides = array<i32>} : memref<128xi32, #tpu.memory_space<vmem>>, vector<16xi32>,
      %get3A_539 = vector.shape_cast %get3A_538 : vector<16xi32> to vector<16xi32>
      %ge3A_540 = vector.broadcast %mul3A_0 : i32 to vector<16xi32>
      %ge3A_541 = arith.cmpi sge, %get3A_539, %ge3A_540 : vector<16xi32>
      %add3A_542 = arith.constant 5000 : i32
      %add3A_543 = arith.addi %mul3A_0, %add3A_542 : i32
      %lt3A_544 = vector.broadcast %add3A_543 : i32 to vector<16xi32>
      %lt3A_545 = arith.cmpi slt, %get3A_539, %lt3A_544 : vector<16xi32>
      %and3A_546 = arith.andi %ge3A_541, %lt3A_545 : vector<16xi1>
      %sub3A_547 = vector.broadcast %mul3A_0 : i32 to vector<16xi32>
      %sub3A_548 = arith.subi %get3A_539, %sub3A_547 : vector<16xi32>
      %jit3A_549 = arith.constant 5000 : i32
      %broadcast_in_dim3A_550 = vector.broadcast %jit3A_549 : i32 to vector<16xi32>
      %select_n3A_551 = arith.select %and3A_546, %sub3A_548, %broadcast_in_dim3A_550 : vector<16xi1>, vector<16xi32>
      %swap3A_552 = arith.constant 32 : index
      %swap3A_553 = tpu.vector_load %arg12[%swap3A_552] {strides = array<i32>} : memref<128xi32, #tpu.memory_space<vmem>>, vector<16xi32>,
      %swap3A_554 = vector.shape_cast %swap3A_553 : vector<16xi32> to vector<16xi32>
      %swap3A_555 = vector.shape_cast %select_n3A_551 : vector<16xi32> to vector<16xi32>
      tpu.vector_store %arg12[%swap3A_552], %swap3A_555 {strides = array<i32>} : memref<128xi32, #tpu.memory_space<vmem>>, vector<16xi32>,
      %get3A_556 = arith.constant 48 : index
      %get3A_557 = tpu.vector_load %arg10[%get3A_556] {strides = array<i32>} : memref<128xi32, #tpu.memory_space<vmem>>, vector<16xi32>,
      %get3A_558 = vector.shape_cast %get3A_557 : vector<16xi32> to vector<16xi32>
      %ge3A_559 = vector.broadcast %mul3A_0 : i32 to vector<16xi32>
      %ge3A_560 = arith.cmpi sge, %get3A_558, %ge3A_559 : vector<16xi32>
      %add3A_561 = arith.constant 5000 : i32
      %add3A_562 = arith.addi %mul3A_0, %add3A_561 : i32
      %lt3A_563 = vector.broadcast %add3A_562 : i32 to vector<16xi32>
      %lt3A_564 = arith.cmpi slt, %get3A_558, %lt3A_563 : vector<16xi32>
      %and3A_565 = arith.andi %ge3A_560, %lt3A_564 : vector<16xi1>
      %sub3A_566 = vector.broadcast %mul3A_0 : i32 to vector<16xi32>
      %sub3A_567 = arith.subi %get3A_558, %sub3A_566 : vector<16xi32>
      %jit3A_568 = arith.constant 5000 : i32
      %broadcast_in_dim3A_569 = vector.broadcast %jit3A_568 : i32 to vector<16xi32>
      %select_n3A_570 = arith.select %and3A_565, %sub3A_567, %broadcast_in_dim3A_569 : vector<16xi1>, vector<16xi32>
      %swap3A_571 = arith.constant 48 : index
      %swap3A_572 = tpu.vector_load %arg12[%swap3A_571] {strides = array<i32>} : memref<128xi32, #tpu.memory_space<vmem>>, vector<16xi32>,
      %swap3A_573 = vector.shape_cast %swap3A_572 : vector<16xi32> to vector<16xi32>
      %swap3A_574 = vector.shape_cast %select_n3A_570 : vector<16xi32> to vector<16xi32>
      tpu.vector_store %arg12[%swap3A_571], %swap3A_574 {strides = array<i32>} : memref<128xi32, #tpu.memory_space<vmem>>, vector<16xi32>,
      %get3A_575 = arith.constant 64 : index
      %get3A_576 = tpu.vector_load %arg10[%get3A_575] {strides = array<i32>} : memref<128xi32, #tpu.memory_space<vmem>>, vector<16xi32>,
      %get3A_577 = vector.shape_cast %get3A_576 : vector<16xi32> to vector<16xi32>
      %ge3A_578 = vector.broadcast %mul3A_0 : i32 to vector<16xi32>
      %ge3A_579 = arith.cmpi sge, %get3A_577, %ge3A_578 : vector<16xi32>
      %add3A_580 = arith.constant 5000 : i32
      %add3A_581 = arith.addi %mul3A_0, %add3A_580 : i32
      %lt3A_582 = vector.broadcast %add3A_581 : i32 to vector<16xi32>
      %lt3A_583 = arith.cmpi slt, %get3A_577, %lt3A_582 : vector<16xi32>
      %and3A_584 = arith.andi %ge3A_579, %lt3A_583 : vector<16xi1>
      %sub3A_585 = vector.broadcast %mul3A_0 : i32 to vector<16xi32>
      %sub3A_586 = arith.subi %get3A_577, %sub3A_585 : vector<16xi32>
      %jit3A_587 = arith.constant 5000 : i32
      %broadcast_in_dim3A_588 = vector.broadcast %jit3A_587 : i32 to vector<16xi32>
      %select_n3A_589 = arith.select %and3A_584, %sub3A_586, %broadcast_in_dim3A_588 : vector<16xi1>, vector<16xi32>
      %swap3A_590 = arith.constant 64 : index
      %swap3A_591 = tpu.vector_load %arg12[%swap3A_590] {strides = array<i32>} : memref<128xi32, #tpu.memory_space<vmem>>, vector<16xi32>,
      %swap3A_592 = vector.shape_cast %swap3A_591 : vector<16xi32> to vector<16xi32>
      %swap3A_593 = vector.shape_cast %select_n3A_589 : vector<16xi32> to vector<16xi32>
      tpu.vector_store %arg12[%swap3A_590], %swap3A_593 {strides = array<i32>} : memref<128xi32, #tpu.memory_space<vmem>>, vector<16xi32>,
      %get3A_594 = arith.constant 80 : index
      %get3A_595 = tpu.vector_load %arg10[%get3A_594] {strides = array<i32>} : memref<128xi32, #tpu.memory_space<vmem>>, vector<16xi32>,
      %get3A_596 = vector.shape_cast %get3A_595 : vector<16xi32> to vector<16xi32>
      %ge3A_597 = vector.broadcast %mul3A_0 : i32 to vector<16xi32>
      %ge3A_598 = arith.cmpi sge, %get3A_596, %ge3A_597 : vector<16xi32>
      %add3A_599 = arith.constant 5000 : i32
      %add3A_600 = arith.addi %mul3A_0, %add3A_599 : i32
      %lt3A_601 = vector.broadcast %add3A_600 : i32 to vector<16xi32>
      %lt3A_602 = arith.cmpi slt, %get3A_596, %lt3A_601 : vector<16xi32>
      %and3A_603 = arith.andi %ge3A_598, %lt3A_602 : vector<16xi1>
      %sub3A_604 = vector.broadcast %mul3A_0 : i32 to vector<16xi32>
      %sub3A_605 = arith.subi %get3A_596, %sub3A_604 : vector<16xi32>
      %jit3A_606 = arith.constant 5000 : i32
      %broadcast_in_dim3A_607 = vector.broadcast %jit3A_606 : i32 to vector<16xi32>
      %select_n3A_608 = arith.select %and3A_603, %sub3A_605, %broadcast_in_dim3A_607 : vector<16xi1>, vector<16xi32>
      %swap3A_609 = arith.constant 80 : index
      %swap3A_610 = tpu.vector_load %arg12[%swap3A_609] {strides = array<i32>} : memref<128xi32, #tpu.memory_space<vmem>>, vector<16xi32>,
      %swap3A_611 = vector.shape_cast %swap3A_610 : vector<16xi32> to vector<16xi32>
      %swap3A_612 = vector.shape_cast %select_n3A_608 : vector<16xi32> to vector<16xi32>
      tpu.vector_store %arg12[%swap3A_609], %swap3A_612 {strides = array<i32>} : memref<128xi32, #tpu.memory_space<vmem>>, vector<16xi32>,
      %get3A_613 = arith.constant 96 : index
      %get3A_614 = tpu.vector_load %arg10[%get3A_613] {strides = array<i32>} : memref<128xi32, #tpu.memory_space<vmem>>, vector<16xi32>,
      %get3A_615 = vector.shape_cast %get3A_614 : vector<16xi32> to vector<16xi32>
      %ge3A_616 = vector.broadcast %mul3A_0 : i32 to vector<16xi32>
      %ge3A_617 = arith.cmpi sge, %get3A_615, %ge3A_616 : vector<16xi32>
      %add3A_618 = arith.constant 5000 : i32
      %add3A_619 = arith.addi %mul3A_0, %add3A_618 : i32
      %lt3A_620 = vector.broadcast %add3A_619 : i32 to vector<16xi32>
      %lt3A_621 = arith.cmpi slt, %get3A_615, %lt3A_620 : vector<16xi32>
      %and3A_622 = arith.andi %ge3A_617, %lt3A_621 : vector<16xi1>
      %sub3A_623 = vector.broadcast %mul3A_0 : i32 to vector<16xi32>
      %sub3A_624 = arith.subi %get3A_615, %sub3A_623 : vector<16xi32>
      %jit3A_625 = arith.constant 5000 : i32
      %broadcast_in_dim3A_626 = vector.broadcast %jit3A_625 : i32 to vector<16xi32>
      %select_n3A_627 = arith.select %and3A_622, %sub3A_624, %broadcast_in_dim3A_626 : vector<16xi1>, vector<16xi32>
      %swap3A_628 = arith.constant 96 : index
      %swap3A_629 = tpu.vector_load %arg12[%swap3A_628] {strides = array<i32>} : memref<128xi32, #tpu.memory_space<vmem>>, vector<16xi32>,
      %swap3A_630 = vector.shape_cast %swap3A_629 : vector<16xi32> to vector<16xi32>
      %swap3A_631 = vector.shape_cast %select_n3A_627 : vector<16xi32> to vector<16xi32>
      tpu.vector_store %arg12[%swap3A_628], %swap3A_631 {strides = array<i32>} : memref<128xi32, #tpu.memory_space<vmem>>, vector<16xi32>,
      %get3A_632 = arith.constant 112 : index
      %get3A_633 = tpu.vector_load %arg10[%get3A_632] {strides = array<i32>} : memref<128xi32, #tpu.memory_space<vmem>>, vector<16xi32>,
      %get3A_634 = vector.shape_cast %get3A_633 : vector<16xi32> to vector<16xi32>
      %ge3A_635 = vector.broadcast %mul3A_0 : i32 to vector<16xi32>
      %ge3A_636 = arith.cmpi sge, %get3A_634, %ge3A_635 : vector<16xi32>
      %add3A_637 = arith.constant 5000 : i32
      %add3A_638 = arith.addi %mul3A_0, %add3A_637 : i32
      %lt3A_639 = vector.broadcast %add3A_638 : i32 to vector<16xi32>
      %lt3A_640 = arith.cmpi slt, %get3A_634, %lt3A_639 : vector<16xi32>
      %and3A_641 = arith.andi %ge3A_636, %lt3A_640 : vector<16xi1>
      %sub3A_642 = vector.broadcast %mul3A_0 : i32 to vector<16xi32>
      %sub3A_643 = arith.subi %get3A_634, %sub3A_642 : vector<16xi32>
      %jit3A_644 = arith.constant 5000 : i32
      %broadcast_in_dim3A_645 = vector.broadcast %jit3A_644 : i32 to vector<16xi32>
      %select_n3A_646 = arith.select %and3A_641, %sub3A_643, %broadcast_in_dim3A_645 : vector<16xi1>, vector<16xi32>
      %swap3A_647 = arith.constant 112 : index
      %swap3A_648 = tpu.vector_load %arg12[%swap3A_647] {strides = array<i32>} : memref<128xi32, #tpu.memory_space<vmem>>, vector<16xi32>,
      %swap3A_649 = vector.shape_cast %swap3A_648 : vector<16xi32> to vector<16xi32>
      %swap3A_650 = vector.shape_cast %select_n3A_646 : vector<16xi32> to vector<16xi32>
      tpu.vector_store %arg12[%swap3A_647], %swap3A_650 {strides = array<i32>} : memref<128xi32, #tpu.memory_space<vmem>>, vector<16xi32>,
      %dma_start3A_651 = arith.constant 0 : i32
      %dma_start3A_652 = arith.constant 0 : i32
      %dma_start3A_653 = tpu.memref_slice %arg19[%dma_start3A_651, %dma_start3A_652] : memref<5040x128xf32, #tpu.memory_space<vmem_shared>> -> memref<5040x128xf32, #tpu.memory_space<vmem_shared>>
      tpu.enqueue_indirect_dma source(%arg14 : memref<128x128xf32, #tpu.memory_space<vmem>>) target(%dma_start3A_653 : memref<5040x128xf32, #tpu.memory_space<vmem_shared>>) offsets(%arg12 : memref<128xi32, #tpu.memory_space<vmem>>) semaphore(%arg22 : memref<!tpu.dma_semaphore, #tpu.memory_space<semaphore_mem>>) {add = true}
      %add3A_654 = arith.constant 2 : i32
      %add3A_655 = arith.addi %add3A_488, %add3A_654 : i32
      %lt3A_656 = arith.constant 156 : i32
      %lt3A_657 = arith.cmpi slt, %add3A_655, %lt3A_656 : i32
      %convert_element_type3A_658 = arith.extui %lt3A_657 : i1 to i32
      %cond3A_659 = arith.constant 0 : i32
      %cond3A_660 = arith.cmpi ne, %convert_element_type3A_658, %cond3A_659 : i32
      scf.if %cond3A_660 {
        %add3A_662 = arith.constant 2 : i32
        %add3A_663 = arith.addi %add3A_488, %add3A_662 : i32
        %mul3A_664 = arith.constant 16 : i32
        %mul3A_665 = arith.muli %add3A_663, %mul3A_664 : i32
        %add3A_666 = arith.addi %arg1, %mul3A_665 : i32
        %dma_start3A_667 = arith.constant 0 : i32
        %dma_start3A_668 = arith.constant 0 : i32
        %dma_start3A_669 = tpu.memref_slice %arg2[%add3A_666, %dma_start3A_667, %dma_start3A_668] : memref<2500x2x128xi32, #tpu.memory_space<hbm>> -> memref<1x1x128xi32, #tpu.memory_space<hbm>>
        %dma_start3A_670 = tpu.memref_squeeze %dma_start3A_669 : memref<1x1x128xi32, #tpu.memory_space<hbm>> -> memref<128xi32, #tpu.memory_space<hbm>>
        %dma_start3A_671 = arith.constant 0 : i32
        %dma_start3A_672 = tpu.memref_slice %arg2[%add3A_666, %dma_start3A_667, %dma_start3A_671] : memref<2500x2x128xi32, #tpu.memory_space<hbm>> -> memref<1x1x128xi32, #tpu.memory_space<hbm>>
        %dma_start3A_673 = tpu.memref_squeeze %dma_start3A_672 : memref<1x1x128xi32, #tpu.memory_space<hbm>> -> memref<128xi32, #tpu.memory_space<hbm>>
        tpu.enqueue_dma source(%dma_start3A_673 : memref<128xi32, #tpu.memory_space<hbm>>) target(%arg8 : memref<128xi32, #tpu.memory_space<vmem>>) target_semaphore(%arg24 : memref<!tpu.dma_semaphore, #tpu.memory_space<semaphore_mem>>)
        %dma_start3A_674 = arith.constant 1 : i32
        %dma_start3A_675 = arith.constant 0 : i32
        %dma_start3A_676 = tpu.memref_slice %arg2[%add3A_666, %dma_start3A_674, %dma_start3A_675] : memref<2500x2x128xi32, #tpu.memory_space<hbm>> -> memref<1x1x128xi32, #tpu.memory_space<hbm>>
        %dma_start3A_677 = tpu.memref_squeeze %dma_start3A_676 : memref<1x1x128xi32, #tpu.memory_space<hbm>> -> memref<128xi32, #tpu.memory_space<hbm>>
        %dma_start3A_678 = arith.constant 0 : i32
        %dma_start3A_679 = tpu.memref_slice %arg2[%add3A_666, %dma_start3A_674, %dma_start3A_678] : memref<2500x2x128xi32, #tpu.memory_space<hbm>> -> memref<1x1x128xi32, #tpu.memory_space<hbm>>
        %dma_start3A_680 = tpu.memref_squeeze %dma_start3A_679 : memref<1x1x128xi32, #tpu.memory_space<hbm>> -> memref<128xi32, #tpu.memory_space<hbm>>
        tpu.enqueue_dma source(%dma_start3A_680 : memref<128xi32, #tpu.memory_space<hbm>>) target(%arg10 : memref<128xi32, #tpu.memory_space<vmem>>) target_semaphore(%arg24 : memref<!tpu.dma_semaphore, #tpu.memory_space<semaphore_mem>>)
      } else {
      }
      %scan3A_661 = arith.constant 0 : i32
      scf.yield %scan3A_661 : i32
    }
    %scan3A_137 = arith.constant 78 : i32
    %dma_wait3A = arith.constant 0 : i32
    %dma_wait3A_138 = arith.constant 0 : i32
    %dma_wait3A_139 = tpu.memref_slice %arg19[%dma_wait3A, %dma_wait3A_138] : memref<5040x128xf32, #tpu.memory_space<vmem_shared>> -> memref<5040x128xf32, #tpu.memory_space<vmem_shared>>
    tpu.wait_indirect_dma semaphore(%arg22 : memref<!tpu.dma_semaphore, #tpu.memory_space<semaphore_mem>>) src(%arg13 : memref<128x128xf32, #tpu.memory_space<vmem>>) dst(%dma_wait3A_139 : memref<5040x128xf32, #tpu.memory_space<vmem_shared>>)
    %dma_wait3A_140 = arith.constant 0 : i32
    %dma_wait3A_141 = arith.constant 0 : i32
    %dma_wait3A_142 = tpu.memref_slice %arg19[%dma_wait3A_140, %dma_wait3A_141] : memref<5040x128xf32, #tpu.memory_space<vmem_shared>> -> memref<5040x128xf32, #tpu.memory_space<vmem_shared>>
    tpu.wait_indirect_dma semaphore(%arg22 : memref<!tpu.dma_semaphore, #tpu.memory_space<semaphore_mem>>) src(%arg14 : memref<128x128xf32, #tpu.memory_space<vmem>>) dst(%dma_wait3A_142 : memref<5040x128xf32, #tpu.memory_space<vmem_shared>>)
    %lt3A = arith.constant 4 : i32
    %lt3A_143 = arith.cmpi slt, %arg1, %lt3A : i32
    %convert_element_type3A = arith.extui %lt3A_143 : i1 to i32
    %cond3A = arith.constant 0 : i32
    %cond3A_144 = arith.cmpi ne, %convert_element_type3A, %cond3A : i32
    scf.if %cond3A_144 {
      %add3A_315 = arith.constant 2496 : i32
      %add3A_316 = arith.addi %arg1, %add3A_315 : i32
      %run_scoped3A_317 = arith.constant 0 : i32
      "tpu.region"() ({
        %run_scoped3A_471 = tpu.sem_alloc : memref<!tpu.dma_semaphore, #tpu.memory_space<semaphore_mem>>
        %dma_start3A_472 = arith.constant 0 : i32
        %dma_start3A_473 = tpu.memref_slice %arg2[%add3A_316, %run_scoped3A_317, %dma_start3A_472] : memref<2500x2x128xi32, #tpu.memory_space<hbm>> -> memref<1x1x128xi32, #tpu.memory_space<hbm>>
        %dma_start3A_474 = tpu.memref_squeeze %dma_start3A_473 : memref<1x1x128xi32, #tpu.memory_space<hbm>> -> memref<128xi32, #tpu.memory_space<hbm>>
        %dma_start3A_475 = arith.constant 0 : i32
        %dma_start3A_476 = tpu.memref_slice %arg2[%add3A_316, %run_scoped3A_317, %dma_start3A_475] : memref<2500x2x128xi32, #tpu.memory_space<hbm>> -> memref<1x1x128xi32, #tpu.memory_space<hbm>>
        %dma_start3A_477 = tpu.memref_squeeze %dma_start3A_476 : memref<1x1x128xi32, #tpu.memory_space<hbm>> -> memref<128xi32, #tpu.memory_space<hbm>>
        tpu.enqueue_dma source(%dma_start3A_477 : memref<128xi32, #tpu.memory_space<hbm>>) target(%arg7 : memref<128xi32, #tpu.memory_space<vmem>>) target_semaphore(%run_scoped3A_471 : memref<!tpu.dma_semaphore, #tpu.memory_space<semaphore_mem>>)
        %dma_wait3A_478 = arith.constant 0 : i32
        %dma_wait3A_479 = tpu.memref_slice %arg2[%add3A_316, %run_scoped3A_317, %dma_wait3A_478] : memref<2500x2x128xi32, #tpu.memory_space<hbm>> -> memref<1x1x128xi32, #tpu.memory_space<hbm>>
        %dma_wait3A_480 = tpu.memref_squeeze %dma_wait3A_479 : memref<1x1x128xi32, #tpu.memory_space<hbm>> -> memref<128xi32, #tpu.memory_space<hbm>>
        %dma_wait3A_481 = arith.constant 0 : i32
        %dma_wait3A_482 = tpu.memref_slice %arg2[%add3A_316, %run_scoped3A_317, %dma_wait3A_481] : memref<2500x2x128xi32, #tpu.memory_space<hbm>> -> memref<1x1x128xi32, #tpu.memory_space<hbm>>
        %dma_wait3A_483 = tpu.memref_squeeze %dma_wait3A_482 : memref<1x1x128xi32, #tpu.memory_space<hbm>> -> memref<128xi32, #tpu.memory_space<hbm>>
        tpu.wait_dma2 semaphore(%run_scoped3A_471 : memref<!tpu.dma_semaphore, #tpu.memory_space<semaphore_mem>>) src(%dma_wait3A_483 : memref<128xi32, #tpu.memory_space<hbm>>) dst(%arg7 : memref<128xi32, #tpu.memory_space<vmem>>)
        tpu.yield
      }) : () -> ()
      %run_scoped3A_318 = arith.constant 1 : i32
      "tpu.region"() ({
        %run_scoped3A_471 = tpu.sem_alloc : memref<!tpu.dma_semaphore, #tpu.memory_space<semaphore_mem>>
        %dma_start3A_472 = arith.constant 0 : i32
        %dma_start3A_473 = tpu.memref_slice %arg2[%add3A_316, %run_scoped3A_318, %dma_start3A_472] : memref<2500x2x128xi32, #tpu.memory_space<hbm>> -> memref<1x1x128xi32, #tpu.memory_space<hbm>>
        %dma_start3A_474 = tpu.memref_squeeze %dma_start3A_473 : memref<1x1x128xi32, #tpu.memory_space<hbm>> -> memref<128xi32, #tpu.memory_space<hbm>>
        %dma_start3A_475 = arith.constant 0 : i32
        %dma_start3A_476 = tpu.memref_slice %arg2[%add3A_316, %run_scoped3A_318, %dma_start3A_475] : memref<2500x2x128xi32, #tpu.memory_space<hbm>> -> memref<1x1x128xi32, #tpu.memory_space<hbm>>
        %dma_start3A_477 = tpu.memref_squeeze %dma_start3A_476 : memref<1x1x128xi32, #tpu.memory_space<hbm>> -> memref<128xi32, #tpu.memory_space<hbm>>
        tpu.enqueue_dma source(%dma_start3A_477 : memref<128xi32, #tpu.memory_space<hbm>>) target(%arg9 : memref<128xi32, #tpu.memory_space<vmem>>) target_semaphore(%run_scoped3A_471 : memref<!tpu.dma_semaphore, #tpu.memory_space<semaphore_mem>>)
        %dma_wait3A_478 = arith.constant 0 : i32
        %dma_wait3A_479 = tpu.memref_slice %arg2[%add3A_316, %run_scoped3A_318, %dma_wait3A_478] : memref<2500x2x128xi32, #tpu.memory_space<hbm>> -> memref<1x1x128xi32, #tpu.memory_space<hbm>>
        %dma_wait3A_480 = tpu.memref_squeeze %dma_wait3A_479 : memref<1x1x128xi32, #tpu.memory_space<hbm>> -> memref<128xi32, #tpu.memory_space<hbm>>
        %dma_wait3A_481 = arith.constant 0 : i32
        %dma_wait3A_482 = tpu.memref_slice %arg2[%add3A_316, %run_scoped3A_318, %dma_wait3A_481] : memref<2500x2x128xi32, #tpu.memory_space<hbm>> -> memref<1x1x128xi32, #tpu.memory_space<hbm>>
        %dma_wait3A_483 = tpu.memref_squeeze %dma_wait3A_482 : memref<1x1x128xi32, #tpu.memory_space<hbm>> -> memref<128xi32, #tpu.memory_space<hbm>>
        tpu.wait_dma2 semaphore(%run_scoped3A_471 : memref<!tpu.dma_semaphore, #tpu.memory_space<semaphore_mem>>) src(%dma_wait3A_483 : memref<128xi32, #tpu.memory_space<hbm>>) dst(%arg9 : memref<128xi32, #tpu.memory_space<vmem>>)
        tpu.yield
      }) : () -> ()
      %dma_start3A_319 = arith.constant 0 : i32
      %dma_start3A_320 = arith.constant 0 : i32
      %dma_start3A_321 = tpu.memref_slice %arg3[%dma_start3A_319, %dma_start3A_320] : memref<10000x128xf32, #tpu.memory_space<hbm>> -> memref<10000x128xf32, #tpu.memory_space<hbm>>
      tpu.enqueue_indirect_dma source(%dma_start3A_321 : memref<10000x128xf32, #tpu.memory_space<hbm>>) target(%arg13 : memref<128x128xf32, #tpu.memory_space<vmem>>) offsets(%arg7 : memref<128xi32, #tpu.memory_space<vmem>>) semaphore(%arg20 : memref<!tpu.dma_semaphore, #tpu.memory_space<semaphore_mem>>)
      %dma_wait3A_322 = arith.constant 0 : i32
      %dma_wait3A_323 = arith.constant 0 : i32
      %dma_wait3A_324 = tpu.memref_slice %arg3[%dma_wait3A_322, %dma_wait3A_323] : memref<10000x128xf32, #tpu.memory_space<hbm>> -> memref<10000x128xf32, #tpu.memory_space<hbm>>
      tpu.wait_indirect_dma semaphore(%arg20 : memref<!tpu.dma_semaphore, #tpu.memory_space<semaphore_mem>>) src(%dma_wait3A_324 : memref<10000x128xf32, #tpu.memory_space<hbm>>) dst(%arg13 : memref<128x128xf32, #tpu.memory_space<vmem>>)
      %get3A = arith.constant 0 : index
      %get3A_325 = tpu.vector_load %arg9[%get3A] {strides = array<i32>} : memref<128xi32, #tpu.memory_space<vmem>>, vector<16xi32>,
      %get3A_326 = vector.shape_cast %get3A_325 : vector<16xi32> to vector<16xi32>
      %ge3A = vector.broadcast %mul3A_0 : i32 to vector<16xi32>
      %ge3A_327 = arith.cmpi sge, %get3A_326, %ge3A : vector<16xi32>
      %add3A_328 = arith.constant 5000 : i32
      %add3A_329 = arith.addi %mul3A_0, %add3A_328 : i32
      %lt3A_330 = vector.broadcast %add3A_329 : i32 to vector<16xi32>
      %lt3A_331 = arith.cmpi slt, %get3A_326, %lt3A_330 : vector<16xi32>
      %and3A = arith.andi %ge3A_327, %lt3A_331 : vector<16xi1>
      %sub3A = vector.broadcast %mul3A_0 : i32 to vector<16xi32>
      %sub3A_332 = arith.subi %get3A_326, %sub3A : vector<16xi32>
      %jit3A = arith.constant 5000 : i32
      %broadcast_in_dim3A_333 = vector.broadcast %jit3A : i32 to vector<16xi32>
      %select_n3A = arith.select %and3A, %sub3A_332, %broadcast_in_dim3A_333 : vector<16xi1>, vector<16xi32>
      %swap3A_334 = arith.constant 0 : index
      %swap3A_335 = tpu.vector_load %arg11[%swap3A_334] {strides = array<i32>} : memref<128xi32, #tpu.memory_space<vmem>>, vector<16xi32>,
      %swap3A_336 = vector.shape_cast %swap3A_335 : vector<16xi32> to vector<16xi32>
      %swap3A_337 = vector.shape_cast %select_n3A : vector<16xi32> to vector<16xi32>
      tpu.vector_store %arg11[%swap3A_334], %swap3A_337 {strides = array<i32>} : memref<128xi32, #tpu.memory_space<vmem>>, vector<16xi32>,
      %get3A_338 = arith.constant 16 : index
      %get3A_339 = tpu.vector_load %arg9[%get3A_338] {strides = array<i32>} : memref<128xi32, #tpu.memory_space<vmem>>, vector<16xi32>,
      %get3A_340 = vector.shape_cast %get3A_339 : vector<16xi32> to vector<16xi32>
      %ge3A_341 = vector.broadcast %mul3A_0 : i32 to vector<16xi32>
      %ge3A_342 = arith.cmpi sge, %get3A_340, %ge3A_341 : vector<16xi32>
      %add3A_343 = arith.constant 5000 : i32
      %add3A_344 = arith.addi %mul3A_0, %add3A_343 : i32
      %lt3A_345 = vector.broadcast %add3A_344 : i32 to vector<16xi32>
      %lt3A_346 = arith.cmpi slt, %get3A_340, %lt3A_345 : vector<16xi32>
      %and3A_347 = arith.andi %ge3A_342, %lt3A_346 : vector<16xi1>
      %sub3A_348 = vector.broadcast %mul3A_0 : i32 to vector<16xi32>
      %sub3A_349 = arith.subi %get3A_340, %sub3A_348 : vector<16xi32>
      %jit3A_350 = arith.constant 5000 : i32
      %broadcast_in_dim3A_351 = vector.broadcast %jit3A_350 : i32 to vector<16xi32>
      %select_n3A_352 = arith.select %and3A_347, %sub3A_349, %broadcast_in_dim3A_351 : vector<16xi1>, vector<16xi32>
      %swap3A_353 = arith.constant 16 : index
      %swap3A_354 = tpu.vector_load %arg11[%swap3A_353] {strides = array<i32>} : memref<128xi32, #tpu.memory_space<vmem>>, vector<16xi32>,
      %swap3A_355 = vector.shape_cast %swap3A_354 : vector<16xi32> to vector<16xi32>
      %swap3A_356 = vector.shape_cast %select_n3A_352 : vector<16xi32> to vector<16xi32>
      tpu.vector_store %arg11[%swap3A_353], %swap3A_356 {strides = array<i32>} : memref<128xi32, #tpu.memory_space<vmem>>, vector<16xi32>,
      %get3A_357 = arith.constant 32 : index
      %get3A_358 = tpu.vector_load %arg9[%get3A_357] {strides = array<i32>} : memref<128xi32, #tpu.memory_space<vmem>>, vector<16xi32>,
      %get3A_359 = vector.shape_cast %get3A_358 : vector<16xi32> to vector<16xi32>
      %ge3A_360 = vector.broadcast %mul3A_0 : i32 to vector<16xi32>
      %ge3A_361 = arith.cmpi sge, %get3A_359, %ge3A_360 : vector<16xi32>
      %add3A_362 = arith.constant 5000 : i32
      %add3A_363 = arith.addi %mul3A_0, %add3A_362 : i32
      %lt3A_364 = vector.broadcast %add3A_363 : i32 to vector<16xi32>
      %lt3A_365 = arith.cmpi slt, %get3A_359, %lt3A_364 : vector<16xi32>
      %and3A_366 = arith.andi %ge3A_361, %lt3A_365 : vector<16xi1>
      %sub3A_367 = vector.broadcast %mul3A_0 : i32 to vector<16xi32>
      %sub3A_368 = arith.subi %get3A_359, %sub3A_367 : vector<16xi32>
      %jit3A_369 = arith.constant 5000 : i32
      %broadcast_in_dim3A_370 = vector.broadcast %jit3A_369 : i32 to vector<16xi32>
      %select_n3A_371 = arith.select %and3A_366, %sub3A_368, %broadcast_in_dim3A_370 : vector<16xi1>, vector<16xi32>
      %swap3A_372 = arith.constant 32 : index
      %swap3A_373 = tpu.vector_load %arg11[%swap3A_372] {strides = array<i32>} : memref<128xi32, #tpu.memory_space<vmem>>, vector<16xi32>,
      %swap3A_374 = vector.shape_cast %swap3A_373 : vector<16xi32> to vector<16xi32>
      %swap3A_375 = vector.shape_cast %select_n3A_371 : vector<16xi32> to vector<16xi32>
      tpu.vector_store %arg11[%swap3A_372], %swap3A_375 {strides = array<i32>} : memref<128xi32, #tpu.memory_space<vmem>>, vector<16xi32>,
      %get3A_376 = arith.constant 48 : index
      %get3A_377 = tpu.vector_load %arg9[%get3A_376] {strides = array<i32>} : memref<128xi32, #tpu.memory_space<vmem>>, vector<16xi32>,
      %get3A_378 = vector.shape_cast %get3A_377 : vector<16xi32> to vector<16xi32>
      %ge3A_379 = vector.broadcast %mul3A_0 : i32 to vector<16xi32>
      %ge3A_380 = arith.cmpi sge, %get3A_378, %ge3A_379 : vector<16xi32>
      %add3A_381 = arith.constant 5000 : i32
      %add3A_382 = arith.addi %mul3A_0, %add3A_381 : i32
      %lt3A_383 = vector.broadcast %add3A_382 : i32 to vector<16xi32>
      %lt3A_384 = arith.cmpi slt, %get3A_378, %lt3A_383 : vector<16xi32>
      %and3A_385 = arith.andi %ge3A_380, %lt3A_384 : vector<16xi1>
      %sub3A_386 = vector.broadcast %mul3A_0 : i32 to vector<16xi32>
      %sub3A_387 = arith.subi %get3A_378, %sub3A_386 : vector<16xi32>
      %jit3A_388 = arith.constant 5000 : i32
      %broadcast_in_dim3A_389 = vector.broadcast %jit3A_388 : i32 to vector<16xi32>
      %select_n3A_390 = arith.select %and3A_385, %sub3A_387, %broadcast_in_dim3A_389 : vector<16xi1>, vector<16xi32>
      %swap3A_391 = arith.constant 48 : index
      %swap3A_392 = tpu.vector_load %arg11[%swap3A_391] {strides = array<i32>} : memref<128xi32, #tpu.memory_space<vmem>>, vector<16xi32>,
      %swap3A_393 = vector.shape_cast %swap3A_392 : vector<16xi32> to vector<16xi32>
      %swap3A_394 = vector.shape_cast %select_n3A_390 : vector<16xi32> to vector<16xi32>
      tpu.vector_store %arg11[%swap3A_391], %swap3A_394 {strides = array<i32>} : memref<128xi32, #tpu.memory_space<vmem>>, vector<16xi32>,
      %get3A_395 = arith.constant 64 : index
      %get3A_396 = tpu.vector_load %arg9[%get3A_395] {strides = array<i32>} : memref<128xi32, #tpu.memory_space<vmem>>, vector<16xi32>,
      %get3A_397 = vector.shape_cast %get3A_396 : vector<16xi32> to vector<16xi32>
      %ge3A_398 = vector.broadcast %mul3A_0 : i32 to vector<16xi32>
      %ge3A_399 = arith.cmpi sge, %get3A_397, %ge3A_398 : vector<16xi32>
      %add3A_400 = arith.constant 5000 : i32
      %add3A_401 = arith.addi %mul3A_0, %add3A_400 : i32
      %lt3A_402 = vector.broadcast %add3A_401 : i32 to vector<16xi32>
      %lt3A_403 = arith.cmpi slt, %get3A_397, %lt3A_402 : vector<16xi32>
      %and3A_404 = arith.andi %ge3A_399, %lt3A_403 : vector<16xi1>
      %sub3A_405 = vector.broadcast %mul3A_0 : i32 to vector<16xi32>
      %sub3A_406 = arith.subi %get3A_397, %sub3A_405 : vector<16xi32>
      %jit3A_407 = arith.constant 5000 : i32
      %broadcast_in_dim3A_408 = vector.broadcast %jit3A_407 : i32 to vector<16xi32>
      %select_n3A_409 = arith.select %and3A_404, %sub3A_406, %broadcast_in_dim3A_408 : vector<16xi1>, vector<16xi32>
      %swap3A_410 = arith.constant 64 : index
      %swap3A_411 = tpu.vector_load %arg11[%swap3A_410] {strides = array<i32>} : memref<128xi32, #tpu.memory_space<vmem>>, vector<16xi32>,
      %swap3A_412 = vector.shape_cast %swap3A_411 : vector<16xi32> to vector<16xi32>
      %swap3A_413 = vector.shape_cast %select_n3A_409 : vector<16xi32> to vector<16xi32>
      tpu.vector_store %arg11[%swap3A_410], %swap3A_413 {strides = array<i32>} : memref<128xi32, #tpu.memory_space<vmem>>, vector<16xi32>,
      %get3A_414 = arith.constant 80 : index
      %get3A_415 = tpu.vector_load %arg9[%get3A_414] {strides = array<i32>} : memref<128xi32, #tpu.memory_space<vmem>>, vector<16xi32>,
      %get3A_416 = vector.shape_cast %get3A_415 : vector<16xi32> to vector<16xi32>
      %ge3A_417 = vector.broadcast %mul3A_0 : i32 to vector<16xi32>
      %ge3A_418 = arith.cmpi sge, %get3A_416, %ge3A_417 : vector<16xi32>
      %add3A_419 = arith.constant 5000 : i32
      %add3A_420 = arith.addi %mul3A_0, %add3A_419 : i32
      %lt3A_421 = vector.broadcast %add3A_420 : i32 to vector<16xi32>
      %lt3A_422 = arith.cmpi slt, %get3A_416, %lt3A_421 : vector<16xi32>
      %and3A_423 = arith.andi %ge3A_418, %lt3A_422 : vector<16xi1>
      %sub3A_424 = vector.broadcast %mul3A_0 : i32 to vector<16xi32>
      %sub3A_425 = arith.subi %get3A_416, %sub3A_424 : vector<16xi32>
      %jit3A_426 = arith.constant 5000 : i32
      %broadcast_in_dim3A_427 = vector.broadcast %jit3A_426 : i32 to vector<16xi32>
      %select_n3A_428 = arith.select %and3A_423, %sub3A_425, %broadcast_in_dim3A_427 : vector<16xi1>, vector<16xi32>
      %swap3A_429 = arith.constant 80 : index
      %swap3A_430 = tpu.vector_load %arg11[%swap3A_429] {strides = array<i32>} : memref<128xi32, #tpu.memory_space<vmem>>, vector<16xi32>,
      %swap3A_431 = vector.shape_cast %swap3A_430 : vector<16xi32> to vector<16xi32>
      %swap3A_432 = vector.shape_cast %select_n3A_428 : vector<16xi32> to vector<16xi32>
      tpu.vector_store %arg11[%swap3A_429], %swap3A_432 {strides = array<i32>} : memref<128xi32, #tpu.memory_space<vmem>>, vector<16xi32>,
      %get3A_433 = arith.constant 96 : index
      %get3A_434 = tpu.vector_load %arg9[%get3A_433] {strides = array<i32>} : memref<128xi32, #tpu.memory_space<vmem>>, vector<16xi32>,
      %get3A_435 = vector.shape_cast %get3A_434 : vector<16xi32> to vector<16xi32>
      %ge3A_436 = vector.broadcast %mul3A_0 : i32 to vector<16xi32>
      %ge3A_437 = arith.cmpi sge, %get3A_435, %ge3A_436 : vector<16xi32>
      %add3A_438 = arith.constant 5000 : i32
      %add3A_439 = arith.addi %mul3A_0, %add3A_438 : i32
      %lt3A_440 = vector.broadcast %add3A_439 : i32 to vector<16xi32>
      %lt3A_441 = arith.cmpi slt, %get3A_435, %lt3A_440 : vector<16xi32>
      %and3A_442 = arith.andi %ge3A_437, %lt3A_441 : vector<16xi1>
      %sub3A_443 = vector.broadcast %mul3A_0 : i32 to vector<16xi32>
      %sub3A_444 = arith.subi %get3A_435, %sub3A_443 : vector<16xi32>
      %jit3A_445 = arith.constant 5000 : i32
      %broadcast_in_dim3A_446 = vector.broadcast %jit3A_445 : i32 to vector<16xi32>
      %select_n3A_447 = arith.select %and3A_442, %sub3A_444, %broadcast_in_dim3A_446 : vector<16xi1>, vector<16xi32>
      %swap3A_448 = arith.constant 96 : index
      %swap3A_449 = tpu.vector_load %arg11[%swap3A_448] {strides = array<i32>} : memref<128xi32, #tpu.memory_space<vmem>>, vector<16xi32>,
      %swap3A_450 = vector.shape_cast %swap3A_449 : vector<16xi32> to vector<16xi32>
      %swap3A_451 = vector.shape_cast %select_n3A_447 : vector<16xi32> to vector<16xi32>
      tpu.vector_store %arg11[%swap3A_448], %swap3A_451 {strides = array<i32>} : memref<128xi32, #tpu.memory_space<vmem>>, vector<16xi32>,
      %get3A_452 = arith.constant 112 : index
      %get3A_453 = tpu.vector_load %arg9[%get3A_452] {strides = array<i32>} : memref<128xi32, #tpu.memory_space<vmem>>, vector<16xi32>,
      %get3A_454 = vector.shape_cast %get3A_453 : vector<16xi32> to vector<16xi32>
      %ge3A_455 = vector.broadcast %mul3A_0 : i32 to vector<16xi32>
      %ge3A_456 = arith.cmpi sge, %get3A_454, %ge3A_455 : vector<16xi32>
      %add3A_457 = arith.constant 5000 : i32
      %add3A_458 = arith.addi %mul3A_0, %add3A_457 : i32
      %lt3A_459 = vector.broadcast %add3A_458 : i32 to vector<16xi32>
      %lt3A_460 = arith.cmpi slt, %get3A_454, %lt3A_459 : vector<16xi32>
      %and3A_461 = arith.andi %ge3A_456, %lt3A_460 : vector<16xi1>
      %sub3A_462 = vector.broadcast %mul3A_0 : i32 to vector<16xi32>
      %sub3A_463 = arith.subi %get3A_454, %sub3A_462 : vector<16xi32>
      %jit3A_464 = arith.constant 5000 : i32
      %broadcast_in_dim3A_465 = vector.broadcast %jit3A_464 : i32 to vector<16xi32>
      %select_n3A_466 = arith.select %and3A_461, %sub3A_463, %broadcast_in_dim3A_465 : vector<16xi1>, vector<16xi32>
      %swap3A_467 = arith.constant 112 : index
      %swap3A_468 = tpu.vector_load %arg11[%swap3A_467] {strides = array<i32>} : memref<128xi32, #tpu.memory_space<vmem>>, vector<16xi32>,
      %swap3A_469 = vector.shape_cast %swap3A_468 : vector<16xi32> to vector<16xi32>
      %swap3A_470 = vector.shape_cast %select_n3A_466 : vector<16xi32> to vector<16xi32>
      tpu.vector_store %arg11[%swap3A_467], %swap3A_470 {strides = array<i32>} : memref<128xi32, #tpu.memory_space<vmem>>, vector<16xi32>,
      "tpu.region"() ({
        %run_scoped3A_471 = tpu.sem_alloc : memref<!tpu.dma_semaphore, #tpu.memory_space<semaphore_mem>>
        %dma_start3A_472 = arith.constant 0 : i32
        %dma_start3A_473 = arith.constant 0 : i32
        %dma_start3A_474 = tpu.memref_slice %arg19[%dma_start3A_472, %dma_start3A_473] : memref<5040x128xf32, #tpu.memory_space<vmem_shared>> -> memref<5040x128xf32, #tpu.memory_space<vmem_shared>>
        tpu.enqueue_indirect_dma source(%arg13 : memref<128x128xf32, #tpu.memory_space<vmem>>) target(%dma_start3A_474 : memref<5040x128xf32, #tpu.memory_space<vmem_shared>>) offsets(%arg11 : memref<128xi32, #tpu.memory_space<vmem>>) semaphore(%run_scoped3A_471 : memref<!tpu.dma_semaphore, #tpu.memory_space<semaphore_mem>>) {add = true}
        %dma_wait3A_475 = arith.constant 0 : i32
        %dma_wait3A_476 = arith.constant 0 : i32
        %dma_wait3A_477 = tpu.memref_slice %arg19[%dma_wait3A_475, %dma_wait3A_476] : memref<5040x128xf32, #tpu.memory_space<vmem_shared>> -> memref<5040x128xf32, #tpu.memory_space<vmem_shared>>
        tpu.wait_indirect_dma semaphore(%run_scoped3A_471 : memref<!tpu.dma_semaphore, #tpu.memory_space<semaphore_mem>>) src(%arg13 : memref<128x128xf32, #tpu.memory_space<vmem>>) dst(%dma_wait3A_477 : memref<5040x128xf32, #tpu.memory_space<vmem_shared>>)
        tpu.yield
      }) : () -> ()
    } else {
    }
    %barrier3A_145 = arith.constant 0 : index
    tpu.barrier barrier_id(%barrier3A_145)
    %scan3A_146 = arith.constant 0 : i32
    %scan3A_147 = arith.constant 0 : i32
    %scan3A_148 = arith.constant 8 : i32
    %scan3A_149 = arith.addi %scan3A_147, %scan3A_148 : i32
    %scan3A_150 = arith.constant 1 : i32
    %scan3A_151 = scf.for %scan3A_315 = %scan3A_147 to %scan3A_149 step %scan3A_150 iter_args(%scan3A_316 = %scan3A_146) -> (i32)  : i32 {
      %mul3A_317 = arith.constant 16 : i32
      %mul3A_318 = arith.muli %scan3A_315, %mul3A_317 : i32
      %add3A_319 = arith.addi %arg1, %mul3A_318 : i32
      %lt3A_320 = arith.constant 125 : i32
      %lt3A_321 = arith.cmpi slt, %add3A_319, %lt3A_320 : i32
      %convert_element_type3A_322 = arith.extui %lt3A_321 : i1 to i32
      %cond3A_323 = arith.constant 0 : i32
      %cond3A_324 = arith.cmpi ne, %convert_element_type3A_322, %cond3A_323 : i32
      scf.if %cond3A_324 {
        %mul3A_326 = arith.constant 40 : i32
        %mul3A_327 = arith.muli %add3A_319, %mul3A_326 : i32
        "tpu.region"() ({
          %run_scoped3A_329 = tpu.sem_alloc : memref<!tpu.dma_semaphore, #tpu.memory_space<semaphore_mem>>
          %dma_start3A_330 = arith.constant 0 : i32
          %dma_start3A_331 = tpu.memref_slice %arg19[%mul3A_327, %dma_start3A_330] : memref<5040x128xf32, #tpu.memory_space<vmem_shared>> -> memref<40x128xf32, #tpu.memory_space<vmem_shared>>
          %dma_start3A_332 = arith.constant 0 : i32
          %dma_start3A_333 = tpu.memref_slice %arg19[%mul3A_327, %dma_start3A_332] : memref<5040x128xf32, #tpu.memory_space<vmem_shared>> -> memref<40x128xf32, #tpu.memory_space<vmem_shared>>
          tpu.enqueue_dma source(%dma_start3A_333 : memref<40x128xf32, #tpu.memory_space<vmem_shared>>) target(%arg18 : memref<40x128xf32, #tpu.memory_space<vmem>>) target_semaphore(%run_scoped3A_329 : memref<!tpu.dma_semaphore, #tpu.memory_space<semaphore_mem>>)
          %dma_wait3A_334 = arith.constant 0 : i32
          %dma_wait3A_335 = tpu.memref_slice %arg19[%mul3A_327, %dma_wait3A_334] : memref<5040x128xf32, #tpu.memory_space<vmem_shared>> -> memref<40x128xf32, #tpu.memory_space<vmem_shared>>
          %dma_wait3A_336 = arith.constant 0 : i32
          %dma_wait3A_337 = tpu.memref_slice %arg19[%mul3A_327, %dma_wait3A_336] : memref<5040x128xf32, #tpu.memory_space<vmem_shared>> -> memref<40x128xf32, #tpu.memory_space<vmem_shared>>
          tpu.wait_dma2 semaphore(%run_scoped3A_329 : memref<!tpu.dma_semaphore, #tpu.memory_space<semaphore_mem>>) src(%dma_wait3A_337 : memref<40x128xf32, #tpu.memory_space<vmem_shared>>) dst(%arg18 : memref<40x128xf32, #tpu.memory_space<vmem>>)
          tpu.yield
        }) : () -> ()
        %add3A_328 = arith.addi %mul3A_0, %mul3A_327 : i32
        "tpu.region"() ({
          %run_scoped3A_329 = tpu.sem_alloc : memref<!tpu.dma_semaphore, #tpu.memory_space<semaphore_mem>>
          %dma_start3A_330 = arith.constant 0 : i32
          %dma_start3A_331 = tpu.memref_slice %arg5[%add3A_328, %dma_start3A_330] : memref<10000x128xf32, #tpu.memory_space<hbm>> -> memref<40x128xf32, #tpu.memory_space<hbm>>
          %dma_start3A_332 = arith.constant 0 : i32
          %dma_start3A_333 = tpu.memref_slice %arg5[%add3A_328, %dma_start3A_332] : memref<10000x128xf32, #tpu.memory_space<hbm>> -> memref<40x128xf32, #tpu.memory_space<hbm>>
          tpu.enqueue_dma source(%arg18 : memref<40x128xf32, #tpu.memory_space<vmem>>) target(%dma_start3A_333 : memref<40x128xf32, #tpu.memory_space<hbm>>) target_semaphore(%run_scoped3A_329 : memref<!tpu.dma_semaphore, #tpu.memory_space<semaphore_mem>>)
          %dma_wait3A_334 = arith.constant 0 : i32
          %dma_wait3A_335 = tpu.memref_slice %arg5[%add3A_328, %dma_wait3A_334] : memref<10000x128xf32, #tpu.memory_space<hbm>> -> memref<40x128xf32, #tpu.memory_space<hbm>>
          %dma_wait3A_336 = arith.constant 0 : i32
          %dma_wait3A_337 = tpu.memref_slice %arg5[%add3A_328, %dma_wait3A_336] : memref<10000x128xf32, #tpu.memory_space<hbm>> -> memref<40x128xf32, #tpu.memory_space<hbm>>
          tpu.wait_dma2 semaphore(%run_scoped3A_329 : memref<!tpu.dma_semaphore, #tpu.memory_space<semaphore_mem>>) src(%arg18 : memref<40x128xf32, #tpu.memory_space<vmem>>) dst(%dma_wait3A_337 : memref<40x128xf32, #tpu.memory_space<hbm>>)
          tpu.yield
        }) : () -> ()
      } else {
      }
      %scan3A_325 = arith.constant 0 : i32
      scf.yield %scan3A_325 : i32
    }
    %scan3A_152 = arith.constant 8 : i32
    %barrier3A_153 = arith.constant 0 : index
    tpu.barrier barrier_id(%barrier3A_153)
    %scan3A_154 = arith.constant 0 : i32
    %scan3A_155 = arith.constant 0 : i32
    %scan3A_156 = arith.constant 4 : i32
    %scan3A_157 = arith.addi %scan3A_155, %scan3A_156 : i32
    %scan3A_158 = arith.constant 1 : i32
    %scan3A_159 = scf.for %scan3A_315 = %scan3A_155 to %scan3A_157 step %scan3A_158 iter_args(%scan3A_316 = %scan3A_154) -> (i32)  : i32 {
      %mul3A_317 = arith.constant 16 : i32
      %mul3A_318 = arith.muli %scan3A_315, %mul3A_317 : i32
      %add3A_319 = arith.addi %arg1, %mul3A_318 : i32
      %lt3A_320 = arith.constant 63 : i32
      %lt3A_321 = arith.cmpi slt, %add3A_319, %lt3A_320 : i32
      %convert_element_type3A_322 = arith.extui %lt3A_321 : i1 to i32
      %cond3A_323 = arith.constant 0 : i32
      %cond3A_324 = arith.cmpi ne, %convert_element_type3A_322, %cond3A_323 : i32
      scf.if %cond3A_324 {
        %mul3A_326 = arith.constant 80 : i32
        %mul3A_327 = arith.muli %add3A_319, %mul3A_326 : i32
        "tpu.region"() ({
          %run_scoped3A_328 = tpu.sem_alloc : memref<!tpu.dma_semaphore, #tpu.memory_space<semaphore_mem>>
          %dma_start3A_329 = arith.constant 0 : i32
          %dma_start3A_330 = tpu.memref_slice %arg19[%mul3A_327, %dma_start3A_329] : memref<5040x128xf32, #tpu.memory_space<vmem_shared>> -> memref<80x128xf32, #tpu.memory_space<vmem_shared>>
          %dma_start3A_331 = arith.constant 0 : i32
          %dma_start3A_332 = tpu.memref_slice %arg19[%mul3A_327, %dma_start3A_331] : memref<5040x128xf32, #tpu.memory_space<vmem_shared>> -> memref<80x128xf32, #tpu.memory_space<vmem_shared>>
          tpu.enqueue_dma source(%arg17 : memref<80x128xf32, #tpu.memory_space<vmem>>) target(%dma_start3A_332 : memref<80x128xf32, #tpu.memory_space<vmem_shared>>) target_semaphore(%run_scoped3A_328 : memref<!tpu.dma_semaphore, #tpu.memory_space<semaphore_mem>>)
          %dma_wait3A_333 = arith.constant 0 : i32
          %dma_wait3A_334 = tpu.memref_slice %arg19[%mul3A_327, %dma_wait3A_333] : memref<5040x128xf32, #tpu.memory_space<vmem_shared>> -> memref<80x128xf32, #tpu.memory_space<vmem_shared>>
          %dma_wait3A_335 = arith.constant 0 : i32
          %dma_wait3A_336 = tpu.memref_slice %arg19[%mul3A_327, %dma_wait3A_335] : memref<5040x128xf32, #tpu.memory_space<vmem_shared>> -> memref<80x128xf32, #tpu.memory_space<vmem_shared>>
          tpu.wait_dma2 semaphore(%run_scoped3A_328 : memref<!tpu.dma_semaphore, #tpu.memory_space<semaphore_mem>>) src(%arg17 : memref<80x128xf32, #tpu.memory_space<vmem>>) dst(%dma_wait3A_336 : memref<80x128xf32, #tpu.memory_space<vmem_shared>>)
          tpu.yield
        }) : () -> ()
      } else {
      }
      %scan3A_325 = arith.constant 0 : i32
      scf.yield %scan3A_325 : i32
    }
    %scan3A_160 = arith.constant 4 : i32
    %scan3A_161 = arith.constant 0 : i32
    %scan3A_162 = arith.constant 0 : i32
    %scan3A_163 = arith.constant 128 : i32
    %scan3A_164 = arith.addi %scan3A_162, %scan3A_163 : i32
    %scan3A_165 = arith.constant 1 : i32
    %scan3A_166 = scf.for %scan3A_315 = %scan3A_162 to %scan3A_164 step %scan3A_165 iter_args(%scan3A_316 = %scan3A_161) -> (i32)  : i32 {
      %broadcast_in_dim3A_317 = arith.constant 0.000000e+00 : f32
      %broadcast_in_dim3A_318 = vector.broadcast %broadcast_in_dim3A_317 : f32 to vector<16xf32>
      %swap3A_319 = arith.index_cast %scan3A_315 : i32 to index
      %swap3A_320 = arith.constant 0 : index
      %swap3A_321 = tpu.vector_load %arg13[%swap3A_319, %swap3A_320] {strides = array<i32>} : memref<128x128xf32, #tpu.memory_space<vmem>>, vector<1x16xf32>,
      %swap3A_322 = vector.shape_cast %swap3A_321 : vector<1x16xf32> to vector<16xf32>
      %swap3A_323 = vector.shape_cast %broadcast_in_dim3A_318 : vector<16xf32> to vector<1x16xf32>
      tpu.vector_store %arg13[%swap3A_319, %swap3A_320], %swap3A_323 {strides = array<i32>} : memref<128x128xf32, #tpu.memory_space<vmem>>, vector<1x16xf32>,
      %broadcast_in_dim3A_324 = arith.constant 0.000000e+00 : f32
      %broadcast_in_dim3A_325 = vector.broadcast %broadcast_in_dim3A_324 : f32 to vector<16xf32>
      %swap3A_326 = arith.index_cast %scan3A_315 : i32 to index
      %swap3A_327 = arith.constant 0 : index
      %swap3A_328 = tpu.vector_load %arg14[%swap3A_326, %swap3A_327] {strides = array<i32>} : memref<128x128xf32, #tpu.memory_space<vmem>>, vector<1x16xf32>,
      %swap3A_329 = vector.shape_cast %swap3A_328 : vector<1x16xf32> to vector<16xf32>
      %swap3A_330 = vector.shape_cast %broadcast_in_dim3A_325 : vector<16xf32> to vector<1x16xf32>
      tpu.vector_store %arg14[%swap3A_326, %swap3A_327], %swap3A_330 {strides = array<i32>} : memref<128x128xf32, #tpu.memory_space<vmem>>, vector<1x16xf32>,
      %broadcast_in_dim3A_331 = arith.constant 0.000000e+00 : f32
      %broadcast_in_dim3A_332 = vector.broadcast %broadcast_in_dim3A_331 : f32 to vector<16xf32>
      %swap3A_333 = arith.index_cast %scan3A_315 : i32 to index
      %swap3A_334 = arith.constant 16 : index
      %swap3A_335 = tpu.vector_load %arg13[%swap3A_333, %swap3A_334] {strides = array<i32>} : memref<128x128xf32, #tpu.memory_space<vmem>>, vector<1x16xf32>,
      %swap3A_336 = vector.shape_cast %swap3A_335 : vector<1x16xf32> to vector<16xf32>
      %swap3A_337 = vector.shape_cast %broadcast_in_dim3A_332 : vector<16xf32> to vector<1x16xf32>
      tpu.vector_store %arg13[%swap3A_333, %swap3A_334], %swap3A_337 {strides = array<i32>} : memref<128x128xf32, #tpu.memory_space<vmem>>, vector<1x16xf32>,
      %broadcast_in_dim3A_338 = arith.constant 0.000000e+00 : f32
      %broadcast_in_dim3A_339 = vector.broadcast %broadcast_in_dim3A_338 : f32 to vector<16xf32>
      %swap3A_340 = arith.index_cast %scan3A_315 : i32 to index
      %swap3A_341 = arith.constant 16 : index
      %swap3A_342 = tpu.vector_load %arg14[%swap3A_340, %swap3A_341] {strides = array<i32>} : memref<128x128xf32, #tpu.memory_space<vmem>>, vector<1x16xf32>,
      %swap3A_343 = vector.shape_cast %swap3A_342 : vector<1x16xf32> to vector<16xf32>
      %swap3A_344 = vector.shape_cast %broadcast_in_dim3A_339 : vector<16xf32> to vector<1x16xf32>
      tpu.vector_store %arg14[%swap3A_340, %swap3A_341], %swap3A_344 {strides = array<i32>} : memref<128x128xf32, #tpu.memory_space<vmem>>, vector<1x16xf32>,
      %broadcast_in_dim3A_345 = arith.constant 0.000000e+00 : f32
      %broadcast_in_dim3A_346 = vector.broadcast %broadcast_in_dim3A_345 : f32 to vector<16xf32>
      %swap3A_347 = arith.index_cast %scan3A_315 : i32 to index
      %swap3A_348 = arith.constant 32 : index
      %swap3A_349 = tpu.vector_load %arg13[%swap3A_347, %swap3A_348] {strides = array<i32>} : memref<128x128xf32, #tpu.memory_space<vmem>>, vector<1x16xf32>,
      %swap3A_350 = vector.shape_cast %swap3A_349 : vector<1x16xf32> to vector<16xf32>
      %swap3A_351 = vector.shape_cast %broadcast_in_dim3A_346 : vector<16xf32> to vector<1x16xf32>
      tpu.vector_store %arg13[%swap3A_347, %swap3A_348], %swap3A_351 {strides = array<i32>} : memref<128x128xf32, #tpu.memory_space<vmem>>, vector<1x16xf32>,
      %broadcast_in_dim3A_352 = arith.constant 0.000000e+00 : f32
      %broadcast_in_dim3A_353 = vector.broadcast %broadcast_in_dim3A_352 : f32 to vector<16xf32>
      %swap3A_354 = arith.index_cast %scan3A_315 : i32 to index
      %swap3A_355 = arith.constant 32 : index
      %swap3A_356 = tpu.vector_load %arg14[%swap3A_354, %swap3A_355] {strides = array<i32>} : memref<128x128xf32, #tpu.memory_space<vmem>>, vector<1x16xf32>,
      %swap3A_357 = vector.shape_cast %swap3A_356 : vector<1x16xf32> to vector<16xf32>
      %swap3A_358 = vector.shape_cast %broadcast_in_dim3A_353 : vector<16xf32> to vector<1x16xf32>
      tpu.vector_store %arg14[%swap3A_354, %swap3A_355], %swap3A_358 {strides = array<i32>} : memref<128x128xf32, #tpu.memory_space<vmem>>, vector<1x16xf32>,
      %broadcast_in_dim3A_359 = arith.constant 0.000000e+00 : f32
      %broadcast_in_dim3A_360 = vector.broadcast %broadcast_in_dim3A_359 : f32 to vector<16xf32>
      %swap3A_361 = arith.index_cast %scan3A_315 : i32 to index
      %swap3A_362 = arith.constant 48 : index
      %swap3A_363 = tpu.vector_load %arg13[%swap3A_361, %swap3A_362] {strides = array<i32>} : memref<128x128xf32, #tpu.memory_space<vmem>>, vector<1x16xf32>,
      %swap3A_364 = vector.shape_cast %swap3A_363 : vector<1x16xf32> to vector<16xf32>
      %swap3A_365 = vector.shape_cast %broadcast_in_dim3A_360 : vector<16xf32> to vector<1x16xf32>
      tpu.vector_store %arg13[%swap3A_361, %swap3A_362], %swap3A_365 {strides = array<i32>} : memref<128x128xf32, #tpu.memory_space<vmem>>, vector<1x16xf32>,
      %broadcast_in_dim3A_366 = arith.constant 0.000000e+00 : f32
      %broadcast_in_dim3A_367 = vector.broadcast %broadcast_in_dim3A_366 : f32 to vector<16xf32>
      %swap3A_368 = arith.index_cast %scan3A_315 : i32 to index
      %swap3A_369 = arith.constant 48 : index
      %swap3A_370 = tpu.vector_load %arg14[%swap3A_368, %swap3A_369] {strides = array<i32>} : memref<128x128xf32, #tpu.memory_space<vmem>>, vector<1x16xf32>,
      %swap3A_371 = vector.shape_cast %swap3A_370 : vector<1x16xf32> to vector<16xf32>
      %swap3A_372 = vector.shape_cast %broadcast_in_dim3A_367 : vector<16xf32> to vector<1x16xf32>
      tpu.vector_store %arg14[%swap3A_368, %swap3A_369], %swap3A_372 {strides = array<i32>} : memref<128x128xf32, #tpu.memory_space<vmem>>, vector<1x16xf32>,
      %broadcast_in_dim3A_373 = arith.constant 0.000000e+00 : f32
      %broadcast_in_dim3A_374 = vector.broadcast %broadcast_in_dim3A_373 : f32 to vector<16xf32>
      %swap3A_375 = arith.index_cast %scan3A_315 : i32 to index
      %swap3A_376 = arith.constant 64 : index
      %swap3A_377 = tpu.vector_load %arg13[%swap3A_375, %swap3A_376] {strides = array<i32>} : memref<128x128xf32, #tpu.memory_space<vmem>>, vector<1x16xf32>,
      %swap3A_378 = vector.shape_cast %swap3A_377 : vector<1x16xf32> to vector<16xf32>
      %swap3A_379 = vector.shape_cast %broadcast_in_dim3A_374 : vector<16xf32> to vector<1x16xf32>
      tpu.vector_store %arg13[%swap3A_375, %swap3A_376], %swap3A_379 {strides = array<i32>} : memref<128x128xf32, #tpu.memory_space<vmem>>, vector<1x16xf32>,
      %broadcast_in_dim3A_380 = arith.constant 0.000000e+00 : f32
      %broadcast_in_dim3A_381 = vector.broadcast %broadcast_in_dim3A_380 : f32 to vector<16xf32>
      %swap3A_382 = arith.index_cast %scan3A_315 : i32 to index
      %swap3A_383 = arith.constant 64 : index
      %swap3A_384 = tpu.vector_load %arg14[%swap3A_382, %swap3A_383] {strides = array<i32>} : memref<128x128xf32, #tpu.memory_space<vmem>>, vector<1x16xf32>,
      %swap3A_385 = vector.shape_cast %swap3A_384 : vector<1x16xf32> to vector<16xf32>
      %swap3A_386 = vector.shape_cast %broadcast_in_dim3A_381 : vector<16xf32> to vector<1x16xf32>
      tpu.vector_store %arg14[%swap3A_382, %swap3A_383], %swap3A_386 {strides = array<i32>} : memref<128x128xf32, #tpu.memory_space<vmem>>, vector<1x16xf32>,
      %broadcast_in_dim3A_387 = arith.constant 0.000000e+00 : f32
      %broadcast_in_dim3A_388 = vector.broadcast %broadcast_in_dim3A_387 : f32 to vector<16xf32>
      %swap3A_389 = arith.index_cast %scan3A_315 : i32 to index
      %swap3A_390 = arith.constant 80 : index
      %swap3A_391 = tpu.vector_load %arg13[%swap3A_389, %swap3A_390] {strides = array<i32>} : memref<128x128xf32, #tpu.memory_space<vmem>>, vector<1x16xf32>,
      %swap3A_392 = vector.shape_cast %swap3A_391 : vector<1x16xf32> to vector<16xf32>
      %swap3A_393 = vector.shape_cast %broadcast_in_dim3A_388 : vector<16xf32> to vector<1x16xf32>
      tpu.vector_store %arg13[%swap3A_389, %swap3A_390], %swap3A_393 {strides = array<i32>} : memref<128x128xf32, #tpu.memory_space<vmem>>, vector<1x16xf32>,
      %broadcast_in_dim3A_394 = arith.constant 0.000000e+00 : f32
      %broadcast_in_dim3A_395 = vector.broadcast %broadcast_in_dim3A_394 : f32 to vector<16xf32>
      %swap3A_396 = arith.index_cast %scan3A_315 : i32 to index
      %swap3A_397 = arith.constant 80 : index
      %swap3A_398 = tpu.vector_load %arg14[%swap3A_396, %swap3A_397] {strides = array<i32>} : memref<128x128xf32, #tpu.memory_space<vmem>>, vector<1x16xf32>,
      %swap3A_399 = vector.shape_cast %swap3A_398 : vector<1x16xf32> to vector<16xf32>
      %swap3A_400 = vector.shape_cast %broadcast_in_dim3A_395 : vector<16xf32> to vector<1x16xf32>
      tpu.vector_store %arg14[%swap3A_396, %swap3A_397], %swap3A_400 {strides = array<i32>} : memref<128x128xf32, #tpu.memory_space<vmem>>, vector<1x16xf32>,
      %broadcast_in_dim3A_401 = arith.constant 0.000000e+00 : f32
      %broadcast_in_dim3A_402 = vector.broadcast %broadcast_in_dim3A_401 : f32 to vector<16xf32>
      %swap3A_403 = arith.index_cast %scan3A_315 : i32 to index
      %swap3A_404 = arith.constant 96 : index
      %swap3A_405 = tpu.vector_load %arg13[%swap3A_403, %swap3A_404] {strides = array<i32>} : memref<128x128xf32, #tpu.memory_space<vmem>>, vector<1x16xf32>,
      %swap3A_406 = vector.shape_cast %swap3A_405 : vector<1x16xf32> to vector<16xf32>
      %swap3A_407 = vector.shape_cast %broadcast_in_dim3A_402 : vector<16xf32> to vector<1x16xf32>
      tpu.vector_store %arg13[%swap3A_403, %swap3A_404], %swap3A_407 {strides = array<i32>} : memref<128x128xf32, #tpu.memory_space<vmem>>, vector<1x16xf32>,
      %broadcast_in_dim3A_408 = arith.constant 0.000000e+00 : f32
      %broadcast_in_dim3A_409 = vector.broadcast %broadcast_in_dim3A_408 : f32 to vector<16xf32>
      %swap3A_410 = arith.index_cast %scan3A_315 : i32 to index
      %swap3A_411 = arith.constant 96 : index
      %swap3A_412 = tpu.vector_load %arg14[%swap3A_410, %swap3A_411] {strides = array<i32>} : memref<128x128xf32, #tpu.memory_space<vmem>>, vector<1x16xf32>,
      %swap3A_413 = vector.shape_cast %swap3A_412 : vector<1x16xf32> to vector<16xf32>
      %swap3A_414 = vector.shape_cast %broadcast_in_dim3A_409 : vector<16xf32> to vector<1x16xf32>
      tpu.vector_store %arg14[%swap3A_410, %swap3A_411], %swap3A_414 {strides = array<i32>} : memref<128x128xf32, #tpu.memory_space<vmem>>, vector<1x16xf32>,
      %broadcast_in_dim3A_415 = arith.constant 0.000000e+00 : f32
      %broadcast_in_dim3A_416 = vector.broadcast %broadcast_in_dim3A_415 : f32 to vector<16xf32>
      %swap3A_417 = arith.index_cast %scan3A_315 : i32 to index
      %swap3A_418 = arith.constant 112 : index
      %swap3A_419 = tpu.vector_load %arg13[%swap3A_417, %swap3A_418] {strides = array<i32>} : memref<128x128xf32, #tpu.memory_space<vmem>>, vector<1x16xf32>,
      %swap3A_420 = vector.shape_cast %swap3A_419 : vector<1x16xf32> to vector<16xf32>
      %swap3A_421 = vector.shape_cast %broadcast_in_dim3A_416 : vector<16xf32> to vector<1x16xf32>
      tpu.vector_store %arg13[%swap3A_417, %swap3A_418], %swap3A_421 {strides = array<i32>} : memref<128x128xf32, #tpu.memory_space<vmem>>, vector<1x16xf32>,
      %broadcast_in_dim3A_422 = arith.constant 0.000000e+00 : f32
      %broadcast_in_dim3A_423 = vector.broadcast %broadcast_in_dim3A_422 : f32 to vector<16xf32>
      %swap3A_424 = arith.index_cast %scan3A_315 : i32 to index
      %swap3A_425 = arith.constant 112 : index
      %swap3A_426 = tpu.vector_load %arg14[%swap3A_424, %swap3A_425] {strides = array<i32>} : memref<128x128xf32, #tpu.memory_space<vmem>>, vector<1x16xf32>,
      %swap3A_427 = vector.shape_cast %swap3A_426 : vector<1x16xf32> to vector<16xf32>
      %swap3A_428 = vector.shape_cast %broadcast_in_dim3A_423 : vector<16xf32> to vector<1x16xf32>
      tpu.vector_store %arg14[%swap3A_424, %swap3A_425], %swap3A_428 {strides = array<i32>} : memref<128x128xf32, #tpu.memory_space<vmem>>, vector<1x16xf32>,
      %scan3A_429 = arith.constant 0 : i32
      scf.yield %scan3A_429 : i32
    }
    %scan3A_167 = arith.constant 128 : i32
    %broadcast_in_dim3A_168 = arith.constant 5000 : i32
    %broadcast_in_dim3A_169 = vector.broadcast %broadcast_in_dim3A_168 : i32 to vector<16xi32>
    %swap3A_170 = arith.constant 0 : index
    %swap3A_171 = tpu.vector_load %arg11[%swap3A_170] {strides = array<i32>} : memref<128xi32, #tpu.memory_space<vmem>>, vector<16xi32>,
    %swap3A_172 = vector.shape_cast %swap3A_171 : vector<16xi32> to vector<16xi32>
    %swap3A_173 = vector.shape_cast %broadcast_in_dim3A_169 : vector<16xi32> to vector<16xi32>
    tpu.vector_store %arg11[%swap3A_170], %swap3A_173 {strides = array<i32>} : memref<128xi32, #tpu.memory_space<vmem>>, vector<16xi32>,
    %broadcast_in_dim3A_174 = arith.constant 5000 : i32
    %broadcast_in_dim3A_175 = vector.broadcast %broadcast_in_dim3A_174 : i32 to vector<16xi32>
    %swap3A_176 = arith.constant 16 : index
    %swap3A_177 = tpu.vector_load %arg11[%swap3A_176] {strides = array<i32>} : memref<128xi32, #tpu.memory_space<vmem>>, vector<16xi32>,
    %swap3A_178 = vector.shape_cast %swap3A_177 : vector<16xi32> to vector<16xi32>
    %swap3A_179 = vector.shape_cast %broadcast_in_dim3A_175 : vector<16xi32> to vector<16xi32>
    tpu.vector_store %arg11[%swap3A_176], %swap3A_179 {strides = array<i32>} : memref<128xi32, #tpu.memory_space<vmem>>, vector<16xi32>,
    %broadcast_in_dim3A_180 = arith.constant 5000 : i32
    %broadcast_in_dim3A_181 = vector.broadcast %broadcast_in_dim3A_180 : i32 to vector<16xi32>
    %swap3A_182 = arith.constant 32 : index
    %swap3A_183 = tpu.vector_load %arg11[%swap3A_182] {strides = array<i32>} : memref<128xi32, #tpu.memory_space<vmem>>, vector<16xi32>,
    %swap3A_184 = vector.shape_cast %swap3A_183 : vector<16xi32> to vector<16xi32>
    %swap3A_185 = vector.shape_cast %broadcast_in_dim3A_181 : vector<16xi32> to vector<16xi32>
    tpu.vector_store %arg11[%swap3A_182], %swap3A_185 {strides = array<i32>} : memref<128xi32, #tpu.memory_space<vmem>>, vector<16xi32>,
    %broadcast_in_dim3A_186 = arith.constant 5000 : i32
    %broadcast_in_dim3A_187 = vector.broadcast %broadcast_in_dim3A_186 : i32 to vector<16xi32>
    %swap3A_188 = arith.constant 48 : index
    %swap3A_189 = tpu.vector_load %arg11[%swap3A_188] {strides = array<i32>} : memref<128xi32, #tpu.memory_space<vmem>>, vector<16xi32>,
    %swap3A_190 = vector.shape_cast %swap3A_189 : vector<16xi32> to vector<16xi32>
    %swap3A_191 = vector.shape_cast %broadcast_in_dim3A_187 : vector<16xi32> to vector<16xi32>
    tpu.vector_store %arg11[%swap3A_188], %swap3A_191 {strides = array<i32>} : memref<128xi32, #tpu.memory_space<vmem>>, vector<16xi32>,
    %broadcast_in_dim3A_192 = arith.constant 5000 : i32
    %broadcast_in_dim3A_193 = vector.broadcast %broadcast_in_dim3A_192 : i32 to vector<16xi32>
    %swap3A_194 = arith.constant 64 : index
    %swap3A_195 = tpu.vector_load %arg11[%swap3A_194] {strides = array<i32>} : memref<128xi32, #tpu.memory_space<vmem>>, vector<16xi32>,
    %swap3A_196 = vector.shape_cast %swap3A_195 : vector<16xi32> to vector<16xi32>
    %swap3A_197 = vector.shape_cast %broadcast_in_dim3A_193 : vector<16xi32> to vector<16xi32>
    tpu.vector_store %arg11[%swap3A_194], %swap3A_197 {strides = array<i32>} : memref<128xi32, #tpu.memory_space<vmem>>, vector<16xi32>,
    %broadcast_in_dim3A_198 = arith.constant 5000 : i32
    %broadcast_in_dim3A_199 = vector.broadcast %broadcast_in_dim3A_198 : i32 to vector<16xi32>
    %swap3A_200 = arith.constant 80 : index
    %swap3A_201 = tpu.vector_load %arg11[%swap3A_200] {strides = array<i32>} : memref<128xi32, #tpu.memory_space<vmem>>, vector<16xi32>,
    %swap3A_202 = vector.shape_cast %swap3A_201 : vector<16xi32> to vector<16xi32>
    %swap3A_203 = vector.shape_cast %broadcast_in_dim3A_199 : vector<16xi32> to vector<16xi32>
    tpu.vector_store %arg11[%swap3A_200], %swap3A_203 {strides = array<i32>} : memref<128xi32, #tpu.memory_space<vmem>>, vector<16xi32>,
    %broadcast_in_dim3A_204 = arith.constant 5000 : i32
    %broadcast_in_dim3A_205 = vector.broadcast %broadcast_in_dim3A_204 : i32 to vector<16xi32>
    %swap3A_206 = arith.constant 96 : index
    %swap3A_207 = tpu.vector_load %arg11[%swap3A_206] {strides = array<i32>} : memref<128xi32, #tpu.memory_space<vmem>>, vector<16xi32>,
    %swap3A_208 = vector.shape_cast %swap3A_207 : vector<16xi32> to vector<16xi32>
    %swap3A_209 = vector.shape_cast %broadcast_in_dim3A_205 : vector<16xi32> to vector<16xi32>
    tpu.vector_store %arg11[%swap3A_206], %swap3A_209 {strides = array<i32>} : memref<128xi32, #tpu.memory_space<vmem>>, vector<16xi32>,
    %broadcast_in_dim3A_210 = arith.constant 5000 : i32
    %broadcast_in_dim3A_211 = vector.broadcast %broadcast_in_dim3A_210 : i32 to vector<16xi32>
    %swap3A_212 = arith.constant 112 : index
    %swap3A_213 = tpu.vector_load %arg11[%swap3A_212] {strides = array<i32>} : memref<128xi32, #tpu.memory_space<vmem>>, vector<16xi32>,
    %swap3A_214 = vector.shape_cast %swap3A_213 : vector<16xi32> to vector<16xi32>
    %swap3A_215 = vector.shape_cast %broadcast_in_dim3A_211 : vector<16xi32> to vector<16xi32>
    tpu.vector_store %arg11[%swap3A_212], %swap3A_215 {strides = array<i32>} : memref<128xi32, #tpu.memory_space<vmem>>, vector<16xi32>,
    %broadcast_in_dim3A_216 = arith.constant 5000 : i32
    %broadcast_in_dim3A_217 = vector.broadcast %broadcast_in_dim3A_216 : i32 to vector<16xi32>
    %swap3A_218 = arith.constant 0 : index
    %swap3A_219 = tpu.vector_load %arg12[%swap3A_218] {strides = array<i32>} : memref<128xi32, #tpu.memory_space<vmem>>, vector<16xi32>,
    %swap3A_220 = vector.shape_cast %swap3A_219 : vector<16xi32> to vector<16xi32>
    %swap3A_221 = vector.shape_cast %broadcast_in_dim3A_217 : vector<16xi32> to vector<16xi32>
    tpu.vector_store %arg12[%swap3A_218], %swap3A_221 {strides = array<i32>} : memref<128xi32, #tpu.memory_space<vmem>>, vector<16xi32>,
    %broadcast_in_dim3A_222 = arith.constant 5000 : i32
    %broadcast_in_dim3A_223 = vector.broadcast %broadcast_in_dim3A_222 : i32 to vector<16xi32>
    %swap3A_224 = arith.constant 16 : index
    %swap3A_225 = tpu.vector_load %arg12[%swap3A_224] {strides = array<i32>} : memref<128xi32, #tpu.memory_space<vmem>>, vector<16xi32>,
    %swap3A_226 = vector.shape_cast %swap3A_225 : vector<16xi32> to vector<16xi32>
    %swap3A_227 = vector.shape_cast %broadcast_in_dim3A_223 : vector<16xi32> to vector<16xi32>
    tpu.vector_store %arg12[%swap3A_224], %swap3A_227 {strides = array<i32>} : memref<128xi32, #tpu.memory_space<vmem>>, vector<16xi32>,
    %broadcast_in_dim3A_228 = arith.constant 5000 : i32
    %broadcast_in_dim3A_229 = vector.broadcast %broadcast_in_dim3A_228 : i32 to vector<16xi32>
    %swap3A_230 = arith.constant 32 : index
    %swap3A_231 = tpu.vector_load %arg12[%swap3A_230] {strides = array<i32>} : memref<128xi32, #tpu.memory_space<vmem>>, vector<16xi32>,
    %swap3A_232 = vector.shape_cast %swap3A_231 : vector<16xi32> to vector<16xi32>
    %swap3A_233 = vector.shape_cast %broadcast_in_dim3A_229 : vector<16xi32> to vector<16xi32>
    tpu.vector_store %arg12[%swap3A_230], %swap3A_233 {strides = array<i32>} : memref<128xi32, #tpu.memory_space<vmem>>, vector<16xi32>,
    %broadcast_in_dim3A_234 = arith.constant 5000 : i32
    %broadcast_in_dim3A_235 = vector.broadcast %broadcast_in_dim3A_234 : i32 to vector<16xi32>
    %swap3A_236 = arith.constant 48 : index
    %swap3A_237 = tpu.vector_load %arg12[%swap3A_236] {strides = array<i32>} : memref<128xi32, #tpu.memory_space<vmem>>, vector<16xi32>,
    %swap3A_238 = vector.shape_cast %swap3A_237 : vector<16xi32> to vector<16xi32>
    %swap3A_239 = vector.shape_cast %broadcast_in_dim3A_235 : vector<16xi32> to vector<16xi32>
    tpu.vector_store %arg12[%swap3A_236], %swap3A_239 {strides = array<i32>} : memref<128xi32, #tpu.memory_space<vmem>>, vector<16xi32>,
    %broadcast_in_dim3A_240 = arith.constant 5000 : i32
    %broadcast_in_dim3A_241 = vector.broadcast %broadcast_in_dim3A_240 : i32 to vector<16xi32>
    %swap3A_242 = arith.constant 64 : index
    %swap3A_243 = tpu.vector_load %arg12[%swap3A_242] {strides = array<i32>} : memref<128xi32, #tpu.memory_space<vmem>>, vector<16xi32>,
    %swap3A_244 = vector.shape_cast %swap3A_243 : vector<16xi32> to vector<16xi32>
    %swap3A_245 = vector.shape_cast %broadcast_in_dim3A_241 : vector<16xi32> to vector<16xi32>
    tpu.vector_store %arg12[%swap3A_242], %swap3A_245 {strides = array<i32>} : memref<128xi32, #tpu.memory_space<vmem>>, vector<16xi32>,
    %broadcast_in_dim3A_246 = arith.constant 5000 : i32
    %broadcast_in_dim3A_247 = vector.broadcast %broadcast_in_dim3A_246 : i32 to vector<16xi32>
    %swap3A_248 = arith.constant 80 : index
    %swap3A_249 = tpu.vector_load %arg12[%swap3A_248] {strides = array<i32>} : memref<128xi32, #tpu.memory_space<vmem>>, vector<16xi32>,
    %swap3A_250 = vector.shape_cast %swap3A_249 : vector<16xi32> to vector<16xi32>
    %swap3A_251 = vector.shape_cast %broadcast_in_dim3A_247 : vector<16xi32> to vector<16xi32>
    tpu.vector_store %arg12[%swap3A_248], %swap3A_251 {strides = array<i32>} : memref<128xi32, #tpu.memory_space<vmem>>, vector<16xi32>,
    %broadcast_in_dim3A_252 = arith.constant 5000 : i32
    %broadcast_in_dim3A_253 = vector.broadcast %broadcast_in_dim3A_252 : i32 to vector<16xi32>
    %swap3A_254 = arith.constant 96 : index
    %swap3A_255 = tpu.vector_load %arg12[%swap3A_254] {strides = array<i32>} : memref<128xi32, #tpu.memory_space<vmem>>, vector<16xi32>,
    %swap3A_256 = vector.shape_cast %swap3A_255 : vector<16xi32> to vector<16xi32>
    %swap3A_257 = vector.shape_cast %broadcast_in_dim3A_253 : vector<16xi32> to vector<16xi32>
    tpu.vector_store %arg12[%swap3A_254], %swap3A_257 {strides = array<i32>} : memref<128xi32, #tpu.memory_space<vmem>>, vector<16xi32>,
    %broadcast_in_dim3A_258 = arith.constant 5000 : i32
    %broadcast_in_dim3A_259 = vector.broadcast %broadcast_in_dim3A_258 : i32 to vector<16xi32>
    %swap3A_260 = arith.constant 112 : index
    %swap3A_261 = tpu.vector_load %arg12[%swap3A_260] {strides = array<i32>} : memref<128xi32, #tpu.memory_space<vmem>>, vector<16xi32>,
    %swap3A_262 = vector.shape_cast %swap3A_261 : vector<16xi32> to vector<16xi32>
    %swap3A_263 = vector.shape_cast %broadcast_in_dim3A_259 : vector<16xi32> to vector<16xi32>
    tpu.vector_store %arg12[%swap3A_260], %swap3A_263 {strides = array<i32>} : memref<128xi32, #tpu.memory_space<vmem>>, vector<16xi32>,
    %barrier3A_264 = arith.constant 0 : index
    tpu.barrier barrier_id(%barrier3A_264)
    %dma_start3A_265 = arith.constant 1 : i32
    %dma_start3A_266 = arith.constant 0 : i32
    %dma_start3A_267 = tpu.memref_slice %arg2[%arg1, %dma_start3A_265, %dma_start3A_266] : memref<2500x2x128xi32, #tpu.memory_space<hbm>> -> memref<1x1x128xi32, #tpu.memory_space<hbm>>
    %dma_start3A_268 = tpu.memref_squeeze %dma_start3A_267 : memref<1x1x128xi32, #tpu.memory_space<hbm>> -> memref<128xi32, #tpu.memory_space<hbm>>
    %dma_start3A_269 = arith.constant 0 : i32
    %dma_start3A_270 = tpu.memref_slice %arg2[%arg1, %dma_start3A_265, %dma_start3A_269] : memref<2500x2x128xi32, #tpu.memory_space<hbm>> -> memref<1x1x128xi32, #tpu.memory_space<hbm>>
    %dma_start3A_271 = tpu.memref_squeeze %dma_start3A_270 : memref<1x1x128xi32, #tpu.memory_space<hbm>> -> memref<128xi32, #tpu.memory_space<hbm>>
    tpu.enqueue_dma source(%dma_start3A_271 : memref<128xi32, #tpu.memory_space<hbm>>) target(%arg9 : memref<128xi32, #tpu.memory_space<vmem>>) target_semaphore(%arg24 : memref<!tpu.dma_semaphore, #tpu.memory_space<semaphore_mem>>)
    %mul3A_272 = arith.constant 128 : i32
    %mul3A_273 = arith.muli %arg1, %mul3A_272 : i32
    %dma_start3A_274 = arith.constant 0 : i32
    %dma_start3A_275 = tpu.memref_slice %arg4[%mul3A_273, %dma_start3A_274] : memref<320000x16xf32, #tpu.memory_space<hbm>> -> memref<128x16xf32, #tpu.memory_space<hbm>>
    %dma_start3A_276 = arith.constant 0 : i32
    %dma_start3A_277 = tpu.memref_slice %arg4[%mul3A_273, %dma_start3A_276] : memref<320000x16xf32, #tpu.memory_space<hbm>> -> memref<128x16xf32, #tpu.memory_space<hbm>>
    tpu.enqueue_dma source(%dma_start3A_277 : memref<128x16xf32, #tpu.memory_space<hbm>>) target(%arg15 : memref<128x16xf32, #tpu.memory_space<vmem>>) target_semaphore(%arg24 : memref<!tpu.dma_semaphore, #tpu.memory_space<semaphore_mem>>)
    %add3A_278 = arith.constant 16 : i32
    %add3A_279 = arith.addi %arg1, %add3A_278 : i32
    %dma_start3A_280 = arith.constant 1 : i32
    %dma_start3A_281 = arith.constant 0 : i32
    %dma_start3A_282 = tpu.memref_slice %arg2[%add3A_279, %dma_start3A_280, %dma_start3A_281] : memref<2500x2x128xi32, #tpu.memory_space<hbm>> -> memref<1x1x128xi32, #tpu.memory_space<hbm>>
    %dma_start3A_283 = tpu.memref_squeeze %dma_start3A_282 : memref<1x1x128xi32, #tpu.memory_space<hbm>> -> memref<128xi32, #tpu.memory_space<hbm>>
    %dma_start3A_284 = arith.constant 0 : i32
    %dma_start3A_285 = tpu.memref_slice %arg2[%add3A_279, %dma_start3A_280, %dma_start3A_284] : memref<2500x2x128xi32, #tpu.memory_space<hbm>> -> memref<1x1x128xi32, #tpu.memory_space<hbm>>
    %dma_start3A_286 = tpu.memref_squeeze %dma_start3A_285 : memref<1x1x128xi32, #tpu.memory_space<hbm>> -> memref<128xi32, #tpu.memory_space<hbm>>
    tpu.enqueue_dma source(%dma_start3A_286 : memref<128xi32, #tpu.memory_space<hbm>>) target(%arg10 : memref<128xi32, #tpu.memory_space<vmem>>) target_semaphore(%arg24 : memref<!tpu.dma_semaphore, #tpu.memory_space<semaphore_mem>>)
    %add3A_287 = arith.constant 16 : i32
    %add3A_288 = arith.addi %arg1, %add3A_287 : i32
    %mul3A_289 = arith.constant 128 : i32
    %mul3A_290 = arith.muli %add3A_288, %mul3A_289 : i32
    %dma_start3A_291 = arith.constant 0 : i32
    %dma_start3A_292 = tpu.memref_slice %arg4[%mul3A_290, %dma_start3A_291] : memref<320000x16xf32, #tpu.memory_space<hbm>> -> memref<128x16xf32, #tpu.memory_space<hbm>>
    %dma_start3A_293 = arith.constant 0 : i32
    %dma_start3A_294 = tpu.memref_slice %arg4[%mul3A_290, %dma_start3A_293] : memref<320000x16xf32, #tpu.memory_space<hbm>> -> memref<128x16xf32, #tpu.memory_space<hbm>>
    tpu.enqueue_dma source(%dma_start3A_294 : memref<128x16xf32, #tpu.memory_space<hbm>>) target(%arg16 : memref<128x16xf32, #tpu.memory_space<vmem>>) target_semaphore(%arg24 : memref<!tpu.dma_semaphore, #tpu.memory_space<semaphore_mem>>)
    %scan3A_295 = arith.constant 0 : i32
    %scan3A_296 = arith.constant 0 : i32
    %scan3A_297 = arith.constant 78 : i32
    %scan3A_298 = arith.addi %scan3A_296, %scan3A_297 : i32
    %scan3A_299 = arith.constant 1 : i32
    %scan3A_300 = scf.for %scan3A_315 = %scan3A_296 to %scan3A_298 step %scan3A_299 iter_args(%scan3A_316 = %scan3A_295) -> (i32)  : i32 {
      %mul3A_317 = arith.constant 2 : i32
      %mul3A_318 = arith.muli %mul3A_317, %scan3A_315 : i32
      %add3A_319 = arith.constant 0 : i32
      %add3A_320 = arith.addi %mul3A_318, %add3A_319 : i32
      %dma_wait3A_321 = arith.constant 0 : i32
      %dma_wait3A_322 = arith.constant 1 : i32
      %dma_wait3A_323 = arith.constant 0 : i32
      %dma_wait3A_324 = tpu.memref_slice %arg2[%dma_wait3A_321, %dma_wait3A_322, %dma_wait3A_323] : memref<2500x2x128xi32, #tpu.memory_space<hbm>> -> memref<1x1x128xi32, #tpu.memory_space<hbm>>
      %dma_wait3A_325 = tpu.memref_squeeze %dma_wait3A_324 : memref<1x1x128xi32, #tpu.memory_space<hbm>> -> memref<128xi32, #tpu.memory_space<hbm>>
      %dma_wait3A_326 = arith.constant 0 : i32
      %dma_wait3A_327 = tpu.memref_slice %arg2[%dma_wait3A_321, %dma_wait3A_322, %dma_wait3A_326] : memref<2500x2x128xi32, #tpu.memory_space<hbm>> -> memref<1x1x128xi32, #tpu.memory_space<hbm>>
      %dma_wait3A_328 = tpu.memref_squeeze %dma_wait3A_327 : memref<1x1x128xi32, #tpu.memory_space<hbm>> -> memref<128xi32, #tpu.memory_space<hbm>>
      tpu.wait_dma2 semaphore(%arg24 : memref<!tpu.dma_semaphore, #tpu.memory_space<semaphore_mem>>) src(%dma_wait3A_328 : memref<128xi32, #tpu.memory_space<hbm>>) dst(%arg9 : memref<128xi32, #tpu.memory_space<vmem>>)
      %dma_wait3A_329 = arith.constant 0 : i32
      %dma_wait3A_330 = arith.constant 0 : i32
      %dma_wait3A_331 = tpu.memref_slice %arg4[%dma_wait3A_329, %dma_wait3A_330] : memref<320000x16xf32, #tpu.memory_space<hbm>> -> memref<128x16xf32, #tpu.memory_space<hbm>>
      %dma_wait3A_332 = arith.constant 0 : i32
      %dma_wait3A_333 = arith.constant 0 : i32
      %dma_wait3A_334 = tpu.memref_slice %arg4[%dma_wait3A_332, %dma_wait3A_333] : memref<320000x16xf32, #tpu.memory_space<hbm>> -> memref<128x16xf32, #tpu.memory_space<hbm>>
      tpu.wait_dma2 semaphore(%arg24 : memref<!tpu.dma_semaphore, #tpu.memory_space<semaphore_mem>>) src(%dma_wait3A_334 : memref<128x16xf32, #tpu.memory_space<hbm>>) dst(%arg15 : memref<128x16xf32, #tpu.memory_space<vmem>>)
      %scan3A_335 = arith.constant 0 : i32
      %scan3A_336 = arith.constant 0 : i32
      %scan3A_337 = arith.constant 128 : i32
      %scan3A_338 = arith.addi %scan3A_336, %scan3A_337 : i32
      %scan3A_339 = arith.constant 1 : i32
      %scan3A_340 = scf.for %scan3A_678 = %scan3A_336 to %scan3A_338 step %scan3A_339 iter_args(%scan3A_679 = %scan3A_335) -> (i32)  : i32 {
        %get3A_680 = arith.index_cast %scan3A_678 : i32 to index
        %get3A_681 = arith.constant 0 : index
        %get3A_682 = tpu.vector_load %arg15[%get3A_680, %get3A_681] {strides = array<i32>} : memref<128x16xf32, #tpu.memory_space<vmem>>, vector<1x16xf32>,
        %get3A_683 = vector.shape_cast %get3A_682 : vector<1x16xf32> to vector<16xf32>
        %swap3A_684 = arith.index_cast %scan3A_678 : i32 to index
        %swap3A_685 = arith.constant 0 : index
        %swap3A_686 = tpu.vector_load %arg13[%swap3A_684, %swap3A_685] {strides = array<i32>} : memref<128x128xf32, #tpu.memory_space<vmem>>, vector<1x16xf32>,
        %swap3A_687 = vector.shape_cast %swap3A_686 : vector<1x16xf32> to vector<16xf32>
        %swap3A_688 = vector.shape_cast %get3A_683 : vector<16xf32> to vector<1x16xf32>
        tpu.vector_store %arg13[%swap3A_684, %swap3A_685], %swap3A_688 {strides = array<i32>} : memref<128x128xf32, #tpu.memory_space<vmem>>, vector<1x16xf32>,
        %scan3A_689 = arith.constant 0 : i32
        scf.yield %scan3A_689 : i32
      }
      %scan3A_341 = arith.constant 128 : i32
      %get3A = arith.constant 0 : index
      %get3A_342 = tpu.vector_load %arg9[%get3A] {strides = array<i32>} : memref<128xi32, #tpu.memory_space<vmem>>, vector<16xi32>,
      %get3A_343 = vector.shape_cast %get3A_342 : vector<16xi32> to vector<16xi32>
      %ge3A = vector.broadcast %mul3A_0 : i32 to vector<16xi32>
      %ge3A_344 = arith.cmpi sge, %get3A_343, %ge3A : vector<16xi32>
      %add3A_345 = arith.constant 5000 : i32
      %add3A_346 = arith.addi %mul3A_0, %add3A_345 : i32
      %lt3A_347 = vector.broadcast %add3A_346 : i32 to vector<16xi32>
      %lt3A_348 = arith.cmpi slt, %get3A_343, %lt3A_347 : vector<16xi32>
      %and3A = arith.andi %ge3A_344, %lt3A_348 : vector<16xi1>
      %sub3A = vector.broadcast %mul3A_0 : i32 to vector<16xi32>
      %sub3A_349 = arith.subi %get3A_343, %sub3A : vector<16xi32>
      %jit3A = arith.constant 5000 : i32
      %broadcast_in_dim3A_350 = vector.broadcast %jit3A : i32 to vector<16xi32>
      %select_n3A = arith.select %and3A, %sub3A_349, %broadcast_in_dim3A_350 : vector<16xi1>, vector<16xi32>
      %swap3A_351 = arith.constant 0 : index
      %swap3A_352 = tpu.vector_load %arg11[%swap3A_351] {strides = array<i32>} : memref<128xi32, #tpu.memory_space<vmem>>, vector<16xi32>,
      %swap3A_353 = vector.shape_cast %swap3A_352 : vector<16xi32> to vector<16xi32>
      %swap3A_354 = vector.shape_cast %select_n3A : vector<16xi32> to vector<16xi32>
      tpu.vector_store %arg11[%swap3A_351], %swap3A_354 {strides = array<i32>} : memref<128xi32, #tpu.memory_space<vmem>>, vector<16xi32>,
      %get3A_355 = arith.constant 16 : index
      %get3A_356 = tpu.vector_load %arg9[%get3A_355] {strides = array<i32>} : memref<128xi32, #tpu.memory_space<vmem>>, vector<16xi32>,
      %get3A_357 = vector.shape_cast %get3A_356 : vector<16xi32> to vector<16xi32>
      %ge3A_358 = vector.broadcast %mul3A_0 : i32 to vector<16xi32>
      %ge3A_359 = arith.cmpi sge, %get3A_357, %ge3A_358 : vector<16xi32>
      %add3A_360 = arith.constant 5000 : i32
      %add3A_361 = arith.addi %mul3A_0, %add3A_360 : i32
      %lt3A_362 = vector.broadcast %add3A_361 : i32 to vector<16xi32>
      %lt3A_363 = arith.cmpi slt, %get3A_357, %lt3A_362 : vector<16xi32>
      %and3A_364 = arith.andi %ge3A_359, %lt3A_363 : vector<16xi1>
      %sub3A_365 = vector.broadcast %mul3A_0 : i32 to vector<16xi32>
      %sub3A_366 = arith.subi %get3A_357, %sub3A_365 : vector<16xi32>
      %jit3A_367 = arith.constant 5000 : i32
      %broadcast_in_dim3A_368 = vector.broadcast %jit3A_367 : i32 to vector<16xi32>
      %select_n3A_369 = arith.select %and3A_364, %sub3A_366, %broadcast_in_dim3A_368 : vector<16xi1>, vector<16xi32>
      %swap3A_370 = arith.constant 16 : index
      %swap3A_371 = tpu.vector_load %arg11[%swap3A_370] {strides = array<i32>} : memref<128xi32, #tpu.memory_space<vmem>>, vector<16xi32>,
      %swap3A_372 = vector.shape_cast %swap3A_371 : vector<16xi32> to vector<16xi32>
      %swap3A_373 = vector.shape_cast %select_n3A_369 : vector<16xi32> to vector<16xi32>
      tpu.vector_store %arg11[%swap3A_370], %swap3A_373 {strides = array<i32>} : memref<128xi32, #tpu.memory_space<vmem>>, vector<16xi32>,
      %get3A_374 = arith.constant 32 : index
      %get3A_375 = tpu.vector_load %arg9[%get3A_374] {strides = array<i32>} : memref<128xi32, #tpu.memory_space<vmem>>, vector<16xi32>,
      %get3A_376 = vector.shape_cast %get3A_375 : vector<16xi32> to vector<16xi32>
      %ge3A_377 = vector.broadcast %mul3A_0 : i32 to vector<16xi32>
      %ge3A_378 = arith.cmpi sge, %get3A_376, %ge3A_377 : vector<16xi32>
      %add3A_379 = arith.constant 5000 : i32
      %add3A_380 = arith.addi %mul3A_0, %add3A_379 : i32
      %lt3A_381 = vector.broadcast %add3A_380 : i32 to vector<16xi32>
      %lt3A_382 = arith.cmpi slt, %get3A_376, %lt3A_381 : vector<16xi32>
      %and3A_383 = arith.andi %ge3A_378, %lt3A_382 : vector<16xi1>
      %sub3A_384 = vector.broadcast %mul3A_0 : i32 to vector<16xi32>
      %sub3A_385 = arith.subi %get3A_376, %sub3A_384 : vector<16xi32>
      %jit3A_386 = arith.constant 5000 : i32
      %broadcast_in_dim3A_387 = vector.broadcast %jit3A_386 : i32 to vector<16xi32>
      %select_n3A_388 = arith.select %and3A_383, %sub3A_385, %broadcast_in_dim3A_387 : vector<16xi1>, vector<16xi32>
      %swap3A_389 = arith.constant 32 : index
      %swap3A_390 = tpu.vector_load %arg11[%swap3A_389] {strides = array<i32>} : memref<128xi32, #tpu.memory_space<vmem>>, vector<16xi32>,
      %swap3A_391 = vector.shape_cast %swap3A_390 : vector<16xi32> to vector<16xi32>
      %swap3A_392 = vector.shape_cast %select_n3A_388 : vector<16xi32> to vector<16xi32>
      tpu.vector_store %arg11[%swap3A_389], %swap3A_392 {strides = array<i32>} : memref<128xi32, #tpu.memory_space<vmem>>, vector<16xi32>,
      %get3A_393 = arith.constant 48 : index
      %get3A_394 = tpu.vector_load %arg9[%get3A_393] {strides = array<i32>} : memref<128xi32, #tpu.memory_space<vmem>>, vector<16xi32>,
      %get3A_395 = vector.shape_cast %get3A_394 : vector<16xi32> to vector<16xi32>
      %ge3A_396 = vector.broadcast %mul3A_0 : i32 to vector<16xi32>
      %ge3A_397 = arith.cmpi sge, %get3A_395, %ge3A_396 : vector<16xi32>
      %add3A_398 = arith.constant 5000 : i32
      %add3A_399 = arith.addi %mul3A_0, %add3A_398 : i32
      %lt3A_400 = vector.broadcast %add3A_399 : i32 to vector<16xi32>
      %lt3A_401 = arith.cmpi slt, %get3A_395, %lt3A_400 : vector<16xi32>
      %and3A_402 = arith.andi %ge3A_397, %lt3A_401 : vector<16xi1>
      %sub3A_403 = vector.broadcast %mul3A_0 : i32 to vector<16xi32>
      %sub3A_404 = arith.subi %get3A_395, %sub3A_403 : vector<16xi32>
      %jit3A_405 = arith.constant 5000 : i32
      %broadcast_in_dim3A_406 = vector.broadcast %jit3A_405 : i32 to vector<16xi32>
      %select_n3A_407 = arith.select %and3A_402, %sub3A_404, %broadcast_in_dim3A_406 : vector<16xi1>, vector<16xi32>
      %swap3A_408 = arith.constant 48 : index
      %swap3A_409 = tpu.vector_load %arg11[%swap3A_408] {strides = array<i32>} : memref<128xi32, #tpu.memory_space<vmem>>, vector<16xi32>,
      %swap3A_410 = vector.shape_cast %swap3A_409 : vector<16xi32> to vector<16xi32>
      %swap3A_411 = vector.shape_cast %select_n3A_407 : vector<16xi32> to vector<16xi32>
      tpu.vector_store %arg11[%swap3A_408], %swap3A_411 {strides = array<i32>} : memref<128xi32, #tpu.memory_space<vmem>>, vector<16xi32>,
      %get3A_412 = arith.constant 64 : index
      %get3A_413 = tpu.vector_load %arg9[%get3A_412] {strides = array<i32>} : memref<128xi32, #tpu.memory_space<vmem>>, vector<16xi32>,
      %get3A_414 = vector.shape_cast %get3A_413 : vector<16xi32> to vector<16xi32>
      %ge3A_415 = vector.broadcast %mul3A_0 : i32 to vector<16xi32>
      %ge3A_416 = arith.cmpi sge, %get3A_414, %ge3A_415 : vector<16xi32>
      %add3A_417 = arith.constant 5000 : i32
      %add3A_418 = arith.addi %mul3A_0, %add3A_417 : i32
      %lt3A_419 = vector.broadcast %add3A_418 : i32 to vector<16xi32>
      %lt3A_420 = arith.cmpi slt, %get3A_414, %lt3A_419 : vector<16xi32>
      %and3A_421 = arith.andi %ge3A_416, %lt3A_420 : vector<16xi1>
      %sub3A_422 = vector.broadcast %mul3A_0 : i32 to vector<16xi32>
      %sub3A_423 = arith.subi %get3A_414, %sub3A_422 : vector<16xi32>
      %jit3A_424 = arith.constant 5000 : i32
      %broadcast_in_dim3A_425 = vector.broadcast %jit3A_424 : i32 to vector<16xi32>
      %select_n3A_426 = arith.select %and3A_421, %sub3A_423, %broadcast_in_dim3A_425 : vector<16xi1>, vector<16xi32>
      %swap3A_427 = arith.constant 64 : index
      %swap3A_428 = tpu.vector_load %arg11[%swap3A_427] {strides = array<i32>} : memref<128xi32, #tpu.memory_space<vmem>>, vector<16xi32>,
      %swap3A_429 = vector.shape_cast %swap3A_428 : vector<16xi32> to vector<16xi32>
      %swap3A_430 = vector.shape_cast %select_n3A_426 : vector<16xi32> to vector<16xi32>
      tpu.vector_store %arg11[%swap3A_427], %swap3A_430 {strides = array<i32>} : memref<128xi32, #tpu.memory_space<vmem>>, vector<16xi32>,
      %get3A_431 = arith.constant 80 : index
      %get3A_432 = tpu.vector_load %arg9[%get3A_431] {strides = array<i32>} : memref<128xi32, #tpu.memory_space<vmem>>, vector<16xi32>,
      %get3A_433 = vector.shape_cast %get3A_432 : vector<16xi32> to vector<16xi32>
      %ge3A_434 = vector.broadcast %mul3A_0 : i32 to vector<16xi32>
      %ge3A_435 = arith.cmpi sge, %get3A_433, %ge3A_434 : vector<16xi32>
      %add3A_436 = arith.constant 5000 : i32
      %add3A_437 = arith.addi %mul3A_0, %add3A_436 : i32
      %lt3A_438 = vector.broadcast %add3A_437 : i32 to vector<16xi32>
      %lt3A_439 = arith.cmpi slt, %get3A_433, %lt3A_438 : vector<16xi32>
      %and3A_440 = arith.andi %ge3A_435, %lt3A_439 : vector<16xi1>
      %sub3A_441 = vector.broadcast %mul3A_0 : i32 to vector<16xi32>
      %sub3A_442 = arith.subi %get3A_433, %sub3A_441 : vector<16xi32>
      %jit3A_443 = arith.constant 5000 : i32
      %broadcast_in_dim3A_444 = vector.broadcast %jit3A_443 : i32 to vector<16xi32>
      %select_n3A_445 = arith.select %and3A_440, %sub3A_442, %broadcast_in_dim3A_444 : vector<16xi1>, vector<16xi32>
      %swap3A_446 = arith.constant 80 : index
      %swap3A_447 = tpu.vector_load %arg11[%swap3A_446] {strides = array<i32>} : memref<128xi32, #tpu.memory_space<vmem>>, vector<16xi32>,
      %swap3A_448 = vector.shape_cast %swap3A_447 : vector<16xi32> to vector<16xi32>
      %swap3A_449 = vector.shape_cast %select_n3A_445 : vector<16xi32> to vector<16xi32>
      tpu.vector_store %arg11[%swap3A_446], %swap3A_449 {strides = array<i32>} : memref<128xi32, #tpu.memory_space<vmem>>, vector<16xi32>,
      %get3A_450 = arith.constant 96 : index
      %get3A_451 = tpu.vector_load %arg9[%get3A_450] {strides = array<i32>} : memref<128xi32, #tpu.memory_space<vmem>>, vector<16xi32>,
      %get3A_452 = vector.shape_cast %get3A_451 : vector<16xi32> to vector<16xi32>
      %ge3A_453 = vector.broadcast %mul3A_0 : i32 to vector<16xi32>
      %ge3A_454 = arith.cmpi sge, %get3A_452, %ge3A_453 : vector<16xi32>
      %add3A_455 = arith.constant 5000 : i32
      %add3A_456 = arith.addi %mul3A_0, %add3A_455 : i32
      %lt3A_457 = vector.broadcast %add3A_456 : i32 to vector<16xi32>
      %lt3A_458 = arith.cmpi slt, %get3A_452, %lt3A_457 : vector<16xi32>
      %and3A_459 = arith.andi %ge3A_454, %lt3A_458 : vector<16xi1>
      %sub3A_460 = vector.broadcast %mul3A_0 : i32 to vector<16xi32>
      %sub3A_461 = arith.subi %get3A_452, %sub3A_460 : vector<16xi32>
      %jit3A_462 = arith.constant 5000 : i32
      %broadcast_in_dim3A_463 = vector.broadcast %jit3A_462 : i32 to vector<16xi32>
      %select_n3A_464 = arith.select %and3A_459, %sub3A_461, %broadcast_in_dim3A_463 : vector<16xi1>, vector<16xi32>
      %swap3A_465 = arith.constant 96 : index
      %swap3A_466 = tpu.vector_load %arg11[%swap3A_465] {strides = array<i32>} : memref<128xi32, #tpu.memory_space<vmem>>, vector<16xi32>,
      %swap3A_467 = vector.shape_cast %swap3A_466 : vector<16xi32> to vector<16xi32>
      %swap3A_468 = vector.shape_cast %select_n3A_464 : vector<16xi32> to vector<16xi32>
      tpu.vector_store %arg11[%swap3A_465], %swap3A_468 {strides = array<i32>} : memref<128xi32, #tpu.memory_space<vmem>>, vector<16xi32>,
      %get3A_469 = arith.constant 112 : index
      %get3A_470 = tpu.vector_load %arg9[%get3A_469] {strides = array<i32>} : memref<128xi32, #tpu.memory_space<vmem>>, vector<16xi32>,
      %get3A_471 = vector.shape_cast %get3A_470 : vector<16xi32> to vector<16xi32>
      %ge3A_472 = vector.broadcast %mul3A_0 : i32 to vector<16xi32>
      %ge3A_473 = arith.cmpi sge, %get3A_471, %ge3A_472 : vector<16xi32>
      %add3A_474 = arith.constant 5000 : i32
      %add3A_475 = arith.addi %mul3A_0, %add3A_474 : i32
      %lt3A_476 = vector.broadcast %add3A_475 : i32 to vector<16xi32>
      %lt3A_477 = arith.cmpi slt, %get3A_471, %lt3A_476 : vector<16xi32>
      %and3A_478 = arith.andi %ge3A_473, %lt3A_477 : vector<16xi1>
      %sub3A_479 = vector.broadcast %mul3A_0 : i32 to vector<16xi32>
      %sub3A_480 = arith.subi %get3A_471, %sub3A_479 : vector<16xi32>
      %jit3A_481 = arith.constant 5000 : i32
      %broadcast_in_dim3A_482 = vector.broadcast %jit3A_481 : i32 to vector<16xi32>
      %select_n3A_483 = arith.select %and3A_478, %sub3A_480, %broadcast_in_dim3A_482 : vector<16xi1>, vector<16xi32>
      %swap3A_484 = arith.constant 112 : index
      %swap3A_485 = tpu.vector_load %arg11[%swap3A_484] {strides = array<i32>} : memref<128xi32, #tpu.memory_space<vmem>>, vector<16xi32>,
      %swap3A_486 = vector.shape_cast %swap3A_485 : vector<16xi32> to vector<16xi32>
      %swap3A_487 = vector.shape_cast %select_n3A_483 : vector<16xi32> to vector<16xi32>
      tpu.vector_store %arg11[%swap3A_484], %swap3A_487 {strides = array<i32>} : memref<128xi32, #tpu.memory_space<vmem>>, vector<16xi32>,
      %add3A_488 = arith.constant 2 : i32
      %add3A_489 = arith.addi %add3A_320, %add3A_488 : i32
      %lt3A_490 = arith.constant 156 : i32
      %lt3A_491 = arith.cmpi slt, %add3A_489, %lt3A_490 : i32
      %convert_element_type3A_492 = arith.extui %lt3A_491 : i1 to i32
      %cond3A_493 = arith.constant 0 : i32
      %cond3A_494 = arith.cmpi ne, %convert_element_type3A_492, %cond3A_493 : i32
      scf.if %cond3A_494 {
        %add3A_678 = arith.constant 2 : i32
        %add3A_679 = arith.addi %add3A_320, %add3A_678 : i32
        %mul3A_680 = arith.constant 16 : i32
        %mul3A_681 = arith.muli %add3A_679, %mul3A_680 : i32
        %add3A_682 = arith.addi %arg1, %mul3A_681 : i32
        %dma_start3A_683 = arith.constant 1 : i32
        %dma_start3A_684 = arith.constant 0 : i32
        %dma_start3A_685 = tpu.memref_slice %arg2[%add3A_682, %dma_start3A_683, %dma_start3A_684] : memref<2500x2x128xi32, #tpu.memory_space<hbm>> -> memref<1x1x128xi32, #tpu.memory_space<hbm>>
        %dma_start3A_686 = tpu.memref_squeeze %dma_start3A_685 : memref<1x1x128xi32, #tpu.memory_space<hbm>> -> memref<128xi32, #tpu.memory_space<hbm>>
        %dma_start3A_687 = arith.constant 0 : i32
        %dma_start3A_688 = tpu.memref_slice %arg2[%add3A_682, %dma_start3A_683, %dma_start3A_687] : memref<2500x2x128xi32, #tpu.memory_space<hbm>> -> memref<1x1x128xi32, #tpu.memory_space<hbm>>
        %dma_start3A_689 = tpu.memref_squeeze %dma_start3A_688 : memref<1x1x128xi32, #tpu.memory_space<hbm>> -> memref<128xi32, #tpu.memory_space<hbm>>
        tpu.enqueue_dma source(%dma_start3A_689 : memref<128xi32, #tpu.memory_space<hbm>>) target(%arg9 : memref<128xi32, #tpu.memory_space<vmem>>) target_semaphore(%arg24 : memref<!tpu.dma_semaphore, #tpu.memory_space<semaphore_mem>>)
        %mul3A_690 = arith.constant 128 : i32
        %mul3A_691 = arith.muli %add3A_682, %mul3A_690 : i32
        %dma_start3A_692 = arith.constant 0 : i32
        %dma_start3A_693 = tpu.memref_slice %arg4[%mul3A_691, %dma_start3A_692] : memref<320000x16xf32, #tpu.memory_space<hbm>> -> memref<128x16xf32, #tpu.memory_space<hbm>>
        %dma_start3A_694 = arith.constant 0 : i32
        %dma_start3A_695 = tpu.memref_slice %arg4[%mul3A_691, %dma_start3A_694] : memref<320000x16xf32, #tpu.memory_space<hbm>> -> memref<128x16xf32, #tpu.memory_space<hbm>>
        tpu.enqueue_dma source(%dma_start3A_695 : memref<128x16xf32, #tpu.memory_space<hbm>>) target(%arg15 : memref<128x16xf32, #tpu.memory_space<vmem>>) target_semaphore(%arg24 : memref<!tpu.dma_semaphore, #tpu.memory_space<semaphore_mem>>)
      } else {
      }
      "tpu.region"() ({
        %run_scoped3A_678 = tpu.sem_alloc : memref<!tpu.dma_semaphore, #tpu.memory_space<semaphore_mem>>
        %dma_start3A_679 = arith.constant 0 : i32
        %dma_start3A_680 = arith.constant 0 : i32
        %dma_start3A_681 = tpu.memref_slice %arg19[%dma_start3A_679, %dma_start3A_680] : memref<5040x128xf32, #tpu.memory_space<vmem_shared>> -> memref<5040x128xf32, #tpu.memory_space<vmem_shared>>
        tpu.enqueue_indirect_dma source(%arg13 : memref<128x128xf32, #tpu.memory_space<vmem>>) target(%dma_start3A_681 : memref<5040x128xf32, #tpu.memory_space<vmem_shared>>) offsets(%arg11 : memref<128xi32, #tpu.memory_space<vmem>>) semaphore(%run_scoped3A_678 : memref<!tpu.dma_semaphore, #tpu.memory_space<semaphore_mem>>) {add = true}
        %dma_wait3A_682 = arith.constant 0 : i32
        %dma_wait3A_683 = arith.constant 0 : i32
        %dma_wait3A_684 = tpu.memref_slice %arg19[%dma_wait3A_682, %dma_wait3A_683] : memref<5040x128xf32, #tpu.memory_space<vmem_shared>> -> memref<5040x128xf32, #tpu.memory_space<vmem_shared>>
        tpu.wait_indirect_dma semaphore(%run_scoped3A_678 : memref<!tpu.dma_semaphore, #tpu.memory_space<semaphore_mem>>) src(%arg13 : memref<128x128xf32, #tpu.memory_space<vmem>>) dst(%dma_wait3A_684 : memref<5040x128xf32, #tpu.memory_space<vmem_shared>>)
        tpu.yield
      }) : () -> ()
      %add3A_495 = arith.constant 1 : i32
      %add3A_496 = arith.addi %mul3A_318, %add3A_495 : i32
      %dma_wait3A_497 = arith.constant 0 : i32
      %dma_wait3A_498 = arith.constant 1 : i32
      %dma_wait3A_499 = arith.constant 0 : i32
      %dma_wait3A_500 = tpu.memref_slice %arg2[%dma_wait3A_497, %dma_wait3A_498, %dma_wait3A_499] : memref<2500x2x128xi32, #tpu.memory_space<hbm>> -> memref<1x1x128xi32, #tpu.memory_space<hbm>>
      %dma_wait3A_501 = tpu.memref_squeeze %dma_wait3A_500 : memref<1x1x128xi32, #tpu.memory_space<hbm>> -> memref<128xi32, #tpu.memory_space<hbm>>
      %dma_wait3A_502 = arith.constant 0 : i32
      %dma_wait3A_503 = tpu.memref_slice %arg2[%dma_wait3A_497, %dma_wait3A_498, %dma_wait3A_502] : memref<2500x2x128xi32, #tpu.memory_space<hbm>> -> memref<1x1x128xi32, #tpu.memory_space<hbm>>
      %dma_wait3A_504 = tpu.memref_squeeze %dma_wait3A_503 : memref<1x1x128xi32, #tpu.memory_space<hbm>> -> memref<128xi32, #tpu.memory_space<hbm>>
      tpu.wait_dma2 semaphore(%arg24 : memref<!tpu.dma_semaphore, #tpu.memory_space<semaphore_mem>>) src(%dma_wait3A_504 : memref<128xi32, #tpu.memory_space<hbm>>) dst(%arg10 : memref<128xi32, #tpu.memory_space<vmem>>)
      %dma_wait3A_505 = arith.constant 0 : i32
      %dma_wait3A_506 = arith.constant 0 : i32
      %dma_wait3A_507 = tpu.memref_slice %arg4[%dma_wait3A_505, %dma_wait3A_506] : memref<320000x16xf32, #tpu.memory_space<hbm>> -> memref<128x16xf32, #tpu.memory_space<hbm>>
      %dma_wait3A_508 = arith.constant 0 : i32
      %dma_wait3A_509 = arith.constant 0 : i32
      %dma_wait3A_510 = tpu.memref_slice %arg4[%dma_wait3A_508, %dma_wait3A_509] : memref<320000x16xf32, #tpu.memory_space<hbm>> -> memref<128x16xf32, #tpu.memory_space<hbm>>
      tpu.wait_dma2 semaphore(%arg24 : memref<!tpu.dma_semaphore, #tpu.memory_space<semaphore_mem>>) src(%dma_wait3A_510 : memref<128x16xf32, #tpu.memory_space<hbm>>) dst(%arg16 : memref<128x16xf32, #tpu.memory_space<vmem>>)
      %scan3A_511 = arith.constant 0 : i32
      %scan3A_512 = arith.constant 0 : i32
      %scan3A_513 = arith.constant 128 : i32
      %scan3A_514 = arith.addi %scan3A_512, %scan3A_513 : i32
      %scan3A_515 = arith.constant 1 : i32
      %scan3A_516 = scf.for %scan3A_678 = %scan3A_512 to %scan3A_514 step %scan3A_515 iter_args(%scan3A_679 = %scan3A_511) -> (i32)  : i32 {
        %get3A_680 = arith.index_cast %scan3A_678 : i32 to index
        %get3A_681 = arith.constant 0 : index
        %get3A_682 = tpu.vector_load %arg16[%get3A_680, %get3A_681] {strides = array<i32>} : memref<128x16xf32, #tpu.memory_space<vmem>>, vector<1x16xf32>,
        %get3A_683 = vector.shape_cast %get3A_682 : vector<1x16xf32> to vector<16xf32>
        %swap3A_684 = arith.index_cast %scan3A_678 : i32 to index
        %swap3A_685 = arith.constant 0 : index
        %swap3A_686 = tpu.vector_load %arg14[%swap3A_684, %swap3A_685] {strides = array<i32>} : memref<128x128xf32, #tpu.memory_space<vmem>>, vector<1x16xf32>,
        %swap3A_687 = vector.shape_cast %swap3A_686 : vector<1x16xf32> to vector<16xf32>
        %swap3A_688 = vector.shape_cast %get3A_683 : vector<16xf32> to vector<1x16xf32>
        tpu.vector_store %arg14[%swap3A_684, %swap3A_685], %swap3A_688 {strides = array<i32>} : memref<128x128xf32, #tpu.memory_space<vmem>>, vector<1x16xf32>,
        %scan3A_689 = arith.constant 0 : i32
        scf.yield %scan3A_689 : i32
      }
      %scan3A_517 = arith.constant 128 : i32
      %get3A_518 = arith.constant 0 : index
      %get3A_519 = tpu.vector_load %arg10[%get3A_518] {strides = array<i32>} : memref<128xi32, #tpu.memory_space<vmem>>, vector<16xi32>,
      %get3A_520 = vector.shape_cast %get3A_519 : vector<16xi32> to vector<16xi32>
      %ge3A_521 = vector.broadcast %mul3A_0 : i32 to vector<16xi32>
      %ge3A_522 = arith.cmpi sge, %get3A_520, %ge3A_521 : vector<16xi32>
      %add3A_523 = arith.constant 5000 : i32
      %add3A_524 = arith.addi %mul3A_0, %add3A_523 : i32
      %lt3A_525 = vector.broadcast %add3A_524 : i32 to vector<16xi32>
      %lt3A_526 = arith.cmpi slt, %get3A_520, %lt3A_525 : vector<16xi32>
      %and3A_527 = arith.andi %ge3A_522, %lt3A_526 : vector<16xi1>
      %sub3A_528 = vector.broadcast %mul3A_0 : i32 to vector<16xi32>
      %sub3A_529 = arith.subi %get3A_520, %sub3A_528 : vector<16xi32>
      %jit3A_530 = arith.constant 5000 : i32
      %broadcast_in_dim3A_531 = vector.broadcast %jit3A_530 : i32 to vector<16xi32>
      %select_n3A_532 = arith.select %and3A_527, %sub3A_529, %broadcast_in_dim3A_531 : vector<16xi1>, vector<16xi32>
      %swap3A_533 = arith.constant 0 : index
      %swap3A_534 = tpu.vector_load %arg12[%swap3A_533] {strides = array<i32>} : memref<128xi32, #tpu.memory_space<vmem>>, vector<16xi32>,
      %swap3A_535 = vector.shape_cast %swap3A_534 : vector<16xi32> to vector<16xi32>
      %swap3A_536 = vector.shape_cast %select_n3A_532 : vector<16xi32> to vector<16xi32>
      tpu.vector_store %arg12[%swap3A_533], %swap3A_536 {strides = array<i32>} : memref<128xi32, #tpu.memory_space<vmem>>, vector<16xi32>,
      %get3A_537 = arith.constant 16 : index
      %get3A_538 = tpu.vector_load %arg10[%get3A_537] {strides = array<i32>} : memref<128xi32, #tpu.memory_space<vmem>>, vector<16xi32>,
      %get3A_539 = vector.shape_cast %get3A_538 : vector<16xi32> to vector<16xi32>
      %ge3A_540 = vector.broadcast %mul3A_0 : i32 to vector<16xi32>
      %ge3A_541 = arith.cmpi sge, %get3A_539, %ge3A_540 : vector<16xi32>
      %add3A_542 = arith.constant 5000 : i32
      %add3A_543 = arith.addi %mul3A_0, %add3A_542 : i32
      %lt3A_544 = vector.broadcast %add3A_543 : i32 to vector<16xi32>
      %lt3A_545 = arith.cmpi slt, %get3A_539, %lt3A_544 : vector<16xi32>
      %and3A_546 = arith.andi %ge3A_541, %lt3A_545 : vector<16xi1>
      %sub3A_547 = vector.broadcast %mul3A_0 : i32 to vector<16xi32>
      %sub3A_548 = arith.subi %get3A_539, %sub3A_547 : vector<16xi32>
      %jit3A_549 = arith.constant 5000 : i32
      %broadcast_in_dim3A_550 = vector.broadcast %jit3A_549 : i32 to vector<16xi32>
      %select_n3A_551 = arith.select %and3A_546, %sub3A_548, %broadcast_in_dim3A_550 : vector<16xi1>, vector<16xi32>
      %swap3A_552 = arith.constant 16 : index
      %swap3A_553 = tpu.vector_load %arg12[%swap3A_552] {strides = array<i32>} : memref<128xi32, #tpu.memory_space<vmem>>, vector<16xi32>,
      %swap3A_554 = vector.shape_cast %swap3A_553 : vector<16xi32> to vector<16xi32>
      %swap3A_555 = vector.shape_cast %select_n3A_551 : vector<16xi32> to vector<16xi32>
      tpu.vector_store %arg12[%swap3A_552], %swap3A_555 {strides = array<i32>} : memref<128xi32, #tpu.memory_space<vmem>>, vector<16xi32>,
      %get3A_556 = arith.constant 32 : index
      %get3A_557 = tpu.vector_load %arg10[%get3A_556] {strides = array<i32>} : memref<128xi32, #tpu.memory_space<vmem>>, vector<16xi32>,
      %get3A_558 = vector.shape_cast %get3A_557 : vector<16xi32> to vector<16xi32>
      %ge3A_559 = vector.broadcast %mul3A_0 : i32 to vector<16xi32>
      %ge3A_560 = arith.cmpi sge, %get3A_558, %ge3A_559 : vector<16xi32>
      %add3A_561 = arith.constant 5000 : i32
      %add3A_562 = arith.addi %mul3A_0, %add3A_561 : i32
      %lt3A_563 = vector.broadcast %add3A_562 : i32 to vector<16xi32>
      %lt3A_564 = arith.cmpi slt, %get3A_558, %lt3A_563 : vector<16xi32>
      %and3A_565 = arith.andi %ge3A_560, %lt3A_564 : vector<16xi1>
      %sub3A_566 = vector.broadcast %mul3A_0 : i32 to vector<16xi32>
      %sub3A_567 = arith.subi %get3A_558, %sub3A_566 : vector<16xi32>
      %jit3A_568 = arith.constant 5000 : i32
      %broadcast_in_dim3A_569 = vector.broadcast %jit3A_568 : i32 to vector<16xi32>
      %select_n3A_570 = arith.select %and3A_565, %sub3A_567, %broadcast_in_dim3A_569 : vector<16xi1>, vector<16xi32>
      %swap3A_571 = arith.constant 32 : index
      %swap3A_572 = tpu.vector_load %arg12[%swap3A_571] {strides = array<i32>} : memref<128xi32, #tpu.memory_space<vmem>>, vector<16xi32>,
      %swap3A_573 = vector.shape_cast %swap3A_572 : vector<16xi32> to vector<16xi32>
      %swap3A_574 = vector.shape_cast %select_n3A_570 : vector<16xi32> to vector<16xi32>
      tpu.vector_store %arg12[%swap3A_571], %swap3A_574 {strides = array<i32>} : memref<128xi32, #tpu.memory_space<vmem>>, vector<16xi32>,
      %get3A_575 = arith.constant 48 : index
      %get3A_576 = tpu.vector_load %arg10[%get3A_575] {strides = array<i32>} : memref<128xi32, #tpu.memory_space<vmem>>, vector<16xi32>,
      %get3A_577 = vector.shape_cast %get3A_576 : vector<16xi32> to vector<16xi32>
      %ge3A_578 = vector.broadcast %mul3A_0 : i32 to vector<16xi32>
      %ge3A_579 = arith.cmpi sge, %get3A_577, %ge3A_578 : vector<16xi32>
      %add3A_580 = arith.constant 5000 : i32
      %add3A_581 = arith.addi %mul3A_0, %add3A_580 : i32
      %lt3A_582 = vector.broadcast %add3A_581 : i32 to vector<16xi32>
      %lt3A_583 = arith.cmpi slt, %get3A_577, %lt3A_582 : vector<16xi32>
      %and3A_584 = arith.andi %ge3A_579, %lt3A_583 : vector<16xi1>
      %sub3A_585 = vector.broadcast %mul3A_0 : i32 to vector<16xi32>
      %sub3A_586 = arith.subi %get3A_577, %sub3A_585 : vector<16xi32>
      %jit3A_587 = arith.constant 5000 : i32
      %broadcast_in_dim3A_588 = vector.broadcast %jit3A_587 : i32 to vector<16xi32>
      %select_n3A_589 = arith.select %and3A_584, %sub3A_586, %broadcast_in_dim3A_588 : vector<16xi1>, vector<16xi32>
      %swap3A_590 = arith.constant 48 : index
      %swap3A_591 = tpu.vector_load %arg12[%swap3A_590] {strides = array<i32>} : memref<128xi32, #tpu.memory_space<vmem>>, vector<16xi32>,
      %swap3A_592 = vector.shape_cast %swap3A_591 : vector<16xi32> to vector<16xi32>
      %swap3A_593 = vector.shape_cast %select_n3A_589 : vector<16xi32> to vector<16xi32>
      tpu.vector_store %arg12[%swap3A_590], %swap3A_593 {strides = array<i32>} : memref<128xi32, #tpu.memory_space<vmem>>, vector<16xi32>,
      %get3A_594 = arith.constant 64 : index
      %get3A_595 = tpu.vector_load %arg10[%get3A_594] {strides = array<i32>} : memref<128xi32, #tpu.memory_space<vmem>>, vector<16xi32>,
      %get3A_596 = vector.shape_cast %get3A_595 : vector<16xi32> to vector<16xi32>
      %ge3A_597 = vector.broadcast %mul3A_0 : i32 to vector<16xi32>
      %ge3A_598 = arith.cmpi sge, %get3A_596, %ge3A_597 : vector<16xi32>
      %add3A_599 = arith.constant 5000 : i32
      %add3A_600 = arith.addi %mul3A_0, %add3A_599 : i32
      %lt3A_601 = vector.broadcast %add3A_600 : i32 to vector<16xi32>
      %lt3A_602 = arith.cmpi slt, %get3A_596, %lt3A_601 : vector<16xi32>
      %and3A_603 = arith.andi %ge3A_598, %lt3A_602 : vector<16xi1>
      %sub3A_604 = vector.broadcast %mul3A_0 : i32 to vector<16xi32>
      %sub3A_605 = arith.subi %get3A_596, %sub3A_604 : vector<16xi32>
      %jit3A_606 = arith.constant 5000 : i32
      %broadcast_in_dim3A_607 = vector.broadcast %jit3A_606 : i32 to vector<16xi32>
      %select_n3A_608 = arith.select %and3A_603, %sub3A_605, %broadcast_in_dim3A_607 : vector<16xi1>, vector<16xi32>
      %swap3A_609 = arith.constant 64 : index
      %swap3A_610 = tpu.vector_load %arg12[%swap3A_609] {strides = array<i32>} : memref<128xi32, #tpu.memory_space<vmem>>, vector<16xi32>,
      %swap3A_611 = vector.shape_cast %swap3A_610 : vector<16xi32> to vector<16xi32>
      %swap3A_612 = vector.shape_cast %select_n3A_608 : vector<16xi32> to vector<16xi32>
      tpu.vector_store %arg12[%swap3A_609], %swap3A_612 {strides = array<i32>} : memref<128xi32, #tpu.memory_space<vmem>>, vector<16xi32>,
      %get3A_613 = arith.constant 80 : index
      %get3A_614 = tpu.vector_load %arg10[%get3A_613] {strides = array<i32>} : memref<128xi32, #tpu.memory_space<vmem>>, vector<16xi32>,
      %get3A_615 = vector.shape_cast %get3A_614 : vector<16xi32> to vector<16xi32>
      %ge3A_616 = vector.broadcast %mul3A_0 : i32 to vector<16xi32>
      %ge3A_617 = arith.cmpi sge, %get3A_615, %ge3A_616 : vector<16xi32>
      %add3A_618 = arith.constant 5000 : i32
      %add3A_619 = arith.addi %mul3A_0, %add3A_618 : i32
      %lt3A_620 = vector.broadcast %add3A_619 : i32 to vector<16xi32>
      %lt3A_621 = arith.cmpi slt, %get3A_615, %lt3A_620 : vector<16xi32>
      %and3A_622 = arith.andi %ge3A_617, %lt3A_621 : vector<16xi1>
      %sub3A_623 = vector.broadcast %mul3A_0 : i32 to vector<16xi32>
      %sub3A_624 = arith.subi %get3A_615, %sub3A_623 : vector<16xi32>
      %jit3A_625 = arith.constant 5000 : i32
      %broadcast_in_dim3A_626 = vector.broadcast %jit3A_625 : i32 to vector<16xi32>
      %select_n3A_627 = arith.select %and3A_622, %sub3A_624, %broadcast_in_dim3A_626 : vector<16xi1>, vector<16xi32>
      %swap3A_628 = arith.constant 80 : index
      %swap3A_629 = tpu.vector_load %arg12[%swap3A_628] {strides = array<i32>} : memref<128xi32, #tpu.memory_space<vmem>>, vector<16xi32>,
      %swap3A_630 = vector.shape_cast %swap3A_629 : vector<16xi32> to vector<16xi32>
      %swap3A_631 = vector.shape_cast %select_n3A_627 : vector<16xi32> to vector<16xi32>
      tpu.vector_store %arg12[%swap3A_628], %swap3A_631 {strides = array<i32>} : memref<128xi32, #tpu.memory_space<vmem>>, vector<16xi32>,
      %get3A_632 = arith.constant 96 : index
      %get3A_633 = tpu.vector_load %arg10[%get3A_632] {strides = array<i32>} : memref<128xi32, #tpu.memory_space<vmem>>, vector<16xi32>,
      %get3A_634 = vector.shape_cast %get3A_633 : vector<16xi32> to vector<16xi32>
      %ge3A_635 = vector.broadcast %mul3A_0 : i32 to vector<16xi32>
      %ge3A_636 = arith.cmpi sge, %get3A_634, %ge3A_635 : vector<16xi32>
      %add3A_637 = arith.constant 5000 : i32
      %add3A_638 = arith.addi %mul3A_0, %add3A_637 : i32
      %lt3A_639 = vector.broadcast %add3A_638 : i32 to vector<16xi32>
      %lt3A_640 = arith.cmpi slt, %get3A_634, %lt3A_639 : vector<16xi32>
      %and3A_641 = arith.andi %ge3A_636, %lt3A_640 : vector<16xi1>
      %sub3A_642 = vector.broadcast %mul3A_0 : i32 to vector<16xi32>
      %sub3A_643 = arith.subi %get3A_634, %sub3A_642 : vector<16xi32>
      %jit3A_644 = arith.constant 5000 : i32
      %broadcast_in_dim3A_645 = vector.broadcast %jit3A_644 : i32 to vector<16xi32>
      %select_n3A_646 = arith.select %and3A_641, %sub3A_643, %broadcast_in_dim3A_645 : vector<16xi1>, vector<16xi32>
      %swap3A_647 = arith.constant 96 : index
      %swap3A_648 = tpu.vector_load %arg12[%swap3A_647] {strides = array<i32>} : memref<128xi32, #tpu.memory_space<vmem>>, vector<16xi32>,
      %swap3A_649 = vector.shape_cast %swap3A_648 : vector<16xi32> to vector<16xi32>
      %swap3A_650 = vector.shape_cast %select_n3A_646 : vector<16xi32> to vector<16xi32>
      tpu.vector_store %arg12[%swap3A_647], %swap3A_650 {strides = array<i32>} : memref<128xi32, #tpu.memory_space<vmem>>, vector<16xi32>,
      %get3A_651 = arith.constant 112 : index
      %get3A_652 = tpu.vector_load %arg10[%get3A_651] {strides = array<i32>} : memref<128xi32, #tpu.memory_space<vmem>>, vector<16xi32>,
      %get3A_653 = vector.shape_cast %get3A_652 : vector<16xi32> to vector<16xi32>
      %ge3A_654 = vector.broadcast %mul3A_0 : i32 to vector<16xi32>
      %ge3A_655 = arith.cmpi sge, %get3A_653, %ge3A_654 : vector<16xi32>
      %add3A_656 = arith.constant 5000 : i32
      %add3A_657 = arith.addi %mul3A_0, %add3A_656 : i32
      %lt3A_658 = vector.broadcast %add3A_657 : i32 to vector<16xi32>
      %lt3A_659 = arith.cmpi slt, %get3A_653, %lt3A_658 : vector<16xi32>
      %and3A_660 = arith.andi %ge3A_655, %lt3A_659 : vector<16xi1>
      %sub3A_661 = vector.broadcast %mul3A_0 : i32 to vector<16xi32>
      %sub3A_662 = arith.subi %get3A_653, %sub3A_661 : vector<16xi32>
      %jit3A_663 = arith.constant 5000 : i32
      %broadcast_in_dim3A_664 = vector.broadcast %jit3A_663 : i32 to vector<16xi32>
      %select_n3A_665 = arith.select %and3A_660, %sub3A_662, %broadcast_in_dim3A_664 : vector<16xi1>, vector<16xi32>
      %swap3A_666 = arith.constant 112 : index
      %swap3A_667 = tpu.vector_load %arg12[%swap3A_666] {strides = array<i32>} : memref<128xi32, #tpu.memory_space<vmem>>, vector<16xi32>,
      %swap3A_668 = vector.shape_cast %swap3A_667 : vector<16xi32> to vector<16xi32>
      %swap3A_669 = vector.shape_cast %select_n3A_665 : vector<16xi32> to vector<16xi32>
      tpu.vector_store %arg12[%swap3A_666], %swap3A_669 {strides = array<i32>} : memref<128xi32, #tpu.memory_space<vmem>>, vector<16xi32>,
      %add3A_670 = arith.constant 2 : i32
      %add3A_671 = arith.addi %add3A_496, %add3A_670 : i32
      %lt3A_672 = arith.constant 156 : i32
      %lt3A_673 = arith.cmpi slt, %add3A_671, %lt3A_672 : i32
      %convert_element_type3A_674 = arith.extui %lt3A_673 : i1 to i32
      %cond3A_675 = arith.constant 0 : i32
      %cond3A_676 = arith.cmpi ne, %convert_element_type3A_674, %cond3A_675 : i32
      scf.if %cond3A_676 {
        %add3A_678 = arith.constant 2 : i32
        %add3A_679 = arith.addi %add3A_496, %add3A_678 : i32
        %mul3A_680 = arith.constant 16 : i32
        %mul3A_681 = arith.muli %add3A_679, %mul3A_680 : i32
        %add3A_682 = arith.addi %arg1, %mul3A_681 : i32
        %dma_start3A_683 = arith.constant 1 : i32
        %dma_start3A_684 = arith.constant 0 : i32
        %dma_start3A_685 = tpu.memref_slice %arg2[%add3A_682, %dma_start3A_683, %dma_start3A_684] : memref<2500x2x128xi32, #tpu.memory_space<hbm>> -> memref<1x1x128xi32, #tpu.memory_space<hbm>>
        %dma_start3A_686 = tpu.memref_squeeze %dma_start3A_685 : memref<1x1x128xi32, #tpu.memory_space<hbm>> -> memref<128xi32, #tpu.memory_space<hbm>>
        %dma_start3A_687 = arith.constant 0 : i32
        %dma_start3A_688 = tpu.memref_slice %arg2[%add3A_682, %dma_start3A_683, %dma_start3A_687] : memref<2500x2x128xi32, #tpu.memory_space<hbm>> -> memref<1x1x128xi32, #tpu.memory_space<hbm>>
        %dma_start3A_689 = tpu.memref_squeeze %dma_start3A_688 : memref<1x1x128xi32, #tpu.memory_space<hbm>> -> memref<128xi32, #tpu.memory_space<hbm>>
        tpu.enqueue_dma source(%dma_start3A_689 : memref<128xi32, #tpu.memory_space<hbm>>) target(%arg10 : memref<128xi32, #tpu.memory_space<vmem>>) target_semaphore(%arg24 : memref<!tpu.dma_semaphore, #tpu.memory_space<semaphore_mem>>)
        %mul3A_690 = arith.constant 128 : i32
        %mul3A_691 = arith.muli %add3A_682, %mul3A_690 : i32
        %dma_start3A_692 = arith.constant 0 : i32
        %dma_start3A_693 = tpu.memref_slice %arg4[%mul3A_691, %dma_start3A_692] : memref<320000x16xf32, #tpu.memory_space<hbm>> -> memref<128x16xf32, #tpu.memory_space<hbm>>
        %dma_start3A_694 = arith.constant 0 : i32
        %dma_start3A_695 = tpu.memref_slice %arg4[%mul3A_691, %dma_start3A_694] : memref<320000x16xf32, #tpu.memory_space<hbm>> -> memref<128x16xf32, #tpu.memory_space<hbm>>
        tpu.enqueue_dma source(%dma_start3A_695 : memref<128x16xf32, #tpu.memory_space<hbm>>) target(%arg16 : memref<128x16xf32, #tpu.memory_space<vmem>>) target_semaphore(%arg24 : memref<!tpu.dma_semaphore, #tpu.memory_space<semaphore_mem>>)
      } else {
      }
      "tpu.region"() ({
        %run_scoped3A_678 = tpu.sem_alloc : memref<!tpu.dma_semaphore, #tpu.memory_space<semaphore_mem>>
        %dma_start3A_679 = arith.constant 0 : i32
        %dma_start3A_680 = arith.constant 0 : i32
        %dma_start3A_681 = tpu.memref_slice %arg19[%dma_start3A_679, %dma_start3A_680] : memref<5040x128xf32, #tpu.memory_space<vmem_shared>> -> memref<5040x128xf32, #tpu.memory_space<vmem_shared>>
        tpu.enqueue_indirect_dma source(%arg14 : memref<128x128xf32, #tpu.memory_space<vmem>>) target(%dma_start3A_681 : memref<5040x128xf32, #tpu.memory_space<vmem_shared>>) offsets(%arg12 : memref<128xi32, #tpu.memory_space<vmem>>) semaphore(%run_scoped3A_678 : memref<!tpu.dma_semaphore, #tpu.memory_space<semaphore_mem>>) {add = true}
        %dma_wait3A_682 = arith.constant 0 : i32
        %dma_wait3A_683 = arith.constant 0 : i32
        %dma_wait3A_684 = tpu.memref_slice %arg19[%dma_wait3A_682, %dma_wait3A_683] : memref<5040x128xf32, #tpu.memory_space<vmem_shared>> -> memref<5040x128xf32, #tpu.memory_space<vmem_shared>>
        tpu.wait_indirect_dma semaphore(%run_scoped3A_678 : memref<!tpu.dma_semaphore, #tpu.memory_space<semaphore_mem>>) src(%arg14 : memref<128x128xf32, #tpu.memory_space<vmem>>) dst(%dma_wait3A_684 : memref<5040x128xf32, #tpu.memory_space<vmem_shared>>)
        tpu.yield
      }) : () -> ()
      %scan3A_677 = arith.constant 0 : i32
      scf.yield %scan3A_677 : i32
    }
    %scan3A_301 = arith.constant 78 : i32
    %lt3A_302 = arith.constant 4 : i32
    %lt3A_303 = arith.cmpi slt, %arg1, %lt3A_302 : i32
    %convert_element_type3A_304 = arith.extui %lt3A_303 : i1 to i32
    %cond3A_305 = arith.constant 0 : i32
    %cond3A_306 = arith.cmpi ne, %convert_element_type3A_304, %cond3A_305 : i32
    scf.if %cond3A_306 {
      %add3A_315 = arith.constant 2496 : i32
      %add3A_316 = arith.addi %arg1, %add3A_315 : i32
      %run_scoped3A_317 = arith.constant 1 : i32
      "tpu.region"() ({
        %run_scoped3A_481 = tpu.sem_alloc : memref<!tpu.dma_semaphore, #tpu.memory_space<semaphore_mem>>
        %dma_start3A_482 = arith.constant 0 : i32
        %dma_start3A_483 = tpu.memref_slice %arg2[%add3A_316, %run_scoped3A_317, %dma_start3A_482] : memref<2500x2x128xi32, #tpu.memory_space<hbm>> -> memref<1x1x128xi32, #tpu.memory_space<hbm>>
        %dma_start3A_484 = tpu.memref_squeeze %dma_start3A_483 : memref<1x1x128xi32, #tpu.memory_space<hbm>> -> memref<128xi32, #tpu.memory_space<hbm>>
        %dma_start3A_485 = arith.constant 0 : i32
        %dma_start3A_486 = tpu.memref_slice %arg2[%add3A_316, %run_scoped3A_317, %dma_start3A_485] : memref<2500x2x128xi32, #tpu.memory_space<hbm>> -> memref<1x1x128xi32, #tpu.memory_space<hbm>>
        %dma_start3A_487 = tpu.memref_squeeze %dma_start3A_486 : memref<1x1x128xi32, #tpu.memory_space<hbm>> -> memref<128xi32, #tpu.memory_space<hbm>>
        tpu.enqueue_dma source(%dma_start3A_487 : memref<128xi32, #tpu.memory_space<hbm>>) target(%arg9 : memref<128xi32, #tpu.memory_space<vmem>>) target_semaphore(%run_scoped3A_481 : memref<!tpu.dma_semaphore, #tpu.memory_space<semaphore_mem>>)
        %dma_wait3A_488 = arith.constant 0 : i32
        %dma_wait3A_489 = tpu.memref_slice %arg2[%add3A_316, %run_scoped3A_317, %dma_wait3A_488] : memref<2500x2x128xi32, #tpu.memory_space<hbm>> -> memref<1x1x128xi32, #tpu.memory_space<hbm>>
        %dma_wait3A_490 = tpu.memref_squeeze %dma_wait3A_489 : memref<1x1x128xi32, #tpu.memory_space<hbm>> -> memref<128xi32, #tpu.memory_space<hbm>>
        %dma_wait3A_491 = arith.constant 0 : i32
        %dma_wait3A_492 = tpu.memref_slice %arg2[%add3A_316, %run_scoped3A_317, %dma_wait3A_491] : memref<2500x2x128xi32, #tpu.memory_space<hbm>> -> memref<1x1x128xi32, #tpu.memory_space<hbm>>
        %dma_wait3A_493 = tpu.memref_squeeze %dma_wait3A_492 : memref<1x1x128xi32, #tpu.memory_space<hbm>> -> memref<128xi32, #tpu.memory_space<hbm>>
        tpu.wait_dma2 semaphore(%run_scoped3A_481 : memref<!tpu.dma_semaphore, #tpu.memory_space<semaphore_mem>>) src(%dma_wait3A_493 : memref<128xi32, #tpu.memory_space<hbm>>) dst(%arg9 : memref<128xi32, #tpu.memory_space<vmem>>)
        tpu.yield
      }) : () -> ()
      %mul3A_318 = arith.constant 128 : i32
      %mul3A_319 = arith.muli %add3A_316, %mul3A_318 : i32
      %dma_start3A_320 = arith.constant 0 : i32
      %dma_start3A_321 = tpu.memref_slice %arg4[%mul3A_319, %dma_start3A_320] : memref<320000x16xf32, #tpu.memory_space<hbm>> -> memref<128x16xf32, #tpu.memory_space<hbm>>
      %dma_start3A_322 = arith.constant 0 : i32
      %dma_start3A_323 = tpu.memref_slice %arg4[%mul3A_319, %dma_start3A_322] : memref<320000x16xf32, #tpu.memory_space<hbm>> -> memref<128x16xf32, #tpu.memory_space<hbm>>
      tpu.enqueue_dma source(%dma_start3A_323 : memref<128x16xf32, #tpu.memory_space<hbm>>) target(%arg15 : memref<128x16xf32, #tpu.memory_space<vmem>>) target_semaphore(%arg24 : memref<!tpu.dma_semaphore, #tpu.memory_space<semaphore_mem>>)
      %dma_wait3A_324 = arith.constant 0 : i32
      %dma_wait3A_325 = tpu.memref_slice %arg4[%mul3A_319, %dma_wait3A_324] : memref<320000x16xf32, #tpu.memory_space<hbm>> -> memref<128x16xf32, #tpu.memory_space<hbm>>
      %dma_wait3A_326 = arith.constant 0 : i32
      %dma_wait3A_327 = tpu.memref_slice %arg4[%mul3A_319, %dma_wait3A_326] : memref<320000x16xf32, #tpu.memory_space<hbm>> -> memref<128x16xf32, #tpu.memory_space<hbm>>
      tpu.wait_dma2 semaphore(%arg24 : memref<!tpu.dma_semaphore, #tpu.memory_space<semaphore_mem>>) src(%dma_wait3A_327 : memref<128x16xf32, #tpu.memory_space<hbm>>) dst(%arg15 : memref<128x16xf32, #tpu.memory_space<vmem>>)
      %scan3A_328 = arith.constant 0 : i32
      %scan3A_329 = arith.constant 0 : i32
      %scan3A_330 = arith.constant 128 : i32
      %scan3A_331 = arith.addi %scan3A_329, %scan3A_330 : i32
      %scan3A_332 = arith.constant 1 : i32
      %scan3A_333 = scf.for %scan3A_481 = %scan3A_329 to %scan3A_331 step %scan3A_332 iter_args(%scan3A_482 = %scan3A_328) -> (i32)  : i32 {
        %get3A_483 = arith.index_cast %scan3A_481 : i32 to index
        %get3A_484 = arith.constant 0 : index
        %get3A_485 = tpu.vector_load %arg15[%get3A_483, %get3A_484] {strides = array<i32>} : memref<128x16xf32, #tpu.memory_space<vmem>>, vector<1x16xf32>,
        %get3A_486 = vector.shape_cast %get3A_485 : vector<1x16xf32> to vector<16xf32>
        %swap3A_487 = arith.index_cast %scan3A_481 : i32 to index
        %swap3A_488 = arith.constant 0 : index
        %swap3A_489 = tpu.vector_load %arg13[%swap3A_487, %swap3A_488] {strides = array<i32>} : memref<128x128xf32, #tpu.memory_space<vmem>>, vector<1x16xf32>,
        %swap3A_490 = vector.shape_cast %swap3A_489 : vector<1x16xf32> to vector<16xf32>
        %swap3A_491 = vector.shape_cast %get3A_486 : vector<16xf32> to vector<1x16xf32>
        tpu.vector_store %arg13[%swap3A_487, %swap3A_488], %swap3A_491 {strides = array<i32>} : memref<128x128xf32, #tpu.memory_space<vmem>>, vector<1x16xf32>,
        %scan3A_492 = arith.constant 0 : i32
        scf.yield %scan3A_492 : i32
      }
      %scan3A_334 = arith.constant 128 : i32
      %get3A = arith.constant 0 : index
      %get3A_335 = tpu.vector_load %arg9[%get3A] {strides = array<i32>} : memref<128xi32, #tpu.memory_space<vmem>>, vector<16xi32>,
      %get3A_336 = vector.shape_cast %get3A_335 : vector<16xi32> to vector<16xi32>
      %ge3A = vector.broadcast %mul3A_0 : i32 to vector<16xi32>
      %ge3A_337 = arith.cmpi sge, %get3A_336, %ge3A : vector<16xi32>
      %add3A_338 = arith.constant 5000 : i32
      %add3A_339 = arith.addi %mul3A_0, %add3A_338 : i32
      %lt3A_340 = vector.broadcast %add3A_339 : i32 to vector<16xi32>
      %lt3A_341 = arith.cmpi slt, %get3A_336, %lt3A_340 : vector<16xi32>
      %and3A = arith.andi %ge3A_337, %lt3A_341 : vector<16xi1>
      %sub3A = vector.broadcast %mul3A_0 : i32 to vector<16xi32>
      %sub3A_342 = arith.subi %get3A_336, %sub3A : vector<16xi32>
      %jit3A = arith.constant 5000 : i32
      %broadcast_in_dim3A_343 = vector.broadcast %jit3A : i32 to vector<16xi32>
      %select_n3A = arith.select %and3A, %sub3A_342, %broadcast_in_dim3A_343 : vector<16xi1>, vector<16xi32>
      %swap3A_344 = arith.constant 0 : index
      %swap3A_345 = tpu.vector_load %arg11[%swap3A_344] {strides = array<i32>} : memref<128xi32, #tpu.memory_space<vmem>>, vector<16xi32>,
      %swap3A_346 = vector.shape_cast %swap3A_345 : vector<16xi32> to vector<16xi32>
      %swap3A_347 = vector.shape_cast %select_n3A : vector<16xi32> to vector<16xi32>
      tpu.vector_store %arg11[%swap3A_344], %swap3A_347 {strides = array<i32>} : memref<128xi32, #tpu.memory_space<vmem>>, vector<16xi32>,
      %get3A_348 = arith.constant 16 : index
      %get3A_349 = tpu.vector_load %arg9[%get3A_348] {strides = array<i32>} : memref<128xi32, #tpu.memory_space<vmem>>, vector<16xi32>,
      %get3A_350 = vector.shape_cast %get3A_349 : vector<16xi32> to vector<16xi32>
      %ge3A_351 = vector.broadcast %mul3A_0 : i32 to vector<16xi32>
      %ge3A_352 = arith.cmpi sge, %get3A_350, %ge3A_351 : vector<16xi32>
      %add3A_353 = arith.constant 5000 : i32
      %add3A_354 = arith.addi %mul3A_0, %add3A_353 : i32
      %lt3A_355 = vector.broadcast %add3A_354 : i32 to vector<16xi32>
      %lt3A_356 = arith.cmpi slt, %get3A_350, %lt3A_355 : vector<16xi32>
      %and3A_357 = arith.andi %ge3A_352, %lt3A_356 : vector<16xi1>
      %sub3A_358 = vector.broadcast %mul3A_0 : i32 to vector<16xi32>
      %sub3A_359 = arith.subi %get3A_350, %sub3A_358 : vector<16xi32>
      %jit3A_360 = arith.constant 5000 : i32
      %broadcast_in_dim3A_361 = vector.broadcast %jit3A_360 : i32 to vector<16xi32>
      %select_n3A_362 = arith.select %and3A_357, %sub3A_359, %broadcast_in_dim3A_361 : vector<16xi1>, vector<16xi32>
      %swap3A_363 = arith.constant 16 : index
      %swap3A_364 = tpu.vector_load %arg11[%swap3A_363] {strides = array<i32>} : memref<128xi32, #tpu.memory_space<vmem>>, vector<16xi32>,
      %swap3A_365 = vector.shape_cast %swap3A_364 : vector<16xi32> to vector<16xi32>
      %swap3A_366 = vector.shape_cast %select_n3A_362 : vector<16xi32> to vector<16xi32>
      tpu.vector_store %arg11[%swap3A_363], %swap3A_366 {strides = array<i32>} : memref<128xi32, #tpu.memory_space<vmem>>, vector<16xi32>,
      %get3A_367 = arith.constant 32 : index
      %get3A_368 = tpu.vector_load %arg9[%get3A_367] {strides = array<i32>} : memref<128xi32, #tpu.memory_space<vmem>>, vector<16xi32>,
      %get3A_369 = vector.shape_cast %get3A_368 : vector<16xi32> to vector<16xi32>
      %ge3A_370 = vector.broadcast %mul3A_0 : i32 to vector<16xi32>
      %ge3A_371 = arith.cmpi sge, %get3A_369, %ge3A_370 : vector<16xi32>
      %add3A_372 = arith.constant 5000 : i32
      %add3A_373 = arith.addi %mul3A_0, %add3A_372 : i32
      %lt3A_374 = vector.broadcast %add3A_373 : i32 to vector<16xi32>
      %lt3A_375 = arith.cmpi slt, %get3A_369, %lt3A_374 : vector<16xi32>
      %and3A_376 = arith.andi %ge3A_371, %lt3A_375 : vector<16xi1>
      %sub3A_377 = vector.broadcast %mul3A_0 : i32 to vector<16xi32>
      %sub3A_378 = arith.subi %get3A_369, %sub3A_377 : vector<16xi32>
      %jit3A_379 = arith.constant 5000 : i32
      %broadcast_in_dim3A_380 = vector.broadcast %jit3A_379 : i32 to vector<16xi32>
      %select_n3A_381 = arith.select %and3A_376, %sub3A_378, %broadcast_in_dim3A_380 : vector<16xi1>, vector<16xi32>
      %swap3A_382 = arith.constant 32 : index
      %swap3A_383 = tpu.vector_load %arg11[%swap3A_382] {strides = array<i32>} : memref<128xi32, #tpu.memory_space<vmem>>, vector<16xi32>,
      %swap3A_384 = vector.shape_cast %swap3A_383 : vector<16xi32> to vector<16xi32>
      %swap3A_385 = vector.shape_cast %select_n3A_381 : vector<16xi32> to vector<16xi32>
      tpu.vector_store %arg11[%swap3A_382], %swap3A_385 {strides = array<i32>} : memref<128xi32, #tpu.memory_space<vmem>>, vector<16xi32>,
      %get3A_386 = arith.constant 48 : index
      %get3A_387 = tpu.vector_load %arg9[%get3A_386] {strides = array<i32>} : memref<128xi32, #tpu.memory_space<vmem>>, vector<16xi32>,
      %get3A_388 = vector.shape_cast %get3A_387 : vector<16xi32> to vector<16xi32>
      %ge3A_389 = vector.broadcast %mul3A_0 : i32 to vector<16xi32>
      %ge3A_390 = arith.cmpi sge, %get3A_388, %ge3A_389 : vector<16xi32>
      %add3A_391 = arith.constant 5000 : i32
      %add3A_392 = arith.addi %mul3A_0, %add3A_391 : i32
      %lt3A_393 = vector.broadcast %add3A_392 : i32 to vector<16xi32>
      %lt3A_394 = arith.cmpi slt, %get3A_388, %lt3A_393 : vector<16xi32>
      %and3A_395 = arith.andi %ge3A_390, %lt3A_394 : vector<16xi1>
      %sub3A_396 = vector.broadcast %mul3A_0 : i32 to vector<16xi32>
      %sub3A_397 = arith.subi %get3A_388, %sub3A_396 : vector<16xi32>
      %jit3A_398 = arith.constant 5000 : i32
      %broadcast_in_dim3A_399 = vector.broadcast %jit3A_398 : i32 to vector<16xi32>
      %select_n3A_400 = arith.select %and3A_395, %sub3A_397, %broadcast_in_dim3A_399 : vector<16xi1>, vector<16xi32>
      %swap3A_401 = arith.constant 48 : index
      %swap3A_402 = tpu.vector_load %arg11[%swap3A_401] {strides = array<i32>} : memref<128xi32, #tpu.memory_space<vmem>>, vector<16xi32>,
      %swap3A_403 = vector.shape_cast %swap3A_402 : vector<16xi32> to vector<16xi32>
      %swap3A_404 = vector.shape_cast %select_n3A_400 : vector<16xi32> to vector<16xi32>
      tpu.vector_store %arg11[%swap3A_401], %swap3A_404 {strides = array<i32>} : memref<128xi32, #tpu.memory_space<vmem>>, vector<16xi32>,
      %get3A_405 = arith.constant 64 : index
      %get3A_406 = tpu.vector_load %arg9[%get3A_405] {strides = array<i32>} : memref<128xi32, #tpu.memory_space<vmem>>, vector<16xi32>,
      %get3A_407 = vector.shape_cast %get3A_406 : vector<16xi32> to vector<16xi32>
      %ge3A_408 = vector.broadcast %mul3A_0 : i32 to vector<16xi32>
      %ge3A_409 = arith.cmpi sge, %get3A_407, %ge3A_408 : vector<16xi32>
      %add3A_410 = arith.constant 5000 : i32
      %add3A_411 = arith.addi %mul3A_0, %add3A_410 : i32
      %lt3A_412 = vector.broadcast %add3A_411 : i32 to vector<16xi32>
      %lt3A_413 = arith.cmpi slt, %get3A_407, %lt3A_412 : vector<16xi32>
      %and3A_414 = arith.andi %ge3A_409, %lt3A_413 : vector<16xi1>
      %sub3A_415 = vector.broadcast %mul3A_0 : i32 to vector<16xi32>
      %sub3A_416 = arith.subi %get3A_407, %sub3A_415 : vector<16xi32>
      %jit3A_417 = arith.constant 5000 : i32
      %broadcast_in_dim3A_418 = vector.broadcast %jit3A_417 : i32 to vector<16xi32>
      %select_n3A_419 = arith.select %and3A_414, %sub3A_416, %broadcast_in_dim3A_418 : vector<16xi1>, vector<16xi32>
      %swap3A_420 = arith.constant 64 : index
      %swap3A_421 = tpu.vector_load %arg11[%swap3A_420] {strides = array<i32>} : memref<128xi32, #tpu.memory_space<vmem>>, vector<16xi32>,
      %swap3A_422 = vector.shape_cast %swap3A_421 : vector<16xi32> to vector<16xi32>
      %swap3A_423 = vector.shape_cast %select_n3A_419 : vector<16xi32> to vector<16xi32>
      tpu.vector_store %arg11[%swap3A_420], %swap3A_423 {strides = array<i32>} : memref<128xi32, #tpu.memory_space<vmem>>, vector<16xi32>,
      %get3A_424 = arith.constant 80 : index
      %get3A_425 = tpu.vector_load %arg9[%get3A_424] {strides = array<i32>} : memref<128xi32, #tpu.memory_space<vmem>>, vector<16xi32>,
      %get3A_426 = vector.shape_cast %get3A_425 : vector<16xi32> to vector<16xi32>
      %ge3A_427 = vector.broadcast %mul3A_0 : i32 to vector<16xi32>
      %ge3A_428 = arith.cmpi sge, %get3A_426, %ge3A_427 : vector<16xi32>
      %add3A_429 = arith.constant 5000 : i32
      %add3A_430 = arith.addi %mul3A_0, %add3A_429 : i32
      %lt3A_431 = vector.broadcast %add3A_430 : i32 to vector<16xi32>
      %lt3A_432 = arith.cmpi slt, %get3A_426, %lt3A_431 : vector<16xi32>
      %and3A_433 = arith.andi %ge3A_428, %lt3A_432 : vector<16xi1>
      %sub3A_434 = vector.broadcast %mul3A_0 : i32 to vector<16xi32>
      %sub3A_435 = arith.subi %get3A_426, %sub3A_434 : vector<16xi32>
      %jit3A_436 = arith.constant 5000 : i32
      %broadcast_in_dim3A_437 = vector.broadcast %jit3A_436 : i32 to vector<16xi32>
      %select_n3A_438 = arith.select %and3A_433, %sub3A_435, %broadcast_in_dim3A_437 : vector<16xi1>, vector<16xi32>
      %swap3A_439 = arith.constant 80 : index
      %swap3A_440 = tpu.vector_load %arg11[%swap3A_439] {strides = array<i32>} : memref<128xi32, #tpu.memory_space<vmem>>, vector<16xi32>,
      %swap3A_441 = vector.shape_cast %swap3A_440 : vector<16xi32> to vector<16xi32>
      %swap3A_442 = vector.shape_cast %select_n3A_438 : vector<16xi32> to vector<16xi32>
      tpu.vector_store %arg11[%swap3A_439], %swap3A_442 {strides = array<i32>} : memref<128xi32, #tpu.memory_space<vmem>>, vector<16xi32>,
      %get3A_443 = arith.constant 96 : index
      %get3A_444 = tpu.vector_load %arg9[%get3A_443] {strides = array<i32>} : memref<128xi32, #tpu.memory_space<vmem>>, vector<16xi32>,
      %get3A_445 = vector.shape_cast %get3A_444 : vector<16xi32> to vector<16xi32>
      %ge3A_446 = vector.broadcast %mul3A_0 : i32 to vector<16xi32>
      %ge3A_447 = arith.cmpi sge, %get3A_445, %ge3A_446 : vector<16xi32>
      %add3A_448 = arith.constant 5000 : i32
      %add3A_449 = arith.addi %mul3A_0, %add3A_448 : i32
      %lt3A_450 = vector.broadcast %add3A_449 : i32 to vector<16xi32>
      %lt3A_451 = arith.cmpi slt, %get3A_445, %lt3A_450 : vector<16xi32>
      %and3A_452 = arith.andi %ge3A_447, %lt3A_451 : vector<16xi1>
      %sub3A_453 = vector.broadcast %mul3A_0 : i32 to vector<16xi32>
      %sub3A_454 = arith.subi %get3A_445, %sub3A_453 : vector<16xi32>
      %jit3A_455 = arith.constant 5000 : i32
      %broadcast_in_dim3A_456 = vector.broadcast %jit3A_455 : i32 to vector<16xi32>
      %select_n3A_457 = arith.select %and3A_452, %sub3A_454, %broadcast_in_dim3A_456 : vector<16xi1>, vector<16xi32>
      %swap3A_458 = arith.constant 96 : index
      %swap3A_459 = tpu.vector_load %arg11[%swap3A_458] {strides = array<i32>} : memref<128xi32, #tpu.memory_space<vmem>>, vector<16xi32>,
      %swap3A_460 = vector.shape_cast %swap3A_459 : vector<16xi32> to vector<16xi32>
      %swap3A_461 = vector.shape_cast %select_n3A_457 : vector<16xi32> to vector<16xi32>
      tpu.vector_store %arg11[%swap3A_458], %swap3A_461 {strides = array<i32>} : memref<128xi32, #tpu.memory_space<vmem>>, vector<16xi32>,
      %get3A_462 = arith.constant 112 : index
      %get3A_463 = tpu.vector_load %arg9[%get3A_462] {strides = array<i32>} : memref<128xi32, #tpu.memory_space<vmem>>, vector<16xi32>,
      %get3A_464 = vector.shape_cast %get3A_463 : vector<16xi32> to vector<16xi32>
      %ge3A_465 = vector.broadcast %mul3A_0 : i32 to vector<16xi32>
      %ge3A_466 = arith.cmpi sge, %get3A_464, %ge3A_465 : vector<16xi32>
      %add3A_467 = arith.constant 5000 : i32
      %add3A_468 = arith.addi %mul3A_0, %add3A_467 : i32
      %lt3A_469 = vector.broadcast %add3A_468 : i32 to vector<16xi32>
      %lt3A_470 = arith.cmpi slt, %get3A_464, %lt3A_469 : vector<16xi32>
      %and3A_471 = arith.andi %ge3A_466, %lt3A_470 : vector<16xi1>
      %sub3A_472 = vector.broadcast %mul3A_0 : i32 to vector<16xi32>
      %sub3A_473 = arith.subi %get3A_464, %sub3A_472 : vector<16xi32>
      %jit3A_474 = arith.constant 5000 : i32
      %broadcast_in_dim3A_475 = vector.broadcast %jit3A_474 : i32 to vector<16xi32>
      %select_n3A_476 = arith.select %and3A_471, %sub3A_473, %broadcast_in_dim3A_475 : vector<16xi1>, vector<16xi32>
      %swap3A_477 = arith.constant 112 : index
      %swap3A_478 = tpu.vector_load %arg11[%swap3A_477] {strides = array<i32>} : memref<128xi32, #tpu.memory_space<vmem>>, vector<16xi32>,
      %swap3A_479 = vector.shape_cast %swap3A_478 : vector<16xi32> to vector<16xi32>
      %swap3A_480 = vector.shape_cast %select_n3A_476 : vector<16xi32> to vector<16xi32>
      tpu.vector_store %arg11[%swap3A_477], %swap3A_480 {strides = array<i32>} : memref<128xi32, #tpu.memory_space<vmem>>, vector<16xi32>,
      "tpu.region"() ({
        %run_scoped3A_481 = tpu.sem_alloc : memref<!tpu.dma_semaphore, #tpu.memory_space<semaphore_mem>>
        %dma_start3A_482 = arith.constant 0 : i32
        %dma_start3A_483 = arith.constant 0 : i32
        %dma_start3A_484 = tpu.memref_slice %arg19[%dma_start3A_482, %dma_start3A_483] : memref<5040x128xf32, #tpu.memory_space<vmem_shared>> -> memref<5040x128xf32, #tpu.memory_space<vmem_shared>>
        tpu.enqueue_indirect_dma source(%arg13 : memref<128x128xf32, #tpu.memory_space<vmem>>) target(%dma_start3A_484 : memref<5040x128xf32, #tpu.memory_space<vmem_shared>>) offsets(%arg11 : memref<128xi32, #tpu.memory_space<vmem>>) semaphore(%run_scoped3A_481 : memref<!tpu.dma_semaphore, #tpu.memory_space<semaphore_mem>>) {add = true}
        %dma_wait3A_485 = arith.constant 0 : i32
        %dma_wait3A_486 = arith.constant 0 : i32
        %dma_wait3A_487 = tpu.memref_slice %arg19[%dma_wait3A_485, %dma_wait3A_486] : memref<5040x128xf32, #tpu.memory_space<vmem_shared>> -> memref<5040x128xf32, #tpu.memory_space<vmem_shared>>
        tpu.wait_indirect_dma semaphore(%run_scoped3A_481 : memref<!tpu.dma_semaphore, #tpu.memory_space<semaphore_mem>>) src(%arg13 : memref<128x128xf32, #tpu.memory_space<vmem>>) dst(%dma_wait3A_487 : memref<5040x128xf32, #tpu.memory_space<vmem_shared>>)
        tpu.yield
      }) : () -> ()
    } else {
    }
    %barrier3A_307 = arith.constant 0 : index
    tpu.barrier barrier_id(%barrier3A_307)
    %scan3A_308 = arith.constant 0 : i32
    %scan3A_309 = arith.constant 0 : i32
    %scan3A_310 = arith.constant 8 : i32
    %scan3A_311 = arith.addi %scan3A_309, %scan3A_310 : i32
    %scan3A_312 = arith.constant 1 : i32
    %scan3A_313 = scf.for %scan3A_315 = %scan3A_309 to %scan3A_311 step %scan3A_312 iter_args(%scan3A_316 = %scan3A_308) -> (i32)  : i32 {
      %mul3A_317 = arith.constant 16 : i32
      %mul3A_318 = arith.muli %scan3A_315, %mul3A_317 : i32
      %add3A_319 = arith.addi %arg1, %mul3A_318 : i32
      %lt3A_320 = arith.constant 125 : i32
      %lt3A_321 = arith.cmpi slt, %add3A_319, %lt3A_320 : i32
      %convert_element_type3A_322 = arith.extui %lt3A_321 : i1 to i32
      %cond3A_323 = arith.constant 0 : i32
      %cond3A_324 = arith.cmpi ne, %convert_element_type3A_322, %cond3A_323 : i32
      scf.if %cond3A_324 {
        %mul3A_326 = arith.constant 40 : i32
        %mul3A_327 = arith.muli %add3A_319, %mul3A_326 : i32
        "tpu.region"() ({
          %run_scoped3A_329 = tpu.sem_alloc : memref<!tpu.dma_semaphore, #tpu.memory_space<semaphore_mem>>
          %dma_start3A_330 = arith.constant 0 : i32
          %dma_start3A_331 = tpu.memref_slice %arg19[%mul3A_327, %dma_start3A_330] : memref<5040x128xf32, #tpu.memory_space<vmem_shared>> -> memref<40x128xf32, #tpu.memory_space<vmem_shared>>
          %dma_start3A_332 = arith.constant 0 : i32
          %dma_start3A_333 = tpu.memref_slice %arg19[%mul3A_327, %dma_start3A_332] : memref<5040x128xf32, #tpu.memory_space<vmem_shared>> -> memref<40x128xf32, #tpu.memory_space<vmem_shared>>
          tpu.enqueue_dma source(%dma_start3A_333 : memref<40x128xf32, #tpu.memory_space<vmem_shared>>) target(%arg18 : memref<40x128xf32, #tpu.memory_space<vmem>>) target_semaphore(%run_scoped3A_329 : memref<!tpu.dma_semaphore, #tpu.memory_space<semaphore_mem>>)
          %dma_wait3A_334 = arith.constant 0 : i32
          %dma_wait3A_335 = tpu.memref_slice %arg19[%mul3A_327, %dma_wait3A_334] : memref<5040x128xf32, #tpu.memory_space<vmem_shared>> -> memref<40x128xf32, #tpu.memory_space<vmem_shared>>
          %dma_wait3A_336 = arith.constant 0 : i32
          %dma_wait3A_337 = tpu.memref_slice %arg19[%mul3A_327, %dma_wait3A_336] : memref<5040x128xf32, #tpu.memory_space<vmem_shared>> -> memref<40x128xf32, #tpu.memory_space<vmem_shared>>
          tpu.wait_dma2 semaphore(%run_scoped3A_329 : memref<!tpu.dma_semaphore, #tpu.memory_space<semaphore_mem>>) src(%dma_wait3A_337 : memref<40x128xf32, #tpu.memory_space<vmem_shared>>) dst(%arg18 : memref<40x128xf32, #tpu.memory_space<vmem>>)
          tpu.yield
        }) : () -> ()
        %add3A_328 = arith.addi %mul3A_0, %mul3A_327 : i32
        "tpu.region"() ({
          %run_scoped3A_329 = tpu.sem_alloc : memref<!tpu.dma_semaphore, #tpu.memory_space<semaphore_mem>>
          %dma_start3A_330 = arith.constant 0 : i32
          %dma_start3A_331 = tpu.memref_slice %arg6[%add3A_328, %dma_start3A_330] : memref<10000x128xf32, #tpu.memory_space<hbm>> -> memref<40x128xf32, #tpu.memory_space<hbm>>
          %dma_start3A_332 = arith.constant 0 : i32
          %dma_start3A_333 = tpu.memref_slice %arg6[%add3A_328, %dma_start3A_332] : memref<10000x128xf32, #tpu.memory_space<hbm>> -> memref<40x128xf32, #tpu.memory_space<hbm>>
          tpu.enqueue_dma source(%arg18 : memref<40x128xf32, #tpu.memory_space<vmem>>) target(%dma_start3A_333 : memref<40x128xf32, #tpu.memory_space<hbm>>) target_semaphore(%run_scoped3A_329 : memref<!tpu.dma_semaphore, #tpu.memory_space<semaphore_mem>>)
          %dma_wait3A_334 = arith.constant 0 : i32
          %dma_wait3A_335 = tpu.memref_slice %arg6[%add3A_328, %dma_wait3A_334] : memref<10000x128xf32, #tpu.memory_space<hbm>> -> memref<40x128xf32, #tpu.memory_space<hbm>>
          %dma_wait3A_336 = arith.constant 0 : i32
          %dma_wait3A_337 = tpu.memref_slice %arg6[%add3A_328, %dma_wait3A_336] : memref<10000x128xf32, #tpu.memory_space<hbm>> -> memref<40x128xf32, #tpu.memory_space<hbm>>
          tpu.wait_dma2 semaphore(%run_scoped3A_329 : memref<!tpu.dma_semaphore, #tpu.memory_space<semaphore_mem>>) src(%arg18 : memref<40x128xf32, #tpu.memory_space<vmem>>) dst(%dma_wait3A_337 : memref<40x128xf32, #tpu.memory_space<hbm>>)
          tpu.yield
        }) : () -> ()
      } else {
      }
      %scan3A_325 = arith.constant 0 : i32
      scf.yield %scan3A_325 : i32
    }
    %scan3A_314 = arith.constant 8 : i32
    return
  }
}

</mosaic_0001>

<sc_bundles>
// kernel: _sc_edge_agg.3.cloned.1.call-start
scs
__scs_entry_jumppad:
0x0: {  	(pc) =	sbr.rel $0x88, $3  }
0x1: {  	(tag) =	ssettag $0x0;
	lr =	simm.s32 $0x1  }
0x2: {  	[smem:$0x3F9E] =	sst lr;
	_ =	strace $0xD0000000  }
0x3: {  	_ = 	snop  }
0x4: {  	_ = 	snop  }
0x5: {  	_ = 	snop  }
0x6: {  	_ = 	snop  }
0x7: {  	_ = 	snop  }
__scs_overlays_trampoline_lowered:
0x8: {  	[smem:$0x3FAD] =	sst s0  }
0x9: {  	[smem:$0x3FAE] =	sst s1  }
0xa: {  	[smem:$0x3FAF] =	sst s2  }
0xb: {  	[smem:$0x3FB0] =	sst s3  }
0xc: {  	[smem:$0x3FB1] =	sst s4  }
0xd: {  	[smem:$0x3FB2] =	sst s5  }
0xe: {  	[smem:$0x3FB3] =	sst s6  }
0xf: {  	[smem:$0x3FB4] =	sst s7  }
0x10: {  	[smem:$0x3FB5] =	sst s8  }
0x11: {  	[smem:$0x3FB6] =	sst s9;
	s0 =	simm.s32 @!p0 $0x0  }
0x12: {  	s1 =	sld [smem:$0x3F9C];
	s0 =	simm.s32 @p0 $0x1  }
0x13: {  	[smem:$0x3FB7] =	sst s0;
	s0 =	simm.s32 @!p1 $0x0  }
0x14: {  	s2 =	sld [smem:$0x3F9B];
	s0 =	simm.s32 @p1 $0x1  }
0x15: {  	[smem:$0x3FB8] =	sst s0;
	s0 =	simm.s32 @!p2 $0x0  }
0x16: {  	s3 =	sld [smem:$0x3FDB];
	s0 =	simm.s32 @p2 $0x1  }
0x17: {  	s4 =	simm.s32 $0x1BF5;
	[smem:$0x3FBA] =	sst s0  }
0x18: {  	s0 =	sld [smem:$0x3F9D];
	_ =	swait.ge [sflag:s4], $0x0  }
0x19: {  	s7 =	sld [smem:$0x3F9E]  }
0x1a: {  	s8 =	sadd.s32 $0xFFFFE003, lr  }
0x1b: {  	s9 =	sadd.s32 $0xFFFFFEF7, lr;
	s5 =	simm.s32 $0xFFFFFFFF;
	p2 =	slt.u32 s8, $0xFFFFF086  }
0x1c: {  	p1 =	slt.u32 s9, $0xF7A;
	s5 =	simm.s32 @!p2 $0x0  }
0x1d: {  	s5 =	simm.s32 @p1 $0x1;
	p0 =	seq.s32 s7, s2  }
0x1e: {  	s7 =	smul.u32 @!p0 $0xF7A, s2;
	p2 =	seq.s32 @!p0 s5, $0x0  }
0x1f: {  	s9 =	smul.u32 $0xF7A, s1;
	s8 =	simm.s32 @!p0 $0x1BF5;
	p2 =	por !p2, p0  }
0x20: {  	[sflag:s8] =	ssyncset.s32 @!p0 $0xFFFFF086;
	s6 =	sadd.s32 @!p0 s3, s7;
	s7 =	simm.s32 @!p0 $0x108  }
0x21: {  	s3 =	sadd.s32 s3, s9;
	s6 =	sadd.s32 @!p0 $0x88, s6;
	s7 =	simm.s32 @p2 $0x1082  }
0x22: {  	[simem:s7], [sflag:s8] =	dma.local @!p0 [hbm:s6], $0xF7A  }
0x23: {  	s9 =	sor.u32 $0xD0000000, s2;
	s6 =	simm.s32 $0x108;
	_ =	swait.ge @!p0 [sflag:s8], $0x0  }
0x24: {  	s3 =	sadd.s32 $0x88, s3;
	s6 =	simm.s32 @!p1 $0x1082;
	[sflag:s4] =	ssyncset.s32 $0xFFFFF086  }
0x25: {  	[simem:s6], [sflag:s4] =	dma.local [hbm:s3], $0xF7A  }
0x26: {  	[smem:$0x3F9E] =	sst s1;
	(tag) =	ssettag s2;
	_ =	strace s9  }
0x27: {  	s1 =	sld [smem:$0x3FAE]  }
0x28: {  	s2 =	sld [smem:$0x3FAF]  }
0x29: {  	s4 =	sld [smem:$0x3FB1]  }
0x2a: {  	p0 =	seq.s32 s5, $0x0;
	s5 =	sld [smem:$0x3FB2]  }
0x2b: {  	s6 =	sld [smem:$0x3FB3]  }
0x2c: {  	s7 =	sld [smem:$0x3FB4]  }
0x2d: {  	s3 =	simm.s32 $0x108;
	s8 =	sld [smem:$0x3FB5]  }
0x2e: {  	s3 =	simm.s32 @!p0 $0x1082;
	s9 =	sld [smem:$0x3FB6]  }
0x2f: {  	lr =	sadd.s32 s0, s3;
	s0 =	sld [smem:$0x3FAD]  }
0x30: {  	s3 =	sld [smem:$0x3FB0]  }
0x31: {  	[smem:$0x3FB9] =	sst s10  }
0x32: {  	s10 =	sld [smem:$0x3FB7];
	_ =	sdelay $0x3  }
0x33: {  	p0 =	seq.s32 s10, $0x1;
	s10 =	sld [smem:$0x3FB9];
	_ =	sdelay $0x3  }
0x34: {  	[smem:$0x3FB9] =	sst s10  }
0x35: {  	s10 =	sld [smem:$0x3FB8];
	_ =	sdelay $0x3  }
0x36: {  	p1 =	seq.s32 s10, $0x1;
	s10 =	sld [smem:$0x3FB9];
	_ =	sdelay $0x3  }
0x37: {  	[smem:$0x3FB9] =	sst s10  }
0x38: {  	s10 =	sld [smem:$0x3FBA]  }
0x39: {  	_ = 	snop;
	(pc) =	sbr.ind lr, $3  }
0x3a: {  	_ = 	snop  }
0x3b: {  	_ = 	snop  }
0x3c: {  	p2 =	seq.s32 s10, $0x1;
	s10 =	sld [smem:$0x3FB9]  }
0x3d: {  	_ =	shalt  }
0x3e: {  	_ =	shalt  }
0x3f: {  	_ =	shalt  }
0x40: {  	_ =	shalt  }
0x41: {  	_ =	shalt  }
0x42: {  	_ =	shalt  }
0x43: {  	_ =	shalt  }
0x44: {  	_ =	shalt  }
0x45: {  	_ =	shalt  }
0x46: {  	_ =	shalt  }
0x47: {  	_ =	shalt  }
0x48: {  	_ =	shalt  }
0x49: {  	_ =	shalt  }
0x4a: {  	_ =	shalt  }
0x4b: {  	_ =	shalt  }
0x4c: {  	_ =	shalt  }
0x4d: {  	_ =	shalt  }
0x4e: {  	_ =	shalt  }
0x4f: {  	_ =	shalt  }
0x50: {  	_ =	shalt  }
0x51: {  	_ =	shalt  }
0x52: {  	_ =	shalt  }
0x53: {  	_ =	shalt  }
0x54: {  	_ =	shalt  }
0x55: {  	_ =	shalt  }
0x56: {  	_ =	shalt  }
0x57: {  	_ =	shalt  }
0x58: {  	_ =	shalt  }
0x59: {  	_ =	shalt  }
0x5a: {  	_ =	shalt  }
0x5b: {  	_ =	shalt  }
0x5c: {  	_ =	shalt  }
0x5d: {  	_ =	shalt  }
0x5e: {  	_ =	shalt  }
0x5f: {  	_ =	shalt  }
0x60: {  	_ =	shalt  }
0x61: {  	_ =	shalt  }
0x62: {  	_ =	shalt  }
0x63: {  	_ =	shalt  }
0x64: {  	_ =	shalt  }
0x65: {  	_ =	shalt  }
0x66: {  	_ =	shalt  }
0x67: {  	_ =	shalt  }
0x68: {  	_ =	shalt  }
0x69: {  	_ =	shalt  }
0x6a: {  	_ =	shalt  }
0x6b: {  	_ =	shalt  }
0x6c: {  	_ =	shalt  }
0x6d: {  	_ =	shalt  }
0x6e: {  	_ =	shalt  }
0x6f: {  	_ =	shalt  }
0x70: {  	_ =	shalt  }
0x71: {  	_ =	shalt  }
0x72: {  	_ =	shalt  }
0x73: {  	_ =	shalt  }
0x74: {  	_ =	shalt  }
0x75: {  	_ =	shalt  }
0x76: {  	_ =	shalt  }
0x77: {  	_ =	shalt  }
0x78: {  	_ =	shalt  }
0x79: {  	_ =	shalt  }
0x7a: {  	_ =	shalt  }
0x7b: {  	_ =	shalt  }
0x7c: {  	_ =	shalt  }
0x7d: {  	_ =	shalt  }
0x7e: {  	_ =	shalt  }
0x7f: {  	_ =	shalt  }
0x80: {  	_ =	shalt  }
0x81: {  	_ =	shalt  }
0x82: {  	_ =	shalt  }
0x83: {  	_ =	shalt  }
0x84: {  	_ =	shalt  }
0x85: {  	_ =	shalt  }
0x86: {  	_ =	shalt  }
0x87: {  	_ =	shalt  }
.Lfunc_end0:
.L_simem_size_0:
called_computation_lowered:
.L_overlay_start_0:
0x88: {  	s2 =	sld [smem:$0x3FD9]  }
0x89: {  	s3 =	sld [smem:$0x3FFE];
	_ =	sdelay $0x1  }
0x8a: {  	s1 =	srdreg.scid  }
0x8b: {  	s0 =	sand.u32 $0x1, s1  }
0x8c: {  	s14 =	sshll.u32 s0, $0xA;
	s2 =	sadd.s32 s3, s2  }
0x8d: {  	s2 =	sadd.s32 s2, s14  }
0x8e: {  	[smem:$0x3FC5] =	sst s2  }
0x8f: {  	_ = 	snop  }
0x90: {  	s2 =	sld [smem:$0x3FD0];
	_ =	sdelay $0x1  }
0x91: {  	s15 =	sld [smem:$0x3FC9]  }
0x92: {  	s5 =	simm.s32 $0xA;
	s6 =	simm.s32 $0x10;
	s4 =	sld [smem:$0x3FC8]  }
0x93: {  	[smem:s6], [sflag:s5] =	dma.local [hbm:s2], $0x1  }
0x94: {  	_ =	swait.eq [sflag:s5], $0x1  }
0x95: {  	[sflag:s5] =	ssyncset.done $0x0  }
0x96: {  	s16 =	sld [smem:$0x10];
	[sflag:s5] =	ssyncadd.s32 $0xFFFFFFFF  }
0x97: {  	s17 =	sld [smem:$0x11];
	(tm) =	ssettm $0x1  }
0x98: {  	s18 =	sld [smem:$0x3FFB];
	_ =	sdelay $0x3  }
0x99: {  	_ =	strace s18  }
0x9a: {  	s6 =	sld [smem:$0x3FFC];
	_ =	sdelay $0x3  }
0x9b: {  	_ =	strace s6  }
0x9c: {  	s6 =	sld [smem:$0x3FFD];
	_ =	sdelay $0x3  }
0x9d: {  	_ =	strace s6  }
0x9e: {  	_ =	strace $0x8FFFFFFF  }
0x9f: {  	s19 =	sld [smem:$0x3FDB];
	_ =	sdelay $0x1  }
0xa0: {  	s7 =	simm.s32 $_scs_section_size  }
0xa1: {  	s8 =	simm.s32 $_size__tile_overlayer_lowered;
	s9 =	simm.s32 $_tile_overlayer_lowered  }
0xa2: {  	s22 =	simm.s32 $0x1BFF;
	s21 =	sshll.u32 s9, $0x1;
	s6 =	sadd.s32 s7, s19  }
0xa3: {  	s10 =	simm.s32 $0x0;
	s20 =	sshll.u32 s8, $0x1;
	s8 =	sadd.s32 s21, s6  }
0xa4: {  	[timem:s10], [sflag:s22] =	dma.local [hbm:s8], s20  }
0xa5: {  	_ =	swait.ge [sflag:s22], s20  }
0xa6: {  	s7 =	ssub.s32 $0x0, s20;
	[sflag:s22] =	ssyncset.done $0x0  }
0xa7: {  	[sflag:s22] =	ssyncadd.s32 s7;
	_ =	sdelay $0x1  }
0xa8: {  	s23 =	simm.s32 $0x1B8B  }
0xa9: {  	_ =	swait.ge [sflag:s23], $0x1  }
0xaa: {  	[sflag:s23] =	ssyncset.done $0x0  }
0xab: {  	s25 =	simm.s32 $0x1B8E;
	s24 =	sld [smem:$0x3FFE];
	[sflag:s23] =	ssyncadd.s32 $0xFFFFFFFF  }
0xac: {  	s26 =	simm.s32 $execute0_lowered;
	[smem:$0x3FD2] =	sst s25  }
0xad: {  	s8 =	sshll.u32 s26, $0x1;
	_ =	strace $0x80000046;
	[dreg:$0x1] =	wrdreg $0xFFFFFFFF  }
0xae: {  	s28 =	simm.s32 $_size_execute0_lowered;
	s6 =	sadd.s32 s6, s8;
	[dreg:$0x0] =	wrdreg $0x0  }
0xaf: {  	s8 =	sshll.u32 s28, $0x1;
	[dreg:$0x2] =	wrdreg s6  }
0xb0: {  	[dreg:$0x3] =	wrdreg s8  }
0xb1: {  	[dreg:$0x4] =	wrdreg $0xC0  }
0xb2: {  	_ =	task [dreg:s10], $0x5FFFF  }
0xb3: {  	[dreg:$0x1] =	wrdreg $0xFFFFFFFF  }
0xb4: {  	[dreg:$0x0] =	wrdreg $0x60  }
0xb5: {  	[dreg:$0x2] =	wrdreg s15  }
0xb6: {  	[dreg:$0x3] =	wrdreg s4  }
0xb7: {  	[dreg:$0x4] =	wrdreg s24  }
0xb8: {  	[dreg:$0x5] =	wrdreg s16  }
0xb9: {  	[dreg:$0x6] =	wrdreg s17  }
0xba: {  	[dreg:$0x7] =	wrdreg $0x13F000  }
0xbb: {  	[dreg:$0x8] =	wrdreg $0x9  }
0xbc: {  	_ =	task.clear_ibuf [dreg:s10], $0x9FFFF;
	_ =	strace $0x90000046  }
0xbd: {  	s29 =	simm.s32 $0x9;
	_ =	strace $0x80000048  }
0xbe: {  	_ =	swait.ge [sflag:s29], $0x1  }
0xbf: {  	[sflag:s29] =	ssyncadd.s32 $0xFFFFFFFF  }
0xc0: {  	_ =	strace $0x90000048  }
0xc1: {  	_ =	sfence  }
0xc2: {  	s30 =	sld [smem:$0x0];
	_ =	sdelay $0x2  }
0xc3: {  	s31 =	sshll.u32 s1, $0xD;
	s1 =	sshrl.u32 s1, $0x2  }
0xc4: {  	s3 =	sand.u32 $0x4000, s31;
	s1 =	sadd.s32 s1, s30  }
0xc5: {  	s0 =	sor.u32 s3, s0;
	s1 =	sshll.u32 s1, $0x11  }
0xc6: {  	s0 =	sor.u32 s1, s0  }
0xc7: {  	s0 =	sadd.s32 $0x8F2B, s0  }
0xc8: {  	[sflag:s0] =	ssyncadd.remote.s32 $0x1  }
0xc9: {  	_ =	sfence.sel $0xFFFF  }
0xca: {  	[dreg:$0x0] =	wrdreg $0xFFFFFFFF;
	(pc) =	sbr.abs _section_cstart, $3  }
0xcb: {  	[dreg:$0x1] =	wrdreg $0xFFFFFFFF  }
0xcc: {  	_ =	task.clear_ibuf [dreg:s10], $0x2FFFF;
	_ =	strace $0x9FFFFFFF  }
0xcd: {  	(tm) =	ssettm $0x7FFFFFFF  }
tec
execute0_lowered:
.L_overlay_start_1:
0x0: {  	(tag) =	ssettag $0x1  }
0x1: {  	s0 =	srdreg.scid;
	s22 =	stileid.u32  }
0x2: {  	s9 =	rddreg [dreg:$0x0];
	s1 =	sand.u32 $0x1, s0;
	s3 =	smul.u32 $0x28, s22  }
0x3: {  	s11 =	rddreg [dreg:$0x3];
	s4 =	sor.u32 $0x10, s22;
	s0 =	smul.u32 $0x1388, s1  }
0x4: {  	s10 =	sor.u32 $0x40, s22;
	s2 =	ssub.s32 $0x2, s1;
	s6 =	smul.u32 $0x28, s4  }
0x5: {  	s1 =	simm.s32 $0x0;
	s14 =	smul.u32 $0x28, s10;
	s5 =	sshrl.u32 s2, $0x1  }
0x6: {  	[smem:$0x7FF] =	sst s1;
	s8 =	ssub.s32 s2, s5;
	s2 =	sor.u32 $0x20, s22  }
0x7: {  	s18 =	sadd.s32 s0, s3;
	s6 =	sadd.s32 s0, s6;
	s3 =	sor.u32 $0x30, s22  }
0x8: {  	s14 =	sadd.s32 s0, s14;
	s7 =	smul.u32 $0x28, s2;
	s12 =	sshll.u32 s18, $0x4  }
0x9: {  	s13 =	sshll.u32 s6, $0x4;
	s21 =	smul.u32 $0x28, s3;
	s5 =	sadd.s32 s11, s12  }
0xa: {  	s6 =	sor.u32 $0x50, s22;
	s19 =	sadd.s32 s11, s13;
	[dreg:$0x7] =	wrdreg s5  }
0xb: {  	s17 =	smul.u32 $0x28, s6;
	[dreg:$0x8] =	wrdreg s19;
	s20 =	sadd.s32 s0, s7  }
0xc: {  	s16 =	sadd.s32 s0, s21;
	s7 =	sor.u32 $0x60, s22;
	s5 =	sor.u32 $0x70, s22  }
0xd: {  	s19 =	sshll.u32 s14, $0x4;
	s15 =	sshll.u32 s20, $0x4;
	s18 =	smul.u32 $0x28, s7  }
0xe: {  	s16 =	sshll.u32 s16, $0x4;
	s24 =	smul.u32 $0x28, s5;
	s25 =	sadd.s32 s11, s19  }
0xf: {  	s17 =	sadd.s32 s0, s17;
	s23 =	sadd.s32 s11, s15;
	[dreg:$0xb] =	wrdreg s25  }
0x10: {  	s20 =	sadd.s32 s11, s16;
	s17 =	sshll.u32 s17, $0x4;
	[dreg:$0x9] =	wrdreg s23  }
0x11: {  	s30 =	simm.s32 $0x180;
	[dreg:$0xa] =	wrdreg s20;
	s26 =	sadd.s32 s11, s17  }
0x12: {  	s18 =	sadd.s32 s0, s18;
	s14 =	sadd.s32 s0, s24;
	[dreg:$0xc] =	wrdreg s26  }
0x13: {  	s18 =	sshll.u32 s18, $0x4;
	s21 =	sshll.u32 s14, $0x4;
	s14 =	rddreg [dreg:$0x1]  }
0x14: {  	s31 =	simm.s32 $0x3;
	s26 =	rddreg [dreg:$0x2];
	s20 =	sadd.s32 s11, s18  }
0x15: {  	s28 =	simm.s32 $0x4300;
	s11 =	sadd.s32 s11, s21;
	[dreg:$0xd] =	wrdreg s20  }
0x16: {  	s29 =	simm.s32 $0x280;
	p1 =	seq.s32 s22, $0xF;
	[dreg:$0xe] =	wrdreg s11  }
0x17: {  	p2 =	sgt.u32 s22, $0x3;
	s10 =	smul.u32 $0x5000, s10;
	s11 =	rddreg [dreg:$0x4]  }
0x18: {  	s8 =	smax.u32 s8, $0x1;
	s20 =	rddreg [dreg:$0x5];
	s12 =	sadd.s32 s11, s12  }
0x19: {  	s6 =	smul.u32 $0x5000, s6;
	s23 =	sadd.s32 s11, s13;
	[dreg:$0xf] =	wrdreg s12  }
0x1a: {  	p0 =	sgt.u32 s5, $0x7C;
	s24 =	sadd.s32 s11, s15;
	[dreg:$0x10] =	wrdreg s23  }
0x1b: {  	s5 =	smul.u32 $0x5000, s5;
	s25 =	sadd.s32 s11, s16;
	[dreg:$0x11] =	wrdreg s24  }
0x1c: {  	s7 =	smul.u32 $0x5000, s7;
	s15 =	sadd.s32 s11, s19;
	[dreg:$0x12] =	wrdreg s25  }
0x1d: {  	s5 =	sshrl.u32 s5, $0x2;
	s16 =	sadd.s32 s11, s17;
	[dreg:$0x13] =	wrdreg s15  }
0x1e: {  	s17 =	sadd.s32 s11, s18;
	s11 =	sadd.s32 s11, s21;
	[dreg:$0x14] =	wrdreg s16  }
0x1f: {  	s18 =	sshll.u32 s22, $0x5;
	s19 =	sshll.u32 s4, $0x5;
	[dreg:$0x15] =	wrdreg s17  }
0x20: {  	s21 =	sshll.u32 s22, $0xB;
	s13 =	sor.u32 $0x9C0, s22;
	[dreg:$0x16] =	wrdreg s11  }
0x21: {  	s23 =	sadd.s32 $0x600, s26;
	s24 =	sadd.s32 s9, s18;
	s25 =	sadd.s32 $0x10, s9  }
0x22: {  	s9 =	sadd.s32 s9, s19;
	s12 =	sshll.u32 s4, $0xB;
	s15 =	smul.u32 $0xA000, s22  }
0x23: {  	s16 =	sshll.u32 s13, $0x5;
	_ =	strace $0x80000047;
	[dreg:$0x18] =	wrdreg s9  }
0x24: {  	s17 =	smul.u32 $0xA000, s4;
	s11 =	sadd.s32 s18, s25;
	[dreg:$0x1e] =	wrdreg s8  }
0x25: {  	s4 =	smul.u32 $0x5000, s4;
	s26 =	sadd.s32 s19, s25;
	[dreg:$0x17] =	wrdreg s11  }
0x26: {  	s9 =	sadd.s32 s23, s21;
	s19 =	smul.u32 $0xA000, s2;
	[dreg:$0x19] =	wrdreg s26  }
0x27: {  	[dreg:$0x1a] =	wrdreg s9;
	s9 =	sadd.s32 s23, s12;
	s12 =	sadd.s32 s16, s25  }
0x28: {  	s18 =	sshrl.u32 s15, $0x2;
	s21 =	sshrl.u32 s17, $0x2;
	s26 =	smul.u32 $0xA000, s3  }
0x29: {  	s17 =	smul.u32 $0x5000, s2;
	s4 =	sshrl.u32 s4, $0x2;
	[dreg:$0x1b] =	wrdreg s9  }
0x2a: {  	s11 =	sshrl.u32 s7, $0x2;
	s9 =	sshll.u32 s13, $0xB;
	[dreg:$0x1c] =	wrdreg s12  }
0x2b: {  	s8 =	sadd.s32 s18, s20;
	s12 =	sshrl.u32 s19, $0x2;
	s13 =	smul.u32 $0x5000, s22  }
0x2c: {  	s18 =	smul.u32 $0x5000, s3;
	s4 =	sadd.s32 s4, s20;
	[dreg:$0x1f] =	wrdreg s8  }
0x2d: {  	s22 =	sadd.s32 $0x13800, s24;
	s9 =	sadd.s32 s23, s9;
	[smem:$0x7F8] =	sst s4  }
0x2e: {  	s8 =	sadd.s32 s21, s20;
	s15 =	sshrl.u32 s26, $0x2;
	[smem:$0x7FC] =	sst s22  }
0x2f: {  	s19 =	sshrl.u32 s17, $0x2;
	s26 =	sshrl.u32 s10, $0x2;
	[dreg:$0x1d] =	wrdreg s9  }
0x30: {  	s22 =	simm.s32 $0x300;
	s17 =	simm.s32 $0x2;
	[smem:$0x7F4] =	sst s8  }
0x31: {  	s8 =	sadd.s32 s12, s20;
	s16 =	sshrl.u32 s13, $0x2;
	s4 =	sadd.s32 s19, s20  }
0x32: {  	s21 =	sshrl.u32 s18, $0x2;
	s9 =	sshrl.u32 s6, $0x2;
	s13 =	sadd.s32 s11, s20  }
0x33: {  	s12 =	sadd.s32 $0x1388, s0;
	s18 =	simm.s32 $0x4;
	s19 =	simm.s32 $0x80  }
0x34: {  	v0 =	vmov s0;
	s0 =	simm.s32 $0x12B00;
	[smem:$0x7F5] =	sst s8;
	s8 =	sadd.s32 s15, s20  }
0x35: {  	[smem:$0x7F9] =	sst s4;
	s10 =	sadd.s32 s21, s20;
	s4 =	sadd.s32 s9, s20  }
.Ltmp0:
0x36: {  	s15 =	sadd.s32 s5, s20;
	[smem:$0x7F6] =	sst s8;
	(pc) =	sbr.rel .LBB2_1-.Ltmp0, $4  }
0x37: {  	s21 =	simm.s32 $0x200;
	s8 =	sadd.s32 s16, s20;
	[smem:$0x7FB] =	sst s4  }
0x38: {  	s5 =	simm.s32 $0x0;
	[smem:$0x7F7] =	sst s8;
	s8 =	sadd.s32 s26, s20  }
0x39: {  	s16 =	simm.s32 $0x10300;
	s26 =	sadd.s32 $0x13810, s24;
	[smem:$0x7FA] =	sst s8  }
0x3a: {  	v2 =	vimm.f32 $0.0e+00;
	v3 =	vimm.s32 $0x1388;
	v1 =	vmov s12;
	s4 =	simm.s32 $0x5;
	[smem:$0x7FD] =	sst s26;
	s26 =	simm.s32 $0x1  }
.LBB2_20:
0x3b: {  	[bflag:$0x0] =	sbarrier.arrive $0xFFFF  }
0x3c: {  	s6 =	sld [smem:$0x7F7];
	_ =	sdelay $0x2  }
0x3d: {  	[tilespmem:s0], [sflag:$0x5] =	stream.linear.gather [spmem:s6], $0x1400, $0x38;
	[tilespmem:$0x1DC80] =	vst v63  }
0x3e: {  	_ =	swait.ge [sflag:s4], $0x1400  }
0x3f: {  	[sflag:s4] =	ssyncset.done $0x0  }
0x40: {  	s11 =	rddreg [dreg:$0xf];
	[sflag:s4] =	ssyncadd.s32 $0xFFFFEC00  }
0x41: {  	[hbm4b:s11+s1] =	stream.linear.scatter [tilespmem:s0], [sflag:$0x4], $0x1400, $0x38;
	[tilespmem:$0x1DC80] =	vst v63  }
0x42: {  	_ =	swait.ge [sflag:s18], $0x1400  }
0x43: {  	s12 =	sld [smem:$0x7F8]  }
0x44: {  	[sflag:s18] =	ssyncset.done $0x0  }
0x45: {  	[sflag:s18] =	ssyncadd.s32 $0xFFFFEC00  }
0x46: {  	[tilespmem:s0], [sflag:$0x5] =	stream.linear.gather [spmem:s12], $0x1400, $0x38;
	[tilespmem:$0x1DC80] =	vst v63  }
0x47: {  	_ =	swait.ge [sflag:s4], $0x1400  }
0x48: {  	[sflag:s4] =	ssyncset.done $0x0  }
0x49: {  	s7 =	rddreg [dreg:$0x10];
	[sflag:s4] =	ssyncadd.s32 $0xFFFFEC00  }
0x4a: {  	[hbm4b:s7+s1] =	stream.linear.scatter [tilespmem:s0], [sflag:$0x4], $0x1400, $0x38;
	[tilespmem:$0x1DC80] =	vst v63  }
0x4b: {  	_ =	swait.ge [sflag:s18], $0x1400  }
0x4c: {  	s8 =	sld [smem:$0x7F9]  }
0x4d: {  	[sflag:s18] =	ssyncset.done $0x0  }
0x4e: {  	[sflag:s18] =	ssyncadd.s32 $0xFFFFEC00  }
0x4f: {  	[tilespmem:s0], [sflag:$0x5] =	stream.linear.gather [spmem:s8], $0x1400, $0x38;
	[tilespmem:$0x1DC80] =	vst v63  }
0x50: {  	_ =	swait.ge [sflag:s4], $0x1400  }
0x51: {  	[sflag:s4] =	ssyncset.done $0x0  }
0x52: {  	s9 =	rddreg [dreg:$0x11];
	[sflag:s4] =	ssyncadd.s32 $0xFFFFEC00  }
0x53: {  	[hbm4b:s9+s1] =	stream.linear.scatter [tilespmem:s0], [sflag:$0x4], $0x1400, $0x38;
	[tilespmem:$0x1DC80] =	vst v63  }
0x54: {  	_ =	swait.ge [sflag:s18], $0x1400  }
0x55: {  	[sflag:s18] =	ssyncset.done $0x0  }
0x56: {  	[sflag:s18] =	ssyncadd.s32 $0xFFFFEC00  }
0x57: {  	[tilespmem:s0], [sflag:$0x5] =	stream.linear.gather [spmem:s10], $0x1400, $0x38;
	[tilespmem:$0x1DC80] =	vst v63  }
0x58: {  	_ =	swait.ge [sflag:s4], $0x1400  }
0x59: {  	[sflag:s4] =	ssyncset.done $0x0  }
0x5a: {  	s11 =	rddreg [dreg:$0x12];
	[sflag:s4] =	ssyncadd.s32 $0xFFFFEC00  }
0x5b: {  	[hbm4b:s11+s1] =	stream.linear.scatter [tilespmem:s0], [sflag:$0x4], $0x1400, $0x38;
	[tilespmem:$0x1DC80] =	vst v63  }
0x5c: {  	_ =	swait.ge [sflag:s18], $0x1400  }
0x5d: {  	s12 =	sld [smem:$0x7FA]  }
0x5e: {  	[sflag:s18] =	ssyncset.done $0x0  }
0x5f: {  	[sflag:s18] =	ssyncadd.s32 $0xFFFFEC00  }
0x60: {  	[tilespmem:s0], [sflag:$0x5] =	stream.linear.gather [spmem:s12], $0x1400, $0x38;
	[tilespmem:$0x1DC80] =	vst v63  }
0x61: {  	_ =	swait.ge [sflag:s4], $0x1400  }
0x62: {  	[sflag:s4] =	ssyncset.done $0x0  }
0x63: {  	s7 =	rddreg [dreg:$0x13];
	[sflag:s4] =	ssyncadd.s32 $0xFFFFEC00  }
0x64: {  	[hbm4b:s7+s1] =	stream.linear.scatter [tilespmem:s0], [sflag:$0x4], $0x1400, $0x38;
	[tilespmem:$0x1DC80] =	vst v63  }
0x65: {  	_ =	swait.ge [sflag:s18], $0x1400  }
0x66: {  	s8 =	sld [smem:$0x7FB]  }
0x67: {  	[sflag:s18] =	ssyncset.done $0x0  }
0x68: {  	[sflag:s18] =	ssyncadd.s32 $0xFFFFEC00  }
0x69: {  	[tilespmem:s0], [sflag:$0x5] =	stream.linear.gather [spmem:s8], $0x1400, $0x38;
	[tilespmem:$0x1DC80] =	vst v63  }
0x6a: {  	_ =	swait.ge [sflag:s4], $0x1400  }
0x6b: {  	[sflag:s4] =	ssyncset.done $0x0  }
0x6c: {  	s9 =	rddreg [dreg:$0x14];
	[sflag:s4] =	ssyncadd.s32 $0xFFFFEC00  }
0x6d: {  	[hbm4b:s9+s1] =	stream.linear.scatter [tilespmem:s0], [sflag:$0x4], $0x1400, $0x38;
	[tilespmem:$0x1DC80] =	vst v63  }
0x6e: {  	_ =	swait.ge [sflag:s18], $0x1400  }
0x6f: {  	[sflag:s18] =	ssyncset.done $0x0  }
0x70: {  	[sflag:s18] =	ssyncadd.s32 $0xFFFFEC00  }
0x71: {  	[tilespmem:s0], [sflag:$0x5] =	stream.linear.gather [spmem:s13], $0x1400, $0x38;
	[tilespmem:$0x1DC80] =	vst v63  }
0x72: {  	_ =	swait.ge [sflag:s4], $0x1400  }
0x73: {  	[sflag:s4] =	ssyncset.done $0x0  }
0x74: {  	s11 =	rddreg [dreg:$0x15];
	[sflag:s4] =	ssyncadd.s32 $0xFFFFEC00  }
0x75: {  	[hbm4b:s11+s1] =	stream.linear.scatter [tilespmem:s0], [sflag:$0x4], $0x1400, $0x38;
	[tilespmem:$0x1DC80] =	vst v63  }
0x76: {  	_ =	swait.ge [sflag:s18], $0x1400  }
0x77: {  	[sflag:s18] =	ssyncset.done $0x0  }
0x78: {  	s6 =	simm.s32 @!p0 $0x12B00;
	s7 =	simm.s32 @!p0 $0x5;
	[sflag:s18] =	ssyncadd.s32 $0xFFFFEC00  }
0x79: {  	[tilespmem:s6], [sflag:$0x5] =	stream.linear.gather @!p0 [spmem:s15], $0x1400, $0x38;
	[tilespmem:$0x1DC80] =	vst v63  }
0x7a: {  	_ =	swait.ge @!p0 [sflag:s7], $0x1400  }
0x7b: {  	[sflag:s7] =	ssyncset.done @!p0 $0x0  }
0x7c: {  	s8 =	rddreg [dreg:$0x16];
	[sflag:s7] =	ssyncadd.s32 @!p0 $0xFFFFEC00;
	s7 =	simm.s32 @!p0 $0x0  }
0x7d: {  	[hbm4b:s8+s7] =	stream.linear.scatter @!p0 [tilespmem:s6], [sflag:$0x4], $0x1400, $0x38;
	[tilespmem:$0x1DC80] =	vst v63  }
0x7e: {  	s6 =	simm.s32 @!p0 $0x4  }
0x7f: {  	_ =	swait.ge @!p0 [sflag:s6], $0x1400  }
0x80: {  	s5 =	sadd.s32 $0x1, s5;
	s12 =	rddreg [dreg:$0x1e]  }
0x81: {  	p3 =	sne.s32 s5, s12  }
.Ltmp1:
0x82: {  	_ = 	snop;
	(pc) =	sbr.rel @!p3 .LBB2_21-.Ltmp1, $3  }
0x83: {  	_ =	sdelay $0x1  }
0x84: {  	[sflag:s6] =	ssyncset.done @!p0 $0x0  }
0x85: {  	[sflag:s6] =	ssyncadd.s32 @!p0 $0xFFFFEC00  }
.LBB2_1:
0x86: {  	s6 =	simm.s32 $0x0;
	s7 =	simm.s32 $0x200  }
.LBB2_2:
0x87: {  	p3 =	sne.s32 s7, $0x9E00;
	[tilespmem:s6+$0x10370] =	vst v2  }
0x88: {  	[tilespmem:s6+$0x10300] =	vst v2  }
0x89: {  	[tilespmem:s6+$0x10310] =	vst v2  }
.Ltmp2:
0x8a: {  	[tilespmem:s6+$0x10320] =	vst v2;
	(pc) =	sbr.rel @p3 .LBB2_2-.Ltmp2, $4  }
0x8b: {  	[tilespmem:s6+$0x10330] =	vst v2  }
0x8c: {  	[tilespmem:s6+$0x10340] =	vst v2  }
0x8d: {  	[tilespmem:s6+$0x10350] =	vst v2  }
0x8e: {  	[tilespmem:s6+$0x10360] =	vst v2;
	s6 =	sshra.s32 s7, $0x2;
	s7 =	sadd.s32 $0x200, s7  }
0x8f: {  	[tilespmem:s6+$0x10370] =	vst v2  }
0x90: {  	[tilespmem:s6+$0x10300] =	vst v2  }
0x91: {  	[tilespmem:s6+$0x10310] =	vst v2  }
0x92: {  	[tilespmem:s6+$0x10320] =	vst v2  }
0x93: {  	[tilespmem:s6+$0x10330] =	vst v2  }
0x94: {  	[tilespmem:s6+$0x10340] =	vst v2  }
0x95: {  	[tilespmem:s6+$0x10350] =	vst v2  }
0x96: {  	[tilespmem:s6+$0x10360] =	vst v2;
	s11 =	rddreg [dreg:$0x1f]  }
0x97: {  	[spmem:s11] =	stream.linear.scatter [tilespmem:s16], [sflag:$0x4], $0x2800, $0x38;
	[tilespmem:$0x1DC80] =	vst v63  }
0x98: {  	_ =	swait.ge [sflag:s18], $0x2800  }
0x99: {  	s12 =	sld [smem:$0x7F4]  }
0x9a: {  	[sflag:s18] =	ssyncset.done $0x0  }
0x9b: {  	[sflag:s18] =	ssyncadd.s32 $0xFFFFD800  }
0x9c: {  	[spmem:s12] =	stream.linear.scatter [tilespmem:s16], [sflag:$0x4], $0x2800, $0x38;
	[tilespmem:$0x1DC80] =	vst v63  }
0x9d: {  	_ =	swait.ge [sflag:s18], $0x2800  }
0x9e: {  	s7 =	sld [smem:$0x7F5]  }
0x9f: {  	[sflag:s18] =	ssyncset.done $0x0  }
0xa0: {  	[sflag:s18] =	ssyncadd.s32 $0xFFFFD800  }
0xa1: {  	[spmem:s7] =	stream.linear.scatter [tilespmem:s16], [sflag:$0x4], $0x2800, $0x38;
	[tilespmem:$0x1DC80] =	vst v63  }
0xa2: {  	_ =	swait.ge [sflag:s18], $0x2800  }
0xa3: {  	s7 =	sld [smem:$0x7F6]  }
0xa4: {  	[sflag:s18] =	ssyncset.done $0x0  }
0xa5: {  	s6 =	simm.s32 @!p1 $0x10300;
	[sflag:s18] =	ssyncadd.s32 $0xFFFFD800  }
0xa6: {  	[spmem:s7] =	stream.linear.scatter @!p1 [tilespmem:s6], [sflag:$0x4], $0x2800, $0x38;
	[tilespmem:$0x1DC80] =	vst v63  }
0xa7: {  	s6 =	simm.s32 @!p1 $0x4  }
0xa8: {  	_ =	swait.ge @!p1 [sflag:s6], $0x2800  }
0xa9: {  	[sflag:s6] =	ssyncset.done @!p1 $0x0  }
0xaa: {  	[sflag:s6] =	ssyncadd.s32 @!p1 $0xFFFFD800  }
0xab: {  	[tilespmem:$0x200] =	vst v3  }
0xac: {  	[tilespmem:$0x210] =	vst v3  }
0xad: {  	[tilespmem:$0x220] =	vst v3  }
0xae: {  	[tilespmem:$0x230] =	vst v3  }
0xaf: {  	[tilespmem:$0x240] =	vst v3  }
0xb0: {  	[tilespmem:$0x250] =	vst v3  }
0xb1: {  	[tilespmem:$0x260] =	vst v3  }
0xb2: {  	[tilespmem:$0x270] =	vst v3  }
0xb3: {  	[tilespmem:$0x280] =	vst v3  }
0xb4: {  	[tilespmem:$0x290] =	vst v3  }
0xb5: {  	[tilespmem:$0x2A0] =	vst v3  }
0xb6: {  	[tilespmem:$0x2B0] =	vst v3  }
0xb7: {  	[tilespmem:$0x2C0] =	vst v3  }
0xb8: {  	[tilespmem:$0x2D0] =	vst v3  }
0xb9: {  	[tilespmem:$0x2E0] =	vst v3  }
0xba: {  	[tilespmem:$0x2F0] =	vst v3  }
0xbb: {  	[bflag:$0x0] =	sbarrier.arrive $0xFFFF  }
0xbc: {  	[spmem:s20] =	stream.indirect.scatter.add.f32 [tilespmem:s22], [sflag:$0x2], $0x80, s21, s19, $0xb8;
	[tilespmem:$0x1DC80] =	vst v63  }
0xbd: {  	_ = 	snop  }
0xbe: {  	[tilespmem:s1], [sflag:$0x4] =	stream.linear.gather [hbm4b:s24+s1], $0x80, $0x38;
	[tilespmem:$0x1DC80] =	vst v63  }
0xbf: {  	_ =	swait.ge [sflag:s18], $0x80  }
0xc0: {  	[sflag:s18] =	ssyncset.done $0x0  }
0xc1: {  	s9 =	simm.s32 $0x100;
	s8 =	rddreg [dreg:$0x17];
	[sflag:s18] =	ssyncadd.s32 $0xFFFFFF80  }
0xc2: {  	[tilespmem:s9], [sflag:$0x4] =	stream.linear.gather [hbm4b:s8+s1], $0x80, $0x38;
	[tilespmem:$0x1DC80] =	vst v63  }
0xc3: {  	_ =	swait.ge [sflag:s18], $0x80  }
0xc4: {  	[sflag:s18] =	ssyncset.done $0x0  }
0xc5: {  	s11 =	rddreg [dreg:$0x18];
	[sflag:s18] =	ssyncadd.s32 $0xFFFFFF80  }
0xc6: {  	[tilespmem:s19], [sflag:$0x3] =	stream.linear.gather [hbm4b:s11+s1], $0x80, $0x38;
	[tilespmem:$0x1DC80] =	vst v63  }
0xc7: {  	s12 =	rddreg [dreg:$0x19]  }
0xc8: {  	[tilespmem:s30], [sflag:$0x3] =	stream.linear.gather [hbm4b:s12+s1], $0x80, $0x38;
	[tilespmem:$0x1DC80] =	vst v63  }
0xc9: {  	s6 =	simm.s32 $0xFFFECC00  }
0xca: {  	[tilespmem:s22], [sflag:$0x1] =	stream.indirect.gather [hbm4b:s14+s19], $0x80, s1, s19, $0xb8;
	[tilespmem:$0x1DC80] =	vst v63  }
.LBB2_4:
0xcb: {  	_ =	swait.ge [sflag:s31], $0x80  }
0xcc: {  	[sflag:s31] =	ssyncset.done $0x0  }
0xcd: {  	[sflag:s31] =	ssyncadd.s32 $0xFFFFFF80  }
0xce: {  	_ =	swait.ge [sflag:s31], $0x80  }
0xcf: {  	[sflag:s31] =	ssyncset.done $0x0  }
0xd0: {  	[sflag:s31] =	ssyncadd.s32 $0xFFFFFF80  }
0xd1: {  	_ =	swait.ge [sflag:s17], $0x4000  }
0xd2: {  	[sflag:s17] =	ssyncset.done $0x0  }
0xd3: {  	[sflag:s17] =	ssyncadd.s32 $0xFFFFC000  }
0xd4: {  	[tilespmem:s28], [sflag:$0x1] =	stream.indirect.gather [hbm4b:s14+s19], $0x80, s19, s19, $0xb8;
	[tilespmem:$0x1DC80] =	vst v63  }
0xd5: {  	_ =	swait.ge [sflag:s26], $0x4000  }
0xd6: {  	[sflag:s26] =	ssyncset.done $0x0  }
0xd7: {  	[sflag:s26] =	ssyncadd.s32 $0xFFFFC000  }
0xd8: {  	v4 =	vld [tilespmem:$0x100]  }
0xd9: {  	v5 =	vld [tilespmem:$0x110]  }
0xda: {  	v6 =	vld [tilespmem:$0x120]  }
0xdb: {  	v7 =	vld [tilespmem:$0x130]  }
0xdc: {  	v8 =	vld [tilespmem:$0x140]  }
0xdd: {  	v9 =	vld [tilespmem:$0x150]  }
0xde: {  	v10 =	vld [tilespmem:$0x160];
	vm0 =	vge.s32 v4, v0;
	vm1 =	vlt.s32 v4, v1;
	v4 =	vsub.s32 v4, v0  }
0xdf: {  	vm14 =	vge.s32 v5, v0;
	vm2 =	vlt.s32 v5, v1;
	v5 =	vsub.s32 v5, v0  }
0xe0: {  	vm4 =	vge.s32 v6, v0;
	vm5 =	vlt.s32 v6, v1;
	vm6 =	vge.s32 v7, v0  }
0xe1: {  	vm7 =	vlt.s32 v7, v1;
	v6 =	vsub.s32 v6, v0;
	v7 =	vsub.s32 v7, v0  }
0xe2: {  	vm8 =	vge.s32 v8, v0;
	vm9 =	vlt.s32 v8, v1;
	vm10 =	vge.s32 v9, v0  }
0xe3: {  	v11 =	vld [tilespmem:$0x170];
	vm3 =	vlt.s32 v9, v1;
	vm12 =	vge.s32 v10, v0;
	vm0 =	vmand vm0, vm1  }
0xe4: {  	vm13 =	vlt.s32 v10, v1;
	vm15 =	vmand vm14, vm2;
	v4 =	vnsel vm0, $0x1388, v4  }
0xe5: {  	vm1 =	vmand vm6, vm7;
	vm11 =	vmand vm10, vm3;
	v5 =	vnsel vm15, $0x1388, v5;
	[tilespmem:$0x200] =	vst v4  }
0xe6: {  	vm14 =	vmand vm12, vm13;
	vm0 =	vmand vm4, vm5;
	v7 =	vnsel vm1, $0x1388, v7;
	[tilespmem:$0x210] =	vst v5  }
0xe7: {  	v6 =	vnsel vm0, $0x1388, v6;
	vm0 =	vmand vm8, vm9;
	v4 =	vsub.s32 v8, v0;
	[tilespmem:$0x230] =	vst v7  }
0xe8: {  	vm15 =	vge.s32 v11, v0;
	v5 =	vsub.s32 v9, v0;
	[tilespmem:$0x220] =	vst v6;
	v4 =	vnsel vm0, $0x1388, v4  }
0xe9: {  	vm4 =	vlt.s32 v11, v1;
	v5 =	vnsel vm11, $0x1388, v5;
	[tilespmem:$0x240] =	vst v4;
	v4 =	vsub.s32 v10, v0  }
0xea: {  	vm5 =	vmand vm15, vm4;
	[tilespmem:$0x250] =	vst v5;
	v5 =	vsub.s32 v11, v0;
	v4 =	vnsel vm14, $0x1388, v4  }
0xeb: {  	p3 =	seq.s32 s6, $0x0;
	[tilespmem:$0x260] =	vst v4;
	v4 =	vnsel vm5, $0x1388, v5  }
0xec: {  	s7 =	sadd.s32 @!p3 s6, s24;
	[tilespmem:$0x270] =	vst v4  }
0xed: {  	[spmem:s20] =	stream.indirect.scatter.add.f32 [tilespmem:s22], [sflag:$0x2], $0x80, s21, s19, $0xb8;
	[tilespmem:$0x1DC80] =	vst v63  }
0xee: {  	s9 =	simm.s32 @!p3 $0x0;
	s8 =	sadd.s32 @!p3 $0x13800, s7  }
0xef: {  	[tilespmem:s9], [sflag:$0x3] =	stream.linear.gather @!p3 [hbm4b:s8+s9], $0x80, $0x38;
	[tilespmem:$0x1DC80] =	vst v63  }
0xf0: {  	s7 =	sadd.s32 @!p3 $0x13810, s7;
	s8 =	simm.s32 @!p3 $0x100  }
0xf1: {  	[tilespmem:s8], [sflag:$0x3] =	stream.linear.gather @!p3 [hbm4b:s7+s9], $0x80, $0x38;
	[tilespmem:$0x1DC80] =	vst v63  }
0xf2: {  	s7 =	simm.s32 @!p3 $0x3  }
0xf3: {  	_ =	swait.ge @!p3 [sflag:s7], $0x80  }
0xf4: {  	[sflag:s7] =	ssyncset.done @!p3 $0x0  }
0xf5: {  	[sflag:s7] =	ssyncadd.s32 @!p3 $0xFFFFFF80  }
0xf6: {  	_ =	swait.ge @!p3 [sflag:s7], $0x80  }
0xf7: {  	[sflag:s7] =	ssyncset.done @!p3 $0x0  }
0xf8: {  	[sflag:s7] =	ssyncadd.s32 @!p3 $0xFFFFFF80;
	s7 =	simm.s32 @!p3 $0x2  }
0xf9: {  	_ =	swait.ge @!p3 [sflag:s7], $0x4000  }
0xfa: {  	[sflag:s7] =	ssyncset.done @!p3 $0x0  }
0xfb: {  	s8 =	simm.s32 @!p3 $0x300;
	[sflag:s7] =	ssyncadd.s32 @!p3 $0xFFFFC000;
	s7 =	simm.s32 @!p3 $0x80  }
0xfc: {  	[tilespmem:s8], [sflag:$0x1] =	stream.indirect.gather @!p3 [hbm4b:s14+s7], $0x80, s9, s7, $0xb8;
	[tilespmem:$0x1DC80] =	vst v63  }
0xfd: {  	_ =	swait.ge [sflag:s26], $0x4000  }
0xfe: {  	[sflag:s26] =	ssyncset.done $0x0  }
0xff: {  	[sflag:s26] =	ssyncadd.s32 $0xFFFFC000  }
0x100: {  	v4 =	vld [tilespmem:$0x180]  }
0x101: {  	v5 =	vld [tilespmem:$0x190]  }
0x102: {  	v58 =	vld [tilespmem:$0x1A0]  }
0x103: {  	v59 =	vld [tilespmem:$0x1B0];
	_ =	sdelay $0x1  }
0x104: {  	v60 =	vld [tilespmem:$0x1C0]  }
0x105: {  	v61 =	vld [tilespmem:$0x1D0];
	vm6 =	vge.s32 v4, v0;
	vm7 =	vlt.s32 v4, v1;
	v4 =	vsub.s32 v4, v0  }
0x106: {  	v63 =	vld [tilespmem:$0x1F0];
	vm8 =	vge.s32 v5, v0;
	vm9 =	vlt.s32 v5, v1;
	v5 =	vsub.s32 v5, v0  }
0x107: {  	vm11 =	vge.s32 v58, v0;
	vm12 =	vlt.s32 v58, v1;
	vm13 =	vge.s32 v59, v0  }
0x108: {  	v62 =	vld [tilespmem:$0x1E0];
	vm14 =	vlt.s32 v59, v1;
	v6 =	vsub.s32 v58, v0;
	v7 =	vsub.s32 v59, v0  }
0x109: {  	vm15 =	vge.s32 v60, v0;
	vm0 =	vmand vm6, vm7;
	vm10 =	vmand vm8, vm9  }
0x10a: {  	vm1 =	vmand vm13, vm14;
	vm6 =	vlt.s32 v60, v1;
	vm7 =	vge.s32 v61, v0  }
0x10b: {  	vm8 =	vlt.s32 v61, v1;
	vm13 =	vge.s32 v63, v0;
	v4 =	vnsel vm0, $0x1388, v4  }
0x10c: {  	vm14 =	vlt.s32 v63, v1;
	v5 =	vnsel vm10, $0x1388, v5;
	vm0 =	vmand vm11, vm12;
	[tilespmem:$0x280] =	vst v4  }
0x10d: {  	v7 =	vnsel vm1, $0x1388, v7;
	vm9 =	vmand vm7, vm8;
	vm10 =	vge.s32 v62, v0;
	[tilespmem:$0x290] =	vst v5  }
0x10e: {  	v6 =	vnsel vm0, $0x1388, v6;
	vm0 =	vmand vm15, vm6;
	v4 =	vsub.s32 v60, v0;
	[tilespmem:$0x2B0] =	vst v7  }
0x10f: {  	vm11 =	vlt.s32 v62, v1;
	v5 =	vsub.s32 v61, v0;
	[tilespmem:$0x2A0] =	vst v6;
	v4 =	vnsel vm0, $0x1388, v4  }
.Ltmp3:
0x110: {  	vm12 =	vmand vm10, vm11;
	v5 =	vnsel vm9, $0x1388, v5;
	[tilespmem:$0x2C0] =	vst v4;
	v4 =	vsub.s32 v62, v0;
	(pc) =	sbr.rel @p3 .LBB2_6-.Ltmp3, $4  }
0x111: {  	vm15 =	vmand vm13, vm14;
	[tilespmem:$0x2D0] =	vst v5;
	v5 =	vsub.s32 v63, v0;
	v4 =	vnsel vm12, $0x1388, v4  }
0x112: {  	[tilespmem:$0x2E0] =	vst v4;
	v4 =	vnsel vm15, $0x1388, v5  }
0x113: {  	[tilespmem:$0x2F0] =	vst v4  }
0x114: {  	[spmem:s20] =	stream.indirect.scatter.add.f32 [tilespmem:s28], [sflag:$0x2], $0x80, s29, s19, $0xb8;
	[tilespmem:$0x1DC80] =	vst v63  }
.Ltmp4:
0x115: {  	s7 =	sadd.s32 s6, s24;
	(pc) =	sbr.rel .LBB2_4-.Ltmp4, $4  }
0x116: {  	s8 =	sadd.s32 $0x13A00, s7  }
0x117: {  	[tilespmem:s19], [sflag:$0x3] =	stream.linear.gather [hbm4b:s8+s1], $0x80, $0x38;
	[tilespmem:$0x1DC80] =	vst v63  }
0x118: {  	s6 =	sadd.s32 $0x400, s6;
	s7 =	sadd.s32 $0x13A10, s7  }
0x119: {  	[tilespmem:s30], [sflag:$0x3] =	stream.linear.gather [hbm4b:s7+s1], $0x80, $0x38;
	[tilespmem:$0x1DC80] =	vst v63  }
.LBB2_6:
0x11a: {  	_ =	swait.ge [sflag:s17], $0x4000  }
.Ltmp5:
0x11b: {  	[sflag:s17] =	ssyncset.done $0x0;
	(pc) =	sbr.rel @p2 .LBB2_8-.Ltmp5, $4  }
0x11c: {  	[sflag:s17] =	ssyncadd.s32 $0xFFFFC000  }
0x11d: {  	_ =	swait.ge [sflag:s17], $0x4000  }
0x11e: {  	[sflag:s17] =	ssyncset.done $0x0  }
0x11f: {  	[sflag:s17] =	ssyncadd.s32 $0xFFFFC000  }
0x120: {  	s6 =	sld [smem:$0x7FC];
	_ =	sdelay $0x2  }
0x121: {  	[tilespmem:s1], [sflag:$0x4] =	stream.linear.gather [hbm4b:s6+s1], $0x80, $0x38;
	[tilespmem:$0x1DC80] =	vst v63  }
0x122: {  	_ =	swait.ge [sflag:s18], $0x80  }
0x123: {  	s12 =	sld [smem:$0x7FD]  }
0x124: {  	[sflag:s18] =	ssyncset.done $0x0  }
0x125: {  	s7 =	simm.s32 $0x100;
	[sflag:s18] =	ssyncadd.s32 $0xFFFFFF80  }
0x126: {  	[tilespmem:s7], [sflag:$0x4] =	stream.linear.gather [hbm4b:s12+s1], $0x80, $0x38;
	[tilespmem:$0x1DC80] =	vst v63  }
0x127: {  	_ =	swait.ge [sflag:s18], $0x80  }
0x128: {  	[sflag:s18] =	ssyncset.done $0x0  }
0x129: {  	[sflag:s18] =	ssyncadd.s32 $0xFFFFFF80  }
0x12a: {  	[tilespmem:s22], [sflag:$0x1] =	stream.indirect.gather [hbm4b:s14+s19], $0x80, s1, s19, $0xb8;
	[tilespmem:$0x1DC80] =	vst v63  }
0x12b: {  	_ =	swait.ge [sflag:s26], $0x4000  }
0x12c: {  	[sflag:s26] =	ssyncset.done $0x0  }
0x12d: {  	[sflag:s26] =	ssyncadd.s32 $0xFFFFC000  }
0x12e: {  	v4 =	vld [tilespmem:$0x100]  }
0x12f: {  	v5 =	vld [tilespmem:$0x110]  }
0x130: {  	v6 =	vld [tilespmem:$0x120]  }
0x131: {  	v7 =	vld [tilespmem:$0x130]  }
0x132: {  	v8 =	vld [tilespmem:$0x140]  }
0x133: {  	v9 =	vld [tilespmem:$0x150]  }
0x134: {  	v10 =	vld [tilespmem:$0x160];
	vm0 =	vge.s32 v4, v0;
	vm1 =	vlt.s32 v4, v1;
	v4 =	vsub.s32 v4, v0  }
0x135: {  	vm12 =	vge.s32 v5, v0;
	vm2 =	vlt.s32 v5, v1;
	v5 =	vsub.s32 v5, v0  }
0x136: {  	vm14 =	vge.s32 v6, v0;
	vm15 =	vlt.s32 v6, v1;
	vm4 =	vge.s32 v7, v0  }
0x137: {  	vm5 =	vlt.s32 v7, v1;
	v6 =	vsub.s32 v6, v0;
	v7 =	vsub.s32 v7, v0  }
0x138: {  	vm6 =	vge.s32 v8, v0;
	vm7 =	vlt.s32 v8, v1;
	vm8 =	vge.s32 v9, v0  }
0x139: {  	v11 =	vld [tilespmem:$0x170];
	vm3 =	vlt.s32 v9, v1;
	vm10 =	vge.s32 v10, v0;
	vm0 =	vmand vm0, vm1  }
0x13a: {  	vm11 =	vlt.s32 v10, v1;
	vm13 =	vmand vm12, vm2;
	v4 =	vnsel vm0, $0x1388, v4  }
0x13b: {  	vm1 =	vmand vm4, vm5;
	vm9 =	vmand vm8, vm3;
	v5 =	vnsel vm13, $0x1388, v5;
	[tilespmem:$0x200] =	vst v4  }
0x13c: {  	vm12 =	vmand vm10, vm11;
	vm0 =	vmand vm14, vm15;
	v7 =	vnsel vm1, $0x1388, v7;
	[tilespmem:$0x210] =	vst v5  }
0x13d: {  	v6 =	vnsel vm0, $0x1388, v6;
	vm0 =	vmand vm6, vm7;
	v4 =	vsub.s32 v8, v0;
	[tilespmem:$0x230] =	vst v7  }
0x13e: {  	vm13 =	vge.s32 v11, v0;
	v5 =	vsub.s32 v9, v0;
	[tilespmem:$0x220] =	vst v6;
	v4 =	vnsel vm0, $0x1388, v4  }
0x13f: {  	vm14 =	vlt.s32 v11, v1;
	v5 =	vnsel vm9, $0x1388, v5;
	[tilespmem:$0x240] =	vst v4;
	v4 =	vsub.s32 v10, v0  }
0x140: {  	vm15 =	vmand vm13, vm14;
	[tilespmem:$0x250] =	vst v5;
	v5 =	vsub.s32 v11, v0;
	v4 =	vnsel vm12, $0x1388, v4  }
0x141: {  	[tilespmem:$0x260] =	vst v4;
	v4 =	vnsel vm15, $0x1388, v5  }
0x142: {  	[tilespmem:$0x270] =	vst v4  }
0x143: {  	[spmem:s20] =	stream.indirect.scatter.add.f32 [tilespmem:s22], [sflag:$0x4], $0x80, s21, s19, $0xb8;
	[tilespmem:$0x1DC80] =	vst v63  }
0x144: {  	_ =	swait.ge [sflag:s18], $0x4000  }
0x145: {  	[sflag:s18] =	ssyncset.done $0x0  }
0x146: {  	[sflag:s18] =	ssyncadd.s32 $0xFFFFC000  }
.LBB2_8:
0x147: {  	[bflag:$0x0] =	sbarrier.arrive $0xFFFF  }
0x148: {  	s6 =	sld [smem:$0x7F7];
	_ =	sdelay $0x2  }
0x149: {  	[tilespmem:s0], [sflag:$0x5] =	stream.linear.gather [spmem:s6], $0x1400, $0x38;
	[tilespmem:$0x1DC80] =	vst v63  }
0x14a: {  	_ =	swait.ge [sflag:s4], $0x1400  }
0x14b: {  	[sflag:s4] =	ssyncset.done $0x0  }
0x14c: {  	s8 =	rddreg [dreg:$0x7];
	[sflag:s4] =	ssyncadd.s32 $0xFFFFEC00  }
0x14d: {  	[hbm4b:s8+s1] =	stream.linear.scatter [tilespmem:s0], [sflag:$0x4], $0x1400, $0x38;
	[tilespmem:$0x1DC80] =	vst v63  }
0x14e: {  	_ =	swait.ge [sflag:s18], $0x1400  }
0x14f: {  	s9 =	sld [smem:$0x7F8]  }
0x150: {  	[sflag:s18] =	ssyncset.done $0x0  }
0x151: {  	[sflag:s18] =	ssyncadd.s32 $0xFFFFEC00  }
0x152: {  	[tilespmem:s0], [sflag:$0x5] =	stream.linear.gather [spmem:s9], $0x1400, $0x38;
	[tilespmem:$0x1DC80] =	vst v63  }
0x153: {  	_ =	swait.ge [sflag:s4], $0x1400  }
0x154: {  	[sflag:s4] =	ssyncset.done $0x0  }
0x155: {  	s11 =	rddreg [dreg:$0x8];
	[sflag:s4] =	ssyncadd.s32 $0xFFFFEC00  }
0x156: {  	[hbm4b:s11+s1] =	stream.linear.scatter [tilespmem:s0], [sflag:$0x4], $0x1400, $0x38;
	[tilespmem:$0x1DC80] =	vst v63  }
0x157: {  	_ =	swait.ge [sflag:s18], $0x1400  }
0x158: {  	s12 =	sld [smem:$0x7F9]  }
0x159: {  	[sflag:s18] =	ssyncset.done $0x0  }
0x15a: {  	[sflag:s18] =	ssyncadd.s32 $0xFFFFEC00  }
0x15b: {  	[tilespmem:s0], [sflag:$0x5] =	stream.linear.gather [spmem:s12], $0x1400, $0x38;
	[tilespmem:$0x1DC80] =	vst v63  }
0x15c: {  	_ =	swait.ge [sflag:s4], $0x1400  }
0x15d: {  	[sflag:s4] =	ssyncset.done $0x0  }
0x15e: {  	s7 =	rddreg [dreg:$0x9];
	[sflag:s4] =	ssyncadd.s32 $0xFFFFEC00  }
0x15f: {  	[hbm4b:s7+s1] =	stream.linear.scatter [tilespmem:s0], [sflag:$0x4], $0x1400, $0x38;
	[tilespmem:$0x1DC80] =	vst v63  }
0x160: {  	_ =	swait.ge [sflag:s18], $0x1400  }
0x161: {  	[sflag:s18] =	ssyncset.done $0x0  }
0x162: {  	[sflag:s18] =	ssyncadd.s32 $0xFFFFEC00  }
0x163: {  	[tilespmem:s0], [sflag:$0x5] =	stream.linear.gather [spmem:s10], $0x1400, $0x38;
	[tilespmem:$0x1DC80] =	vst v63  }
0x164: {  	_ =	swait.ge [sflag:s4], $0x1400  }
0x165: {  	[sflag:s4] =	ssyncset.done $0x0  }
0x166: {  	s8 =	rddreg [dreg:$0xa];
	[sflag:s4] =	ssyncadd.s32 $0xFFFFEC00  }
0x167: {  	[hbm4b:s8+s1] =	stream.linear.scatter [tilespmem:s0], [sflag:$0x4], $0x1400, $0x38;
	[tilespmem:$0x1DC80] =	vst v63  }
0x168: {  	_ =	swait.ge [sflag:s18], $0x1400  }
0x169: {  	s9 =	sld [smem:$0x7FA]  }
0x16a: {  	[sflag:s18] =	ssyncset.done $0x0  }
0x16b: {  	[sflag:s18] =	ssyncadd.s32 $0xFFFFEC00  }
0x16c: {  	[tilespmem:s0], [sflag:$0x5] =	stream.linear.gather [spmem:s9], $0x1400, $0x38;
	[tilespmem:$0x1DC80] =	vst v63  }
0x16d: {  	_ =	swait.ge [sflag:s4], $0x1400  }
0x16e: {  	[sflag:s4] =	ssyncset.done $0x0  }
0x16f: {  	s12 =	smov.u32 s10;
	s10 =	rddreg [dreg:$0xb];
	[sflag:s4] =	ssyncadd.s32 $0xFFFFEC00  }
0x170: {  	[hbm4b:s10+s1] =	stream.linear.scatter [tilespmem:s0], [sflag:$0x4], $0x1400, $0x38;
	[tilespmem:$0x1DC80] =	vst v63  }
0x171: {  	_ =	swait.ge [sflag:s18], $0x1400  }
0x172: {  	s11 =	sld [smem:$0x7FB]  }
0x173: {  	[sflag:s18] =	ssyncset.done $0x0  }
0x174: {  	[sflag:s18] =	ssyncadd.s32 $0xFFFFEC00  }
0x175: {  	[tilespmem:s0], [sflag:$0x5] =	stream.linear.gather [spmem:s11], $0x1400, $0x38;
	[tilespmem:$0x1DC80] =	vst v63  }
0x176: {  	_ =	swait.ge [sflag:s4], $0x1400  }
0x177: {  	[sflag:s4] =	ssyncset.done $0x0  }
0x178: {  	s7 =	rddreg [dreg:$0xc];
	[sflag:s4] =	ssyncadd.s32 $0xFFFFEC00  }
0x179: {  	[hbm4b:s7+s1] =	stream.linear.scatter [tilespmem:s0], [sflag:$0x4], $0x1400, $0x38;
	[tilespmem:$0x1DC80] =	vst v63  }
0x17a: {  	_ =	swait.ge [sflag:s18], $0x1400  }
0x17b: {  	[sflag:s18] =	ssyncset.done $0x0  }
0x17c: {  	[sflag:s18] =	ssyncadd.s32 $0xFFFFEC00  }
0x17d: {  	[tilespmem:s0], [sflag:$0x5] =	stream.linear.gather [spmem:s13], $0x1400, $0x38;
	[tilespmem:$0x1DC80] =	vst v63  }
0x17e: {  	_ =	swait.ge [sflag:s4], $0x1400  }
0x17f: {  	[sflag:s4] =	ssyncset.done $0x0  }
0x180: {  	s8 =	rddreg [dreg:$0xd];
	[sflag:s4] =	ssyncadd.s32 $0xFFFFEC00  }
0x181: {  	[hbm4b:s8+s1] =	stream.linear.scatter [tilespmem:s0], [sflag:$0x4], $0x1400, $0x38;
	[tilespmem:$0x1DC80] =	vst v63  }
0x182: {  	_ =	swait.ge [sflag:s18], $0x1400  }
0x183: {  	[sflag:s18] =	ssyncset.done $0x0  }
0x184: {  	s6 =	simm.s32 @!p0 $0x12B00;
	s7 =	simm.s32 @!p0 $0x5;
	[sflag:s18] =	ssyncadd.s32 $0xFFFFEC00  }
0x185: {  	[tilespmem:s6], [sflag:$0x5] =	stream.linear.gather @!p0 [spmem:s15], $0x1400, $0x38;
	[tilespmem:$0x1DC80] =	vst v63  }
0x186: {  	_ =	swait.ge @!p0 [sflag:s7], $0x1400  }
0x187: {  	[sflag:s7] =	ssyncset.done @!p0 $0x0  }
0x188: {  	s8 =	rddreg [dreg:$0xe];
	[sflag:s7] =	ssyncadd.s32 @!p0 $0xFFFFEC00;
	s7 =	simm.s32 @!p0 $0x0  }
0x189: {  	[hbm4b:s8+s7] =	stream.linear.scatter @!p0 [tilespmem:s6], [sflag:$0x4], $0x1400, $0x38;
	[tilespmem:$0x1DC80] =	vst v63  }
0x18a: {  	s6 =	simm.s32 @!p0 $0x4  }
0x18b: {  	_ =	swait.ge @!p0 [sflag:s6], $0x1400  }
0x18c: {  	[sflag:s6] =	ssyncset.done @!p0 $0x0  }
0x18d: {  	[sflag:s6] =	ssyncadd.s32 @!p0 $0xFFFFEC00  }
0x18e: {  	[bflag:$0x0] =	sbarrier.arrive $0xFFFF  }
0x18f: {  	s9 =	rddreg [dreg:$0x1f]  }
0x190: {  	[spmem:s9] =	stream.linear.scatter [tilespmem:s16], [sflag:$0x4], $0x2800, $0x38;
	[tilespmem:$0x1DC80] =	vst v63  }
0x191: {  	_ =	swait.ge [sflag:s18], $0x2800  }
0x192: {  	s10 =	sld [smem:$0x7F4]  }
0x193: {  	[sflag:s18] =	ssyncset.done $0x0  }
0x194: {  	[sflag:s18] =	ssyncadd.s32 $0xFFFFD800  }
0x195: {  	[spmem:s10] =	stream.linear.scatter [tilespmem:s16], [sflag:$0x4], $0x2800, $0x38;
	[tilespmem:$0x1DC80] =	vst v63  }
0x196: {  	_ =	swait.ge [sflag:s18], $0x2800  }
0x197: {  	s11 =	sld [smem:$0x7F5]  }
0x198: {  	[sflag:s18] =	ssyncset.done $0x0  }
0x199: {  	[sflag:s18] =	ssyncadd.s32 $0xFFFFD800  }
0x19a: {  	[spmem:s11] =	stream.linear.scatter [tilespmem:s16], [sflag:$0x4], $0x2800, $0x38;
	[tilespmem:$0x1DC80] =	vst v63  }
0x19b: {  	_ =	swait.ge [sflag:s18], $0x2800  }
0x19c: {  	s7 =	sld [smem:$0x7F6]  }
0x19d: {  	[sflag:s18] =	ssyncset.done $0x0  }
0x19e: {  	s6 =	simm.s32 @!p1 $0x10300;
	[sflag:s18] =	ssyncadd.s32 $0xFFFFD800  }
0x19f: {  	[spmem:s7] =	stream.linear.scatter @!p1 [tilespmem:s6], [sflag:$0x4], $0x2800, $0x38;
	[tilespmem:$0x1DC80] =	vst v63  }
0x1a0: {  	s6 =	simm.s32 @!p1 $0x4  }
0x1a1: {  	_ =	swait.ge @!p1 [sflag:s6], $0x2800  }
0x1a2: {  	[sflag:s6] =	ssyncset.done @!p1 $0x0  }
0x1a3: {  	s7 =	simm.s32 $0x200;
	[sflag:s6] =	ssyncadd.s32 @!p1 $0xFFFFD800;
	s6 =	simm.s32 $0x0  }
.LBB2_9:
0x1a4: {  	p3 =	sne.s32 s7, $0xFE00;
	[tilespmem:s6+$0x4370] =	vst v2  }
0x1a5: {  	[tilespmem:s6+$0x300] =	vst v2  }
0x1a6: {  	[tilespmem:s6+$0x4300] =	vst v2  }
0x1a7: {  	[tilespmem:s6+$0x310] =	vst v2  }
0x1a8: {  	[tilespmem:s6+$0x4310] =	vst v2  }
0x1a9: {  	[tilespmem:s6+$0x320] =	vst v2  }
0x1aa: {  	[tilespmem:s6+$0x4320] =	vst v2  }
0x1ab: {  	[tilespmem:s6+$0x330] =	vst v2  }
0x1ac: {  	[tilespmem:s6+$0x4330] =	vst v2  }
0x1ad: {  	[tilespmem:s6+$0x340] =	vst v2  }
0x1ae: {  	[tilespmem:s6+$0x4340] =	vst v2  }
.Ltmp6:
0x1af: {  	[tilespmem:s6+$0x350] =	vst v2;
	(pc) =	sbr.rel @p3 .LBB2_9-.Ltmp6, $4  }
0x1b0: {  	[tilespmem:s6+$0x4350] =	vst v2  }
0x1b1: {  	[tilespmem:s6+$0x360] =	vst v2  }
0x1b2: {  	[tilespmem:s6+$0x4360] =	vst v2  }
0x1b3: {  	[tilespmem:s6+$0x370] =	vst v2;
	s6 =	sshra.s32 s7, $0x2;
	s7 =	sadd.s32 $0x200, s7  }
0x1b4: {  	[tilespmem:s6+$0x4370] =	vst v2  }
0x1b5: {  	[tilespmem:s6+$0x300] =	vst v2  }
0x1b6: {  	[tilespmem:s6+$0x4300] =	vst v2  }
0x1b7: {  	[tilespmem:s6+$0x310] =	vst v2  }
0x1b8: {  	[tilespmem:s6+$0x4310] =	vst v2  }
0x1b9: {  	[tilespmem:s6+$0x320] =	vst v2  }
0x1ba: {  	[tilespmem:s6+$0x4320] =	vst v2  }
0x1bb: {  	[tilespmem:s6+$0x330] =	vst v2  }
0x1bc: {  	[tilespmem:s6+$0x4330] =	vst v2  }
0x1bd: {  	[tilespmem:s6+$0x340] =	vst v2  }
0x1be: {  	[tilespmem:s6+$0x4340] =	vst v2  }
0x1bf: {  	[tilespmem:s6+$0x350] =	vst v2  }
0x1c0: {  	[tilespmem:s6+$0x4350] =	vst v2  }
0x1c1: {  	[tilespmem:s6+$0x360] =	vst v2  }
0x1c2: {  	[tilespmem:s6+$0x4360] =	vst v2  }
0x1c3: {  	[tilespmem:s6+$0x370] =	vst v2  }
0x1c4: {  	[tilespmem:$0x200] =	vst v3  }
0x1c5: {  	[tilespmem:$0x210] =	vst v3  }
0x1c6: {  	[tilespmem:$0x220] =	vst v3  }
0x1c7: {  	[tilespmem:$0x230] =	vst v3  }
0x1c8: {  	[tilespmem:$0x240] =	vst v3  }
0x1c9: {  	[tilespmem:$0x250] =	vst v3  }
0x1ca: {  	[tilespmem:$0x260] =	vst v3  }
0x1cb: {  	[tilespmem:$0x270] =	vst v3  }
0x1cc: {  	[tilespmem:$0x280] =	vst v3  }
0x1cd: {  	[tilespmem:$0x290] =	vst v3  }
0x1ce: {  	[tilespmem:$0x2A0] =	vst v3  }
0x1cf: {  	[tilespmem:$0x2B0] =	vst v3  }
0x1d0: {  	[tilespmem:$0x2C0] =	vst v3  }
0x1d1: {  	[tilespmem:$0x2D0] =	vst v3  }
0x1d2: {  	[tilespmem:$0x2E0] =	vst v3  }
0x1d3: {  	[tilespmem:$0x2F0] =	vst v3  }
0x1d4: {  	[bflag:$0x0] =	sbarrier.arrive $0xFFFF  }
0x1d5: {  	s6 =	simm.s32 $0x0;
	s8 =	simm.s32 $0x100;
	s7 =	rddreg [dreg:$0x17]  }
0x1d6: {  	[tilespmem:s8], [sflag:$0x3] =	stream.linear.gather [hbm4b:s7+s6], $0x80, $0x38;
	[tilespmem:$0x1DC80] =	vst v63  }
0x1d7: {  	s11 =	simm.s32 $0x8300;
	s10 =	rddreg [dreg:$0x1a]  }
0x1d8: {  	[tilespmem:s11], [sflag:$0x3] =	stream.linear.gather [hbm4b:s10+s6], $0x4000, $0x38;
	[tilespmem:$0x1DC80] =	vst v63  }
0x1d9: {  	s9 =	rddreg [dreg:$0x19]  }
0x1da: {  	[tilespmem:s30], [sflag:$0x3] =	stream.linear.gather [hbm4b:s9+s6], $0x80, $0x38;
	[tilespmem:$0x1DC80] =	vst v63  }
0x1db: {  	s10 =	rddreg [dreg:$0x1b];
	s11 =	simm.s32 $0xC300  }
0x1dc: {  	[tilespmem:s11], [sflag:$0x3] =	stream.linear.gather [hbm4b:s10+s6], $0x4000, $0x38;
	[tilespmem:$0x1DC80] =	vst v63  }
.LBB2_11:
0x1dd: {  	_ =	swait.ge [sflag:s31], $0x80  }
0x1de: {  	[sflag:s31] =	ssyncset.done $0x0  }
0x1df: {  	[sflag:s31] =	ssyncadd.s32 $0xFFFFFF80  }
0x1e0: {  	_ =	swait.ge [sflag:s31], $0x4000  }
0x1e1: {  	[sflag:s31] =	ssyncset.done $0x0  }
0x1e2: {  	s7 =	simm.s32 $0x0;
	[sflag:s31] =	ssyncadd.s32 $0xFFFFC000  }
0x1e3: {  	s8 =	simm.s32 $0x200;
	v4 =	vld [tilespmem:s7+$0x8300]  }
.LBB2_12:
0x1e4: {  	p3 =	sne.s32 s8, $0xFE00  }
.Ltmp7:
0x1e5: {  	_ = 	snop;
	(pc) =	sbr.rel @p3 .LBB2_12-.Ltmp7, $3  }
0x1e6: {  	_ =	sdelay $0x1  }
0x1e7: {  	[tilespmem:s7+$0x300] =	vst v4;
	s7 =	sshra.s32 s8, $0x2;
	s8 =	sadd.s32 $0x200, s8  }
0x1e8: {  	v4 =	vld [tilespmem:s7+$0x8300]  }
0x1e9: {  	_ =	sdelay $0x3  }
0x1ea: {  	[tilespmem:s7+$0x300] =	vst v4  }
0x1eb: {  	v4 =	vld [tilespmem:$0x100]  }
0x1ec: {  	v5 =	vld [tilespmem:$0x110]  }
0x1ed: {  	v6 =	vld [tilespmem:$0x120]  }
0x1ee: {  	v7 =	vld [tilespmem:$0x130]  }
0x1ef: {  	v8 =	vld [tilespmem:$0x140]  }
0x1f0: {  	v9 =	vld [tilespmem:$0x150]  }
0x1f1: {  	v10 =	vld [tilespmem:$0x160];
	vm0 =	vge.s32 v4, v0;
	vm1 =	vlt.s32 v4, v1;
	v4 =	vsub.s32 v4, v0  }
0x1f2: {  	vm12 =	vge.s32 v5, v0;
	vm2 =	vlt.s32 v5, v1;
	v5 =	vsub.s32 v5, v0  }
0x1f3: {  	vm14 =	vge.s32 v6, v0;
	vm15 =	vlt.s32 v6, v1;
	vm4 =	vge.s32 v7, v0  }
0x1f4: {  	vm5 =	vlt.s32 v7, v1;
	v6 =	vsub.s32 v6, v0;
	v7 =	vsub.s32 v7, v0  }
0x1f5: {  	vm6 =	vge.s32 v8, v0;
	vm7 =	vlt.s32 v8, v1;
	vm8 =	vge.s32 v9, v0  }
0x1f6: {  	v11 =	vld [tilespmem:$0x170];
	vm3 =	vlt.s32 v9, v1;
	vm10 =	vge.s32 v10, v0;
	vm0 =	vmand vm0, vm1  }
0x1f7: {  	vm11 =	vlt.s32 v10, v1;
	vm13 =	vmand vm12, vm2;
	v4 =	vnsel vm0, $0x1388, v4  }
0x1f8: {  	vm1 =	vmand vm4, vm5;
	vm9 =	vmand vm8, vm3;
	v5 =	vnsel vm13, $0x1388, v5;
	[tilespmem:$0x200] =	vst v4  }
0x1f9: {  	vm12 =	vmand vm10, vm11;
	vm0 =	vmand vm14, vm15;
	v7 =	vnsel vm1, $0x1388, v7;
	[tilespmem:$0x210] =	vst v5  }
0x1fa: {  	v6 =	vnsel vm0, $0x1388, v6;
	vm0 =	vmand vm6, vm7;
	v4 =	vsub.s32 v8, v0;
	[tilespmem:$0x230] =	vst v7  }
0x1fb: {  	vm13 =	vge.s32 v11, v0;
	v5 =	vsub.s32 v9, v0;
	[tilespmem:$0x220] =	vst v6;
	v4 =	vnsel vm0, $0x1388, v4  }
0x1fc: {  	p3 =	seq.s32 s6, $0x4D;
	s7 =	sshll.u32 s6, $0x5;
	vm14 =	vlt.s32 v11, v1;
	v5 =	vnsel vm9, $0x1388, v5;
	[tilespmem:$0x240] =	vst v4;
	v4 =	vsub.s32 v10, v0  }
0x1fd: {  	s8 =	sadd.s32 @!p3 s2, s7;
	vm15 =	vmand vm13, vm14;
	[tilespmem:$0x250] =	vst v5;
	v5 =	vsub.s32 v11, v0;
	v4 =	vnsel vm12, $0x1388, v4  }
0x1fe: {  	s10 =	simm.s32 @!p3 $0x0;
	s9 =	sshll.u32 @!p3 s8, $0x5;
	[tilespmem:$0x260] =	vst v4;
	v4 =	vnsel vm15, $0x1388, v5  }
0x1ff: {  	s11 =	simm.s32 @!p3 $0x100;
	s8 =	sshll.u32 @!p3 s8, $0xB;
	s9 =	sadd.s32 @!p3 s9, s25;
	[tilespmem:$0x270] =	vst v4  }
0x200: {  	[tilespmem:s11], [sflag:$0x3] =	stream.linear.gather @!p3 [hbm4b:s9+s10], $0x80, $0x38;
	[tilespmem:$0x1DC80] =	vst v63  }
0x201: {  	s8 =	sadd.s32 @!p3 s23, s8;
	s9 =	simm.s32 @!p3 $0x8300  }
0x202: {  	[tilespmem:s9], [sflag:$0x3] =	stream.linear.gather @!p3 [hbm4b:s8+s10], $0x4000, $0x38;
	[tilespmem:$0x1DC80] =	vst v63  }
0x203: {  	_ = 	snop  }
0x204: {  	[spmem:s20] =	stream.indirect.scatter.add.f32 [tilespmem:s22], [sflag:$0x4], $0x80, s21, s19, $0xb8;
	[tilespmem:$0x1DC80] =	vst v63  }
0x205: {  	_ =	swait.ge [sflag:s18], $0x4000  }
0x206: {  	[sflag:s18] =	ssyncset.done $0x0  }
0x207: {  	[sflag:s18] =	ssyncadd.s32 $0xFFFFC000  }
0x208: {  	_ =	swait.ge [sflag:s31], $0x80  }
0x209: {  	[sflag:s31] =	ssyncset.done $0x0  }
0x20a: {  	[sflag:s31] =	ssyncadd.s32 $0xFFFFFF80  }
0x20b: {  	_ =	swait.ge [sflag:s31], $0x4000  }
0x20c: {  	[sflag:s31] =	ssyncset.done $0x0  }
0x20d: {  	s8 =	simm.s32 $0x0;
	[sflag:s31] =	ssyncadd.s32 $0xFFFFC000  }
0x20e: {  	s9 =	simm.s32 $0x200;
	v4 =	vld [tilespmem:s8+$0xC300]  }
.LBB2_14:
0x20f: {  	p4 =	sne.s32 s9, $0xFE00  }
.Ltmp8:
0x210: {  	_ = 	snop;
	(pc) =	sbr.rel @p4 .LBB2_14-.Ltmp8, $3  }
0x211: {  	_ =	sdelay $0x1  }
0x212: {  	[tilespmem:s8+$0x4300] =	vst v4;
	s8 =	sshra.s32 s9, $0x2;
	s9 =	sadd.s32 $0x200, s9  }
0x213: {  	v4 =	vld [tilespmem:s8+$0xC300]  }
0x214: {  	_ =	sdelay $0x3  }
0x215: {  	[tilespmem:s8+$0x4300] =	vst v4  }
0x216: {  	v4 =	vld [tilespmem:$0x180]  }
0x217: {  	v5 =	vld [tilespmem:$0x190]  }
0x218: {  	v6 =	vld [tilespmem:$0x1A0]  }
0x219: {  	v7 =	vld [tilespmem:$0x1B0]  }
0x21a: {  	v8 =	vld [tilespmem:$0x1C0]  }
0x21b: {  	v9 =	vld [tilespmem:$0x1D0]  }
0x21c: {  	v10 =	vld [tilespmem:$0x1E0];
	vm0 =	vge.s32 v4, v0;
	vm1 =	vlt.s32 v4, v1;
	v4 =	vsub.s32 v4, v0  }
0x21d: {  	vm12 =	vge.s32 v5, v0;
	vm2 =	vlt.s32 v5, v1;
	v5 =	vsub.s32 v5, v0  }
0x21e: {  	vm14 =	vge.s32 v6, v0;
	vm15 =	vlt.s32 v6, v1;
	vm4 =	vge.s32 v7, v0  }
0x21f: {  	vm5 =	vlt.s32 v7, v1;
	v6 =	vsub.s32 v6, v0;
	v7 =	vsub.s32 v7, v0  }
0x220: {  	vm6 =	vge.s32 v8, v0;
	vm7 =	vlt.s32 v8, v1;
	vm8 =	vge.s32 v9, v0  }
0x221: {  	v11 =	vld [tilespmem:$0x1F0];
	vm3 =	vlt.s32 v9, v1;
	vm10 =	vge.s32 v10, v0;
	vm0 =	vmand vm0, vm1  }
0x222: {  	vm11 =	vlt.s32 v10, v1;
	vm13 =	vmand vm12, vm2;
	v4 =	vnsel vm0, $0x1388, v4  }
0x223: {  	vm1 =	vmand vm4, vm5;
	vm9 =	vmand vm8, vm3;
	v5 =	vnsel vm13, $0x1388, v5;
	[tilespmem:$0x280] =	vst v4  }
0x224: {  	vm12 =	vmand vm10, vm11;
	vm0 =	vmand vm14, vm15;
	v7 =	vnsel vm1, $0x1388, v7;
	[tilespmem:$0x290] =	vst v5  }
0x225: {  	v6 =	vnsel vm0, $0x1388, v6;
	vm0 =	vmand vm6, vm7;
	v4 =	vsub.s32 v8, v0;
	[tilespmem:$0x2B0] =	vst v7  }
0x226: {  	vm13 =	vge.s32 v11, v0;
	v5 =	vsub.s32 v9, v0;
	[tilespmem:$0x2A0] =	vst v6;
	v4 =	vnsel vm0, $0x1388, v4  }
0x227: {  	vm14 =	vlt.s32 v11, v1;
	v5 =	vnsel vm9, $0x1388, v5;
	[tilespmem:$0x2C0] =	vst v4;
	v4 =	vsub.s32 v10, v0  }
0x228: {  	s7 =	sadd.s32 @!p3 s3, s7;
	vm15 =	vmand vm13, vm14;
	[tilespmem:$0x2D0] =	vst v5;
	v5 =	vsub.s32 v11, v0;
	v4 =	vnsel vm12, $0x1388, v4  }
0x229: {  	s9 =	simm.s32 @!p3 $0x0;
	s8 =	sshll.u32 @!p3 s7, $0x5;
	[tilespmem:$0x2E0] =	vst v4;
	v4 =	vnsel vm15, $0x1388, v5  }
0x22a: {  	s10 =	simm.s32 @!p3 $0x180;
	s7 =	sshll.u32 @!p3 s7, $0xB;
	s8 =	sadd.s32 @!p3 s8, s25;
	[tilespmem:$0x2F0] =	vst v4  }
0x22b: {  	[tilespmem:s10], [sflag:$0x3] =	stream.linear.gather @!p3 [hbm4b:s8+s9], $0x80, $0x38;
	[tilespmem:$0x1DC80] =	vst v63  }
0x22c: {  	s6 =	sadd.s32 $0x1, s6;
	s7 =	sadd.s32 @!p3 s23, s7;
	s8 =	simm.s32 @!p3 $0xC300  }
0x22d: {  	[tilespmem:s8], [sflag:$0x3] =	stream.linear.gather @!p3 [hbm4b:s7+s9], $0x4000, $0x38;
	[tilespmem:$0x1DC80] =	vst v63  }
0x22e: {  	p3 =	sne.s32 s6, $0x4E  }
.Ltmp9:
0x22f: {  	_ = 	snop;
	(pc) =	sbr.rel @p3 .LBB2_11-.Ltmp9, $4  }
0x230: {  	[spmem:s20] =	stream.indirect.scatter.add.f32 [tilespmem:s28], [sflag:$0x4], $0x80, s29, s19, $0xb8;
	[tilespmem:$0x1DC80] =	vst v63  }
0x231: {  	_ =	swait.ge [sflag:s18], $0x4000  }
0x232: {  	[sflag:s18] =	ssyncset.done $0x0  }
0x233: {  	[sflag:s18] =	ssyncadd.s32 $0xFFFFC000  }
.Ltmp10:
0x234: {  	(pc) =	sbr.rel @p2 .LBB2_20-.Ltmp10, $2  }
0x235: {  	_ =	sdelay $0x2  }
0x236: {  	s10 =	smov.u32 s12  }
0x237: {  	s6 =	simm.s32 $0x0;
	s7 =	rddreg [dreg:$0x1c];
	s8 =	simm.s32 $0x100  }
0x238: {  	[tilespmem:s8], [sflag:$0x4] =	stream.linear.gather [hbm4b:s7+s6], $0x80, $0x38;
	[tilespmem:$0x1DC80] =	vst v63  }
0x239: {  	_ =	swait.ge [sflag:s18], $0x80  }
0x23a: {  	[sflag:s18] =	ssyncset.done $0x0  }
0x23b: {  	s12 =	simm.s32 $0x8300;
	s11 =	rddreg [dreg:$0x1d];
	[sflag:s18] =	ssyncadd.s32 $0xFFFFFF80  }
0x23c: {  	[tilespmem:s12], [sflag:$0x3] =	stream.linear.gather [hbm4b:s11+s6], $0x4000, $0x38;
	[tilespmem:$0x1DC80] =	vst v63  }
0x23d: {  	_ =	swait.ge [sflag:s31], $0x4000  }
0x23e: {  	[sflag:s31] =	ssyncset.done $0x0  }
0x23f: {  	s6 =	simm.s32 $0x0;
	[sflag:s31] =	ssyncadd.s32 $0xFFFFC000  }
0x240: {  	s7 =	simm.s32 $0x200;
	v4 =	vld [tilespmem:s6+$0x8300]  }
.LBB2_18:
0x241: {  	p3 =	sne.s32 s7, $0xFE00  }
.Ltmp11:
0x242: {  	_ = 	snop;
	(pc) =	sbr.rel @p3 .LBB2_18-.Ltmp11, $3  }
0x243: {  	_ =	sdelay $0x1  }
0x244: {  	[tilespmem:s6+$0x300] =	vst v4;
	s6 =	sshra.s32 s7, $0x2;
	s7 =	sadd.s32 $0x200, s7  }
0x245: {  	v4 =	vld [tilespmem:s6+$0x8300]  }
0x246: {  	_ =	sdelay $0x3  }
0x247: {  	[tilespmem:s6+$0x300] =	vst v4  }
0x248: {  	v4 =	vld [tilespmem:$0x100]  }
0x249: {  	v5 =	vld [tilespmem:$0x110]  }
0x24a: {  	v6 =	vld [tilespmem:$0x120]  }
0x24b: {  	v7 =	vld [tilespmem:$0x130]  }
0x24c: {  	v8 =	vld [tilespmem:$0x140]  }
0x24d: {  	v9 =	vld [tilespmem:$0x150]  }
0x24e: {  	v10 =	vld [tilespmem:$0x160];
	vm0 =	vge.s32 v4, v0;
	vm1 =	vlt.s32 v4, v1;
	v4 =	vsub.s32 v4, v0  }
0x24f: {  	vm12 =	vge.s32 v5, v0;
	vm2 =	vlt.s32 v5, v1;
	v5 =	vsub.s32 v5, v0  }
0x250: {  	vm14 =	vge.s32 v6, v0;
	vm15 =	vlt.s32 v6, v1;
	vm4 =	vge.s32 v7, v0  }
0x251: {  	vm5 =	vlt.s32 v7, v1;
	v6 =	vsub.s32 v6, v0;
	v7 =	vsub.s32 v7, v0  }
0x252: {  	vm6 =	vge.s32 v8, v0;
	vm7 =	vlt.s32 v8, v1;
	vm8 =	vge.s32 v9, v0  }
0x253: {  	v11 =	vld [tilespmem:$0x170];
	vm3 =	vlt.s32 v9, v1;
	vm10 =	vge.s32 v10, v0;
	vm0 =	vmand vm0, vm1  }
0x254: {  	vm11 =	vlt.s32 v10, v1;
	vm13 =	vmand vm12, vm2;
	v4 =	vnsel vm0, $0x1388, v4  }
0x255: {  	vm1 =	vmand vm4, vm5;
	vm9 =	vmand vm8, vm3;
	v5 =	vnsel vm13, $0x1388, v5;
	[tilespmem:$0x200] =	vst v4  }
0x256: {  	vm12 =	vmand vm10, vm11;
	vm0 =	vmand vm14, vm15;
	v7 =	vnsel vm1, $0x1388, v7;
	[tilespmem:$0x210] =	vst v5  }
0x257: {  	v6 =	vnsel vm0, $0x1388, v6;
	vm0 =	vmand vm6, vm7;
	v4 =	vsub.s32 v8, v0;
	[tilespmem:$0x230] =	vst v7  }
0x258: {  	vm13 =	vge.s32 v11, v0;
	v5 =	vsub.s32 v9, v0;
	[tilespmem:$0x220] =	vst v6;
	v4 =	vnsel vm0, $0x1388, v4  }
0x259: {  	vm14 =	vlt.s32 v11, v1;
	v5 =	vnsel vm9, $0x1388, v5;
	[tilespmem:$0x240] =	vst v4;
	v4 =	vsub.s32 v10, v0  }
0x25a: {  	vm15 =	vmand vm13, vm14;
	[tilespmem:$0x250] =	vst v5;
	v5 =	vsub.s32 v11, v0;
	v4 =	vnsel vm12, $0x1388, v4  }
0x25b: {  	[tilespmem:$0x260] =	vst v4;
	v4 =	vnsel vm15, $0x1388, v5  }
.Ltmp12:
0x25c: {  	[tilespmem:$0x270] =	vst v4;
	(pc) =	sbr.rel .LBB2_20-.Ltmp12, $4  }
0x25d: {  	[spmem:s20] =	stream.indirect.scatter.add.f32 [tilespmem:s22], [sflag:$0x4], $0x80, s21, s19, $0xb8;
	[tilespmem:$0x1DC80] =	vst v63  }
0x25e: {  	_ =	swait.ge [sflag:s18], $0x4000  }
0x25f: {  	[sflag:s18] =	ssyncset.done $0x0  }
0x260: {  	[sflag:s18] =	ssyncadd.s32 $0xFFFFC000  }
.LBB2_21:
0x261: {  	_ =	sfence.sel $0x180000  }
0x262: {  	[bflag:$0x0] =	sbarrier.arrive $0xFFFF  }
0x263: {  	_ =	strace $0x90000047  }
0x264: {  	s0 =	stileid.u32;
	[bflag:$0x2] =	sbarrier.arrive $0xFFFF  }
0x265: {  	p0 =	sne.s32 s0, $0x0;
	s0 =	rddreg [dreg:$0x6]  }
0x266: {  	s0 =	sadd.s32 @!p0 $0x100000, s0  }
0x267: {  	[sflag:s0] =	ssyncadd.tile.s32 @!p0 $0x1;
	_ =	shalt  }
.Lfunc_end2:
_tile_overlayer_lowered:
.L_overlay_start_2:
0x268: {  	(tag) =	ssettag $0x2  }
0x269: {  	s0 =	rddreg [dreg:$0x0];
	s2 =	stileid.u32  }
0x26a: {  	s1 =	rddreg [dreg:$0x1];
	p0 =	sne.s32 s2, $0x0  }
0x26b: {  	s3 =	rddreg [dreg:$0x2];
	[bflag:$0x3] =	sbarrier.arrive $0xFFFF;
	s2 =	simm.s32 @!p0 $0x1C04  }
0x26c: {  	[timem:s3], [sflag:s2] =	dma.local @!p0 [hbm:s0], s1  }
0x26d: {  	s0 =	simm.s32 @!p0 $0x4  }
0x26e: {  	_ =	swait.ge @!p0 [sflag:s0], s1  }
0x26f: {  	s1 =	ssub.s32 @!p0 $0x0, s1;
	[sflag:s0] =	ssyncset.done @!p0 $0x0  }
0x270: {  	[sflag:s0] =	ssyncadd.s32 @!p0 s1  }
0x271: {  	[bflag:$0x3] =	sbarrier.arrive $0xFFFF  }
0x272: {  	_ =	shalt  }

</sc_bundles>
